<compile_context>
chip_gen: v7x
topology: tpu7x:2x2x1
jax: 0.10.2.dev20260603
libtpu: 0.0.44.dev20260713+nightly
codegen_flags: <defaults>
</compile_context>

<pallas_src>
import functools

import jax
import jax.numpy as jnp
from jax import lax
from jax.experimental import pallas as pl
from jax.experimental.pallas import tpu as pltpu
from jax.experimental.pallas import tpu_sc as plsc

N_NODES = 10000
N_EDGES = 320000
F = 128
H = 8
D = 16

NC = 2
NS = 16
NW = NC * NS
CHUNK = 32
N_CHUNKS = N_EDGES // CHUNK
MAX_ITERS = (N_CHUNKS + NW - 1) // NW
N_PAIRS = (MAX_ITERS + 1) // 2
ROWC = 16
N_WV_CHUNKS = N_NODES // ROWC
ZROWS = 1280
N_Z_CHUNKS = ZROWS // ROWC


def _proj_kernel(x_ref, w_ref, b_ref, o_ref):
    o_ref[...] = (
        jnp.dot(x_ref[...], w_ref[...], preferred_element_type=jnp.float32)
        + b_ref[...]
    )


def _project(x, w, b, block_rows):
    rows = x.shape[0]
    cols = w.shape[1]
    grid = rows // block_rows
    return pl.pallas_call(
        _proj_kernel,
        grid=(grid,),
        in_specs=[
            pl.BlockSpec((block_rows, x.shape[1]), lambda i: (i, 0)),
            pl.BlockSpec((w.shape[0], cols), lambda i: (0, 0)),
            pl.BlockSpec((1, cols), lambda i: (0, 0)),
        ],
        out_specs=pl.BlockSpec((block_rows, cols), lambda i: (i, 0)),
        out_shape=jax.ShapeDtypeStruct((rows, cols), jnp.float32),
    )(x, w, b)


def _proj3_kernel(x_ref, w_ref, b_ref, q_ref, k_ref, v_ref):
    r = (
        jnp.dot(x_ref[...], w_ref[...], preferred_element_type=jnp.float32)
        + b_ref[...]
    )
    q_ref[...] = r[:, :F]
    k_ref[...] = r[:, F:2 * F]
    v_ref[...] = r[:, 2 * F:]


def _project3(x, w, b, block_rows):
    rows = x.shape[0]
    grid = rows // block_rows
    out = jax.ShapeDtypeStruct((rows, F), jnp.float32)
    return pl.pallas_call(
        _proj3_kernel,
        grid=(grid,),
        in_specs=[
            pl.BlockSpec((block_rows, x.shape[1]), lambda i: (i, 0)),
            pl.BlockSpec((w.shape[0], 3 * F), lambda i: (0, 0)),
            pl.BlockSpec((1, 3 * F), lambda i: (0, 0)),
        ],
        out_specs=[
            pl.BlockSpec((block_rows, F), lambda i: (i, 0)),
            pl.BlockSpec((block_rows, F), lambda i: (i, 0)),
            pl.BlockSpec((block_rows, F), lambda i: (i, 0)),
        ],
        out_shape=[out, out, out],
    )(x, w, b)


def _combine_kernel(wv_ref, z_ref, o_ref):
    wv = wv_ref[0] + wv_ref[1]
    z = z_ref[0, :, :H] + z_ref[1, :, :H]
    zr = jnp.repeat(z + 1e-6, D, axis=1)
    o_ref[...] = wv / zr


def _combine(wvp, z16, block_rows):
    grid = N_NODES // block_rows
    return pl.pallas_call(
        _combine_kernel,
        grid=(grid,),
        in_specs=[
            pl.BlockSpec((2, block_rows, F), lambda i: (0, i, 0)),
            pl.BlockSpec((2, block_rows, 16), lambda i: (0, i, 0)),
        ],
        out_specs=pl.BlockSpec((block_rows, F), lambda i: (i, 0)),
        out_shape=jax.ShapeDtypeStruct((N_NODES, F), jnp.float32),
    )(wvp, z16)


_GATHER_DN = lax.GatherDimensionNumbers(
    offset_dims=(), collapsed_slice_dims=(0,), start_index_map=(0,)
)


def _lane_take(v, idx):
    return lax.gather(
        v, idx[:, None], _GATHER_DN, slice_sizes=(1,),
        mode=lax.GatherScatterMode.PROMISE_IN_BOUNDS,
    )


def _sc_edge_body(
    k_hbm, q_hbm, v_hbm, ef_hbm, src_hbm, dst_hbm,
    eout_hbm, wvp_hbm, zp_hbm,
    srcv0, srcv1, dstv0, dstv1, dsts0, dsts1, zrow0, zrow1, slot0, slot1,
    kr0, kr1, qr0, qr1, vr0, vr1, efr0, efr1, sums,
    wv_acc, z_acc,
    semk0, semk1, semq0, semq1, semv0, semv1, seme0, seme1, semi0, semi1,
    semo0, semo1, semw0, semw1, semz0, semz1,
):
    srcv = [srcv0, srcv1]
    dstv = [dstv0, dstv1]
    dsts = [dsts0, dsts1]
    zrow = [zrow0, zrow1]
    slotv = [slot0, slot1]
    kr = [kr0, kr1]
    qr = [qr0, qr1]
    vr = [vr0, vr1]
    efr = [efr0, efr1]
    semk = [semk0, semk1]
    semq = [semq0, semq1]
    semv = [semv0, semv1]
    seme = [seme0, seme1]
    semi = [semi0, semi1]
    semo = [semo0, semo1]
    semw = [semw0, semw1]
    semz = [semz0, semz1]

    c = lax.axis_index("c")
    s = lax.axis_index("s")
    wid = s * NC + c

    zero16 = jnp.zeros((16,), jnp.float32)
    lane = lax.iota(jnp.int32, 16)
    last = jnp.full((16,), 15, jnp.int32)

    def _zero_sums(j, carry):
        sums[j // 8, pl.ds((j % 8) * 16, 16)] = zero16
        return carry

    lax.fori_loop(0, CHUNK * 8, _zero_sums, 0)

    def _row_chunks(n_chunks, fn):
        def _body(j, cy):
            idx = s + NS * j

            @pl.when(idx < n_chunks)
            def _():
                fn(idx * ROWC)

            return cy

        lax.fori_loop(0, (n_chunks + NS - 1) // NS, _body, 0)

    _row_chunks(
        N_WV_CHUNKS,
        lambda r: pltpu.sync_copy(
            sums.at[pl.ds(0, ROWC)], wv_acc.at[pl.ds(r, ROWC)]
        ),
    )
    _row_chunks(
        N_Z_CHUNKS,
        lambda r: pltpu.sync_copy(
            sums.at[pl.ds(0, ROWC)], z_acc.at[pl.ds(r, ROWC)]
        ),
    )
    plsc.subcore_barrier()

    def _idx_issue(b, base):
        pltpu.async_copy(src_hbm.at[pl.ds(base, CHUNK)], srcv[b], semi[b])
        pltpu.async_copy(dst_hbm.at[pl.ds(base, CHUNK)], dstv[b], semi[b])

    def _idx_wait(b, base):
        pltpu.make_async_copy(
            src_hbm.at[pl.ds(base, CHUNK)], srcv[b], semi[b]
        ).wait()
        pltpu.make_async_copy(
            dst_hbm.at[pl.ds(base, CHUNK)], dstv[b], semi[b]
        ).wait()

    def _zrow_slot(b):
        for t in range(CHUNK // 16):
            sl = pl.ds(t * 16, 16)
            d16 = dstv[b][sl]
            dsts[b][sl] = d16
            zrow[b][sl] = lax.shift_right_logical(d16, 3)
            slotv[b][sl] = (d16 & 7) * 16

    def _gather_issue(b, base):
        pltpu.async_copy(k_hbm.at[srcv[b]], kr[b], semk[b])
        pltpu.async_copy(q_hbm.at[dstv[b]], qr[b], semq[b])
        pltpu.async_copy(v_hbm.at[srcv[b]], vr[b], semv[b])
        pltpu.async_copy(ef_hbm.at[pl.ds(base, CHUNK)], efr[b], seme[b])

    def _gather_wait(b, base):
        pltpu.make_async_copy(k_hbm.at[srcv[b]], kr[b], semk[b]).wait()
        pltpu.make_async_copy(q_hbm.at[dstv[b]], qr[b], semq[b]).wait()
        pltpu.make_async_copy(v_hbm.at[srcv[b]], vr[b], semv[b]).wait()
        pltpu.make_async_copy(
            ef_hbm.at[pl.ds(base, CHUNK)], efr[b], seme[b]
        ).wait()

    def _compute(b):
        krows, qrows, vrows, efrows = kr[b], qr[b], vr[b], efr[b]
        slot_r = slotv[b]

        def _edge(ei, cy):
            acc = jnp.zeros((16,), jnp.float32)
            for hd in range(H):
                sl = pl.ds(hd * D, D)
                sc = (krows[ei, sl] * qrows[ei, sl] * 0.25) * efrows[ei, sl]
                efrows[ei, sl] = sc
                tot = _lane_take(plsc.cumsum(sc), last)
                acc = jnp.where(lane == hd, tot, acc)
            srow = jnp.exp(jnp.clip(acc, -5.0, 5.0))
            for hd in range(H):
                sl = pl.ds(hd * D, D)
                sv = _lane_take(srow, jnp.full((16,), hd, jnp.int32))
                vrows[ei, sl] = vrows[ei, sl] * sv
            slot = plsc.load_gather(slot_r, [jnp.full((16,), ei, jnp.int32)])
            for s8 in range(8):
                sums[ei, pl.ds(s8 * 16, 16)] = jnp.where(
                    slot == s8 * 16, srow, zero16
                )
            return cy

        lax.fori_loop(0, CHUNK, _edge, 0)

    g0 = wid
    pltpu.sync_copy(src_hbm.at[pl.ds(g0 * CHUNK, CHUNK)], srcv[0])
    pltpu.sync_copy(dst_hbm.at[pl.ds(g0 * CHUNK, CHUNK)], dstv[0])
    _zrow_slot(0)
    _gather_issue(0, g0 * CHUNK)
    _idx_issue(1, (g0 + NW) * CHUNK)

    def _wait_out(b):
        pltpu.make_async_copy(
            efr[b], eout_hbm.at[pl.ds(0, CHUNK)], semo[b]
        ).wait()
        pltpu.make_async_copy(vr[b], wv_acc.at[dsts[b]], semw[b]).wait()

    def _wait_z(b):
        pltpu.make_async_copy(sums, z_acc.at[zrow[b]], semz[b]).wait()

    def _sub_iter(i, b):
        nb = 1 - b
        g = i * NW + wid
        gn = g + NW
        gi = g + 2 * NW

        @pl.when(gn < N_CHUNKS)
        def _():
            _idx_wait(nb, gn * CHUNK)

            @pl.when(i > 0)
            def _():
                _wait_out(nb)
                _wait_z(nb)

            _zrow_slot(nb)
            _gather_issue(nb, gn * CHUNK)

        @pl.when(g < N_CHUNKS)
        def _():
            base = g * CHUNK

            @pl.when(jnp.logical_and(gn >= N_CHUNKS, i > 0))
            def _():
                _wait_z(nb)

            _gather_wait(b, base)
            _compute(b)
            pltpu.async_copy(efr[b], eout_hbm.at[pl.ds(base, CHUNK)], semo[b])
            pltpu.async_copy(vr[b], wv_acc.at[dsts[b]], semw[b], add=True)
            pltpu.async_copy(sums, z_acc.at[zrow[b]], semz[b], add=True)

        @pl.when(gi < N_CHUNKS)
        def _():
            _idx_issue(b, gi * CHUNK)

    def _pair(i2, carry):
        _sub_iter(i2 * 2, 0)
        _sub_iter(i2 * 2 + 1, 1)
        return carry

    lax.fori_loop(0, N_PAIRS, _pair, 0)
    _wait_out(0)
    _wait_out(1)
    n_my_chunks = MAX_ITERS - 1 + jnp.int32(wid < N_CHUNKS - (MAX_ITERS - 1) * NW)
    last_b = (n_my_chunks - 1) & 1

    @pl.when(last_b == 0)
    def _():
        _wait_z(0)

    @pl.when(last_b == 1)
    def _():
        _wait_z(1)

    plsc.subcore_barrier()

    _row_chunks(
        N_WV_CHUNKS,
        lambda r: pltpu.sync_copy(
            wv_acc.at[pl.ds(r, ROWC)], wvp_hbm.at[c, pl.ds(r, ROWC)]
        ),
    )
    _row_chunks(
        N_Z_CHUNKS,
        lambda r: pltpu.sync_copy(
            z_acc.at[pl.ds(r, ROWC)], zp_hbm.at[c, pl.ds(r, ROWC)]
        ),
    )


def _sc_edge(k, q, v, ef, src, dst):
    mesh = plsc.VectorSubcoreMesh(
        core_axis_name="c", subcore_axis_name="s", num_cores=NC,
        num_subcores=NS,
    )
    idx_t = pltpu.VMEM((CHUNK,), jnp.int32)
    row_t = pltpu.VMEM((CHUNK, F), jnp.float32)
    fn = functools.partial(
        pl.kernel,
        out_type=[
            jax.ShapeDtypeStruct((N_EDGES, F), jnp.float32),
            jax.ShapeDtypeStruct((NC, N_NODES, F), jnp.float32),
            jax.ShapeDtypeStruct((NC, ZROWS, F), jnp.float32),
        ],
        mesh=mesh,
        scratch_types=(
            [idx_t] * 10 + [row_t] * 9
            + [
                pltpu.VMEM_SHARED((N_NODES, F), jnp.float32),
                pltpu.VMEM_SHARED((ZROWS, F), jnp.float32),
            ]
            + [pltpu.SemaphoreType.DMA] * 16
        ),
        compiler_params=pltpu.CompilerParams(needs_layout_passes=False),
    )(_sc_edge_body)
    return fn(k, q, v, ef, src, dst)


def kernel(h, e, edge_index, Wq, bq, Wk, bk, Wv, bv, We, be):
    w_qkv = jnp.concatenate([Wq, Wk, Wv], axis=1)
    b_qkv = jnp.concatenate([bq, bk, bv]).reshape(1, 384)
    q_t, k_t, v_t = _project3(h, w_qkv, b_qkv, block_rows=1000)

    ef = _project(e, We, be.reshape(1, F), block_rows=2000)

    src = edge_index[0]
    dst = edge_index[1]
    e_out, wvp, zp = _sc_edge(k_t, q_t, v_t, ef, src, dst)

    z16 = zp[:, : N_NODES // 8, :].reshape(NC, N_NODES, 16)
    h_out = _combine(wvp, z16, block_rows=1000)
    return h_out.reshape(N_NODES, H, D), e_out.reshape(N_EDGES, H, D)

# --- scband reference (transcript-rebuilt; emitter-appended) ---
"""Pipeline reference for scband-graph-attention-layer-12987981103701 (READ-ONLY COPY).

The authoritative reference and input builder live on the scoring server;
editing this copy changes nothing except your own understanding.
"""

import jax, jax.numpy as jnp
import numpy as np

N = 10000
E = 320000
IN_DIM = 128
H = 8
D = 16


def setup_inputs(seed: int = 0) -> dict:
    key = jax.random.key(seed)
    ks = jax.random.split(key, 12)
    h = jax.random.normal(ks[0], (N, IN_DIM), dtype=jnp.float32)
    e = jax.random.normal(ks[1], (E, IN_DIM), dtype=jnp.float32)
    edge_index = jax.random.randint(ks[2], (2, E), 0, N, dtype=jnp.int32)
    s = 1.0 / np.sqrt(IN_DIM)
    Wq = jax.random.uniform(ks[3], (IN_DIM, H * D), dtype=jnp.float32, minval=-s, maxval=s)
    bq = jax.random.uniform(ks[4], (H * D,), dtype=jnp.float32, minval=-s, maxval=s)
    Wk = jax.random.uniform(ks[5], (IN_DIM, H * D), dtype=jnp.float32, minval=-s, maxval=s)
    bk = jax.random.uniform(ks[6], (H * D,), dtype=jnp.float32, minval=-s, maxval=s)
    Wv = jax.random.uniform(ks[7], (IN_DIM, H * D), dtype=jnp.float32, minval=-s, maxval=s)
    bv = jax.random.uniform(ks[8], (H * D,), dtype=jnp.float32, minval=-s, maxval=s)
    We = jax.random.uniform(ks[9], (IN_DIM, H * D), dtype=jnp.float32, minval=-s, maxval=s)
    be = jax.random.uniform(ks[10], (H * D,), dtype=jnp.float32, minval=-s, maxval=s)
    return {"h": h, "e": e, "edge_index": edge_index,
            "Wq": Wq, "bq": bq, "Wk": Wk, "bk": bk,
            "Wv": Wv, "bv": bv, "We": We, "be": be}


def reference(h, e, edge_index, Wq, bq, Wk, bk, Wv, bv, We, be):
    n_nodes = h.shape[0]
    n_edges = e.shape[0]
    scale = np.sqrt(D).astype(np.float32)
    Q = (h @ Wq + bq).reshape(n_nodes, H, D)
    K = (h @ Wk + bk).reshape(n_nodes, H, D)
    V = (h @ Wv + bv).reshape(n_nodes, H, D)
    Ef = (e @ We + be).reshape(n_edges, H, D)
    src = edge_index[0]
    dst = edge_index[1]
    # score = K_src * Q_dst / sqrt(d), then modulated by edge features
    score = (K[src] * Q[dst]) / scale
    score = score * Ef
    e_out = score
    # softmax numerator per edge: exp(clamped sum over feature dim)
    s = jnp.exp(jnp.clip(jnp.sum(score, axis=-1, keepdims=True), -5.0, 5.0))
    # message passing: weighted sum of V over incoming edges (scatter-add by dst)
    wV = jax.ops.segment_sum(V[src] * s, dst, num_segments=n_nodes)
    z = jax.ops.segment_sum(s, dst, num_segments=n_nodes)
    h_out = wV / (z + 1e-06)
    return (h_out, e_out)

if __name__ == "__main__":
    import jax
    _d = setup_inputs()
    print(jax.jit(kernel)(*tuple(_d.values())))

</pallas_src>

<mosaic_0001>
#map = affine_map<(d0, d1) -> (0, 0)>
#map1 = affine_map<(d0, d1) -> (0)>
#map2 = affine_map<(d0, d1) -> (0, 0, 0)>
module attributes {stable_mosaic.version = 14 : i64} {
  func.func @_sc_edge_body(%arg0: i32, %arg1: i32, %arg2: memref<10000x128xf32, #tpu.memory_space<hbm>>, %arg3: memref<10000x128xf32, #tpu.memory_space<hbm>>, %arg4: memref<10000x128xf32, #tpu.memory_space<hbm>>, %arg5: memref<320000x128xf32, #tpu.memory_space<hbm>>, %arg6: memref<320000xi32, #tpu.memory_space<hbm>>, %arg7: memref<320000xi32, #tpu.memory_space<hbm>>, %arg8: memref<320000x128xf32, #tpu.memory_space<hbm>>, %arg9: memref<2x10000x128xf32, #tpu.memory_space<hbm>>, %arg10: memref<2x1280x128xf32, #tpu.memory_space<hbm>>, %arg11: memref<32xi32, #tpu.memory_space<vmem>>, %arg12: memref<32xi32, #tpu.memory_space<vmem>>, %arg13: memref<32xi32, #tpu.memory_space<vmem>>, %arg14: memref<32xi32, #tpu.memory_space<vmem>>, %arg15: memref<32xi32, #tpu.memory_space<vmem>>, %arg16: memref<32xi32, #tpu.memory_space<vmem>>, %arg17: memref<32xi32, #tpu.memory_space<vmem>>, %arg18: memref<32xi32, #tpu.memory_space<vmem>>, %arg19: memref<32xi32, #tpu.memory_space<vmem>>, %arg20: memref<32xi32, #tpu.memory_space<vmem>>, %arg21: memref<32x128xf32, #tpu.memory_space<vmem>>, %arg22: memref<32x128xf32, #tpu.memory_space<vmem>>, %arg23: memref<32x128xf32, #tpu.memory_space<vmem>>, %arg24: memref<32x128xf32, #tpu.memory_space<vmem>>, %arg25: memref<32x128xf32, #tpu.memory_space<vmem>>, %arg26: memref<32x128xf32, #tpu.memory_space<vmem>>, %arg27: memref<32x128xf32, #tpu.memory_space<vmem>>, %arg28: memref<32x128xf32, #tpu.memory_space<vmem>>, %arg29: memref<32x128xf32, #tpu.memory_space<vmem>>, %arg30: memref<10000x128xf32, #tpu.memory_space<vmem_shared>>, %arg31: memref<1280x128xf32, #tpu.memory_space<vmem_shared>>, %arg32: memref<!tpu.dma_semaphore, #tpu.memory_space<semaphore_mem>>, %arg33: memref<!tpu.dma_semaphore, #tpu.memory_space<semaphore_mem>>, %arg34: memref<!tpu.dma_semaphore, #tpu.memory_space<semaphore_mem>>, %arg35: memref<!tpu.dma_semaphore, #tpu.memory_space<semaphore_mem>>, %arg36: memref<!tpu.dma_semaphore, #tpu.memory_space<semaphore_mem>>, %arg37: memref<!tpu.dma_semaphore, #tpu.memory_space<semaphore_mem>>, %arg38: memref<!tpu.dma_semaphore, #tpu.memory_space<semaphore_mem>>, %arg39: memref<!tpu.dma_semaphore, #tpu.memory_space<semaphore_mem>>, %arg40: memref<!tpu.dma_semaphore, #tpu.memory_space<semaphore_mem>>, %arg41: memref<!tpu.dma_semaphore, #tpu.memory_space<semaphore_mem>>, %arg42: memref<!tpu.dma_semaphore, #tpu.memory_space<semaphore_mem>>, %arg43: memref<!tpu.dma_semaphore, #tpu.memory_space<semaphore_mem>>, %arg44: memref<!tpu.dma_semaphore, #tpu.memory_space<semaphore_mem>>, %arg45: memref<!tpu.dma_semaphore, #tpu.memory_space<semaphore_mem>>, %arg46: memref<!tpu.dma_semaphore, #tpu.memory_space<semaphore_mem>>, %arg47: memref<!tpu.dma_semaphore, #tpu.memory_space<semaphore_mem>>) attributes {dimension_semantics = [#tpu.dimension_semantics<core_parallel>, #tpu.dimension_semantics<subcore_parallel>], iteration_bounds = array<i64: 2, 16>, scalar_prefetch = 0 : i64, scratch_operands = 37 : i64, tpu.core_type = #tpu.core_type<sc_vector_subcore>, window_params = [{transform_indices = #map}, {transform_indices = #map}, {transform_indices = #map}, {transform_indices = #map}, {transform_indices = #map1}, {transform_indices = #map1}, {transform_indices = #map}, {transform_indices = #map2}, {transform_indices = #map2}]} {
    %mul3A = arith.constant 2 : i32
    %mul3A_0 = arith.muli %arg1, %mul3A : i32
    %add3A = arith.addi %mul3A_0, %arg0 : i32
    %broadcast_in_dim3A = arith.constant 0.000000e+00 : f32
    %broadcast_in_dim3A_1 = vector.broadcast %broadcast_in_dim3A : f32 to vector<16xf32>
    %iota3A = tpu.iota {dimensions = array<i32: 0>} : vector<16xi32>
    %broadcast_in_dim3A_2 = arith.constant 15 : i32
    %broadcast_in_dim3A_3 = vector.broadcast %broadcast_in_dim3A_2 : i32 to vector<16xi32>
    %scan3A = arith.constant 0 : i32
    %scan3A_4 = arith.constant 0 : i32
    %scan3A_5 = arith.constant 256 : i32
    %scan3A_6 = arith.addi %scan3A_4, %scan3A_5 : i32
    %scan3A_7 = arith.constant 1 : i32
    scf.for %scan3A_127 = %scan3A_4 to %scan3A_6 step %scan3A_7  : i32 {
      %jit3A = arith.constant 8 : i32
      %div3A = arith.divsi %scan3A_127, %jit3A : i32
      %sign3A = arith.constant 0 : i32
      %sign3A_128 = arith.cmpi sgt, %scan3A_127, %sign3A : i32
      %sign3A_129 = arith.extui %sign3A_128 : i1 to i32
      %sign3A_130 = arith.constant 0 : i32
      %sign3A_131 = arith.cmpi slt, %scan3A_127, %sign3A_130 : i32
      %sign3A_132 = arith.extui %sign3A_131 : i1 to i32
      %sign3A_133 = arith.subi %sign3A_129, %sign3A_132 : i32
      %sign3A_134 = arith.constant 0 : i32
      %sign3A_135 = arith.cmpi sgt, %jit3A, %sign3A_134 : i32
      %sign3A_136 = arith.extui %sign3A_135 : i1 to i32
      %sign3A_137 = arith.constant 0 : i32
      %sign3A_138 = arith.cmpi slt, %jit3A, %sign3A_137 : i32
      %sign3A_139 = arith.extui %sign3A_138 : i1 to i32
      %sign3A_140 = arith.subi %sign3A_136, %sign3A_139 : i32
      %ne3A = arith.cmpi ne, %sign3A_133, %sign3A_140 : i32
      %rem3A = arith.remsi %scan3A_127, %jit3A : i32
      %ne3A_141 = arith.constant 0 : i32
      %ne3A_142 = arith.cmpi ne, %rem3A, %ne3A_141 : i32
      %and3A_143 = arith.andi %ne3A, %ne3A_142 : i1
      %sub3A_144 = arith.constant 1 : i32
      %sub3A_145 = arith.subi %div3A, %sub3A_144 : i32
      %select_n3A = arith.select %and3A_143, %sub3A_145, %div3A : i32
      %jit3A_146 = arith.constant 8 : i32
      %eq3A_147 = arith.constant 0 : i32
      %eq3A_148 = arith.cmpi eq, %jit3A_146, %eq3A_147 : i32
      %jit3A_149 = arith.constant 1 : i32
      %select_n3A_150 = arith.select %eq3A_148, %jit3A_149, %jit3A_146 : i32
      %rem3A_151 = arith.remsi %scan3A_127, %select_n3A_150 : i32
      %ne3A_152 = arith.constant 0 : i32
      %ne3A_153 = arith.cmpi ne, %rem3A_151, %ne3A_152 : i32
      %lt3A_154 = arith.constant 0 : i32
      %lt3A_155 = arith.cmpi slt, %rem3A_151, %lt3A_154 : i32
      %lt3A_156 = arith.constant 0 : i32
      %lt3A_157 = arith.cmpi slt, %select_n3A_150, %lt3A_156 : i32
      %ne3A_158 = arith.xori %lt3A_155, %lt3A_157 : i1
      %and3A_159 = arith.andi %ne3A_158, %ne3A_153 : i1
      %add3A_160 = arith.addi %rem3A_151, %select_n3A_150 : i32
      %select_n3A_161 = arith.select %and3A_159, %add3A_160, %rem3A_151 : i32
      %mul3A_162 = arith.constant 16 : i32
      %mul3A_163 = arith.muli %select_n3A_161, %mul3A_162 : i32
      %swap3A_164 = arith.index_cast %select_n3A : i32 to index
      %swap3A_165 = arith.index_cast %mul3A_163 : i32 to index
      %swap3A_166 = tpu.vector_load %arg29[%swap3A_164, %swap3A_165] {strides = array<i32>} : memref<32x128xf32, #tpu.memory_space<vmem>>, vector<16xf32>,
      tpu.vector_store %arg29[%swap3A_164, %swap3A_165], %broadcast_in_dim3A_1 {strides = array<i32>} : memref<32x128xf32, #tpu.memory_space<vmem>>, vector<16xf32>,
    }
    %scan3A_8 = arith.constant 256 : i32
    %scan3A_9 = arith.constant 0 : i32
    %scan3A_10 = arith.constant 0 : i32
    %scan3A_11 = arith.constant 40 : i32
    %scan3A_12 = arith.addi %scan3A_10, %scan3A_11 : i32
    %scan3A_13 = arith.constant 1 : i32
    scf.for %scan3A_127 = %scan3A_10 to %scan3A_12 step %scan3A_13  : i32 {
      %mul3A_128 = arith.constant 16 : i32
      %mul3A_129 = arith.muli %mul3A_128, %scan3A_127 : i32
      %add3A_130 = arith.addi %arg1, %mul3A_129 : i32
      %lt3A_131 = arith.constant 625 : i32
      %lt3A_132 = arith.cmpi slt, %add3A_130, %lt3A_131 : i32
      %convert_element_type3A_133 = arith.extui %lt3A_132 : i1 to i32
      %cond3A_134 = arith.constant 0 : i32
      %cond3A_135 = arith.cmpi ne, %convert_element_type3A_133, %cond3A_134 : i32
      scf.if %cond3A_135 {
        %mul3A_136 = arith.constant 16 : i32
        %mul3A_137 = arith.muli %add3A_130, %mul3A_136 : i32
        "tpu.region"() ({
          %run_scoped3A = tpu.sem_alloc : memref<!tpu.dma_semaphore, #tpu.memory_space<semaphore_mem>>
          %dma_start3A_138 = arith.constant 0 : i32
          %dma_start3A_139 = arith.constant 0 : i32
          %dma_start3A_140 = tpu.memref_slice %arg29[%dma_start3A_138, %dma_start3A_139] : memref<32x128xf32, #tpu.memory_space<vmem>> -> memref<16x128xf32, #tpu.memory_space<vmem>>
          %dma_start3A_141 = arith.constant 0 : i32
          %dma_start3A_142 = tpu.memref_slice %arg30[%mul3A_137, %dma_start3A_141] : memref<10000x128xf32, #tpu.memory_space<vmem_shared>> -> memref<16x128xf32, #tpu.memory_space<vmem_shared>>
          %dma_start3A_143 = arith.constant 0 : i32
          %dma_start3A_144 = tpu.memref_slice %arg30[%mul3A_137, %dma_start3A_143] : memref<10000x128xf32, #tpu.memory_space<vmem_shared>> -> memref<16x128xf32, #tpu.memory_space<vmem_shared>>
          %dma_start3A_145 = arith.constant 0 : i32
          %dma_start3A_146 = arith.constant 0 : i32
          %dma_start3A_147 = tpu.memref_slice %arg29[%dma_start3A_145, %dma_start3A_146] : memref<32x128xf32, #tpu.memory_space<vmem>> -> memref<16x128xf32, #tpu.memory_space<vmem>>
          tpu.enqueue_dma source(%dma_start3A_147 : memref<16x128xf32, #tpu.memory_space<vmem>>) target(%dma_start3A_144 : memref<16x128xf32, #tpu.memory_space<vmem_shared>>) target_semaphore(%run_scoped3A : memref<!tpu.dma_semaphore, #tpu.memory_space<semaphore_mem>>)
          %dma_wait3A_148 = arith.constant 0 : i32
          %dma_wait3A_149 = arith.constant 0 : i32
          %dma_wait3A_150 = tpu.memref_slice %arg29[%dma_wait3A_148, %dma_wait3A_149] : memref<32x128xf32, #tpu.memory_space<vmem>> -> memref<16x128xf32, #tpu.memory_space<vmem>>
          %dma_wait3A_151 = arith.constant 0 : i32
          %dma_wait3A_152 = tpu.memref_slice %arg30[%mul3A_137, %dma_wait3A_151] : memref<10000x128xf32, #tpu.memory_space<vmem_shared>> -> memref<16x128xf32, #tpu.memory_space<vmem_shared>>
          %dma_wait3A_153 = arith.constant 0 : i32
          %dma_wait3A_154 = tpu.memref_slice %arg30[%mul3A_137, %dma_wait3A_153] : memref<10000x128xf32, #tpu.memory_space<vmem_shared>> -> memref<16x128xf32, #tpu.memory_space<vmem_shared>>
          %dma_wait3A_155 = arith.constant 0 : i32
          %dma_wait3A_156 = arith.constant 0 : i32
          %dma_wait3A_157 = tpu.memref_slice %arg29[%dma_wait3A_155, %dma_wait3A_156] : memref<32x128xf32, #tpu.memory_space<vmem>> -> memref<16x128xf32, #tpu.memory_space<vmem>>
          tpu.wait_dma2 semaphore(%run_scoped3A : memref<!tpu.dma_semaphore, #tpu.memory_space<semaphore_mem>>) src(%dma_wait3A_157 : memref<16x128xf32, #tpu.memory_space<vmem>>) dst(%dma_wait3A_154 : memref<16x128xf32, #tpu.memory_space<vmem_shared>>)
          tpu.yield
        }) : () -> ()
      } else {
      }
    }
    %scan3A_14 = arith.constant 40 : i32
    %scan3A_15 = arith.constant 0 : i32
    %scan3A_16 = arith.constant 0 : i32
    %scan3A_17 = arith.constant 5 : i32
    %scan3A_18 = arith.addi %scan3A_16, %scan3A_17 : i32
    %scan3A_19 = arith.constant 1 : i32
    scf.for %scan3A_127 = %scan3A_16 to %scan3A_18 step %scan3A_19  : i32 {
      %mul3A_128 = arith.constant 16 : i32
      %mul3A_129 = arith.muli %mul3A_128, %scan3A_127 : i32
      %add3A_130 = arith.addi %arg1, %mul3A_129 : i32
      %lt3A_131 = arith.constant 80 : i32
      %lt3A_132 = arith.cmpi slt, %add3A_130, %lt3A_131 : i32
      %convert_element_type3A_133 = arith.extui %lt3A_132 : i1 to i32
      %cond3A_134 = arith.constant 0 : i32
      %cond3A_135 = arith.cmpi ne, %convert_element_type3A_133, %cond3A_134 : i32
      scf.if %cond3A_135 {
        %mul3A_136 = arith.constant 16 : i32
        %mul3A_137 = arith.muli %add3A_130, %mul3A_136 : i32
        "tpu.region"() ({
          %run_scoped3A = tpu.sem_alloc : memref<!tpu.dma_semaphore, #tpu.memory_space<semaphore_mem>>
          %dma_start3A_138 = arith.constant 0 : i32
          %dma_start3A_139 = arith.constant 0 : i32
          %dma_start3A_140 = tpu.memref_slice %arg29[%dma_start3A_138, %dma_start3A_139] : memref<32x128xf32, #tpu.memory_space<vmem>> -> memref<16x128xf32, #tpu.memory_space<vmem>>
          %dma_start3A_141 = arith.constant 0 : i32
          %dma_start3A_142 = tpu.memref_slice %arg31[%mul3A_137, %dma_start3A_141] : memref<1280x128xf32, #tpu.memory_space<vmem_shared>> -> memref<16x128xf32, #tpu.memory_space<vmem_shared>>
          %dma_start3A_143 = arith.constant 0 : i32
          %dma_start3A_144 = tpu.memref_slice %arg31[%mul3A_137, %dma_start3A_143] : memref<1280x128xf32, #tpu.memory_space<vmem_shared>> -> memref<16x128xf32, #tpu.memory_space<vmem_shared>>
          %dma_start3A_145 = arith.constant 0 : i32
          %dma_start3A_146 = arith.constant 0 : i32
          %dma_start3A_147 = tpu.memref_slice %arg29[%dma_start3A_145, %dma_start3A_146] : memref<32x128xf32, #tpu.memory_space<vmem>> -> memref<16x128xf32, #tpu.memory_space<vmem>>
          tpu.enqueue_dma source(%dma_start3A_147 : memref<16x128xf32, #tpu.memory_space<vmem>>) target(%dma_start3A_144 : memref<16x128xf32, #tpu.memory_space<vmem_shared>>) target_semaphore(%run_scoped3A : memref<!tpu.dma_semaphore, #tpu.memory_space<semaphore_mem>>)
          %dma_wait3A_148 = arith.constant 0 : i32
          %dma_wait3A_149 = arith.constant 0 : i32
          %dma_wait3A_150 = tpu.memref_slice %arg29[%dma_wait3A_148, %dma_wait3A_149] : memref<32x128xf32, #tpu.memory_space<vmem>> -> memref<16x128xf32, #tpu.memory_space<vmem>>
          %dma_wait3A_151 = arith.constant 0 : i32
          %dma_wait3A_152 = tpu.memref_slice %arg31[%mul3A_137, %dma_wait3A_151] : memref<1280x128xf32, #tpu.memory_space<vmem_shared>> -> memref<16x128xf32, #tpu.memory_space<vmem_shared>>
          %dma_wait3A_153 = arith.constant 0 : i32
          %dma_wait3A_154 = tpu.memref_slice %arg31[%mul3A_137, %dma_wait3A_153] : memref<1280x128xf32, #tpu.memory_space<vmem_shared>> -> memref<16x128xf32, #tpu.memory_space<vmem_shared>>
          %dma_wait3A_155 = arith.constant 0 : i32
          %dma_wait3A_156 = arith.constant 0 : i32
          %dma_wait3A_157 = tpu.memref_slice %arg29[%dma_wait3A_155, %dma_wait3A_156] : memref<32x128xf32, #tpu.memory_space<vmem>> -> memref<16x128xf32, #tpu.memory_space<vmem>>
          tpu.wait_dma2 semaphore(%run_scoped3A : memref<!tpu.dma_semaphore, #tpu.memory_space<semaphore_mem>>) src(%dma_wait3A_157 : memref<16x128xf32, #tpu.memory_space<vmem>>) dst(%dma_wait3A_154 : memref<16x128xf32, #tpu.memory_space<vmem_shared>>)
          tpu.yield
        }) : () -> ()
      } else {
      }
    }
    %scan3A_20 = arith.constant 5 : i32
    %barrier3A = arith.constant 0 : index
    tpu.barrier barrier_id(%barrier3A)
    %mul3A_21 = arith.constant 32 : i32
    %mul3A_22 = arith.muli %add3A, %mul3A_21 : i32
    "tpu.region"() ({
      %run_scoped3A = tpu.sem_alloc : memref<!tpu.dma_semaphore, #tpu.memory_space<semaphore_mem>>
      %dma_start3A_127 = tpu.memref_slice %arg6[%mul3A_22] : memref<320000xi32, #tpu.memory_space<hbm>> -> memref<32xi32, #tpu.memory_space<hbm>>
      %dma_start3A_128 = tpu.memref_slice %arg6[%mul3A_22] : memref<320000xi32, #tpu.memory_space<hbm>> -> memref<32xi32, #tpu.memory_space<hbm>>
      tpu.enqueue_dma source(%dma_start3A_128 : memref<32xi32, #tpu.memory_space<hbm>>) target(%arg11 : memref<32xi32, #tpu.memory_space<vmem>>) target_semaphore(%run_scoped3A : memref<!tpu.dma_semaphore, #tpu.memory_space<semaphore_mem>>)
      %dma_wait3A_129 = tpu.memref_slice %arg6[%mul3A_22] : memref<320000xi32, #tpu.memory_space<hbm>> -> memref<32xi32, #tpu.memory_space<hbm>>
      %dma_wait3A_130 = tpu.memref_slice %arg6[%mul3A_22] : memref<320000xi32, #tpu.memory_space<hbm>> -> memref<32xi32, #tpu.memory_space<hbm>>
      tpu.wait_dma2 semaphore(%run_scoped3A : memref<!tpu.dma_semaphore, #tpu.memory_space<semaphore_mem>>) src(%dma_wait3A_130 : memref<32xi32, #tpu.memory_space<hbm>>) dst(%arg11 : memref<32xi32, #tpu.memory_space<vmem>>)
      tpu.yield
    }) : () -> ()
    %mul3A_23 = arith.constant 32 : i32
    %mul3A_24 = arith.muli %add3A, %mul3A_23 : i32
    "tpu.region"() ({
      %run_scoped3A = tpu.sem_alloc : memref<!tpu.dma_semaphore, #tpu.memory_space<semaphore_mem>>
      %dma_start3A_127 = tpu.memref_slice %arg7[%mul3A_24] : memref<320000xi32, #tpu.memory_space<hbm>> -> memref<32xi32, #tpu.memory_space<hbm>>
      %dma_start3A_128 = tpu.memref_slice %arg7[%mul3A_24] : memref<320000xi32, #tpu.memory_space<hbm>> -> memref<32xi32, #tpu.memory_space<hbm>>
      tpu.enqueue_dma source(%dma_start3A_128 : memref<32xi32, #tpu.memory_space<hbm>>) target(%arg13 : memref<32xi32, #tpu.memory_space<vmem>>) target_semaphore(%run_scoped3A : memref<!tpu.dma_semaphore, #tpu.memory_space<semaphore_mem>>)
      %dma_wait3A_129 = tpu.memref_slice %arg7[%mul3A_24] : memref<320000xi32, #tpu.memory_space<hbm>> -> memref<32xi32, #tpu.memory_space<hbm>>
      %dma_wait3A_130 = tpu.memref_slice %arg7[%mul3A_24] : memref<320000xi32, #tpu.memory_space<hbm>> -> memref<32xi32, #tpu.memory_space<hbm>>
      tpu.wait_dma2 semaphore(%run_scoped3A : memref<!tpu.dma_semaphore, #tpu.memory_space<semaphore_mem>>) src(%dma_wait3A_130 : memref<32xi32, #tpu.memory_space<hbm>>) dst(%arg13 : memref<32xi32, #tpu.memory_space<vmem>>)
      tpu.yield
    }) : () -> ()
    %get3A = arith.constant 0 : index
    %get3A_25 = tpu.vector_load %arg13[%get3A] {strides = array<i32>} : memref<32xi32, #tpu.memory_space<vmem>>, vector<16xi32>,
    %swap3A = arith.constant 0 : index
    %swap3A_26 = tpu.vector_load %arg15[%swap3A] {strides = array<i32>} : memref<32xi32, #tpu.memory_space<vmem>>, vector<16xi32>,
    tpu.vector_store %arg15[%swap3A], %get3A_25 {strides = array<i32>} : memref<32xi32, #tpu.memory_space<vmem>>, vector<16xi32>,
    %shift_right_logical3A = arith.constant 3 : i32
    %shift_right_logical3A_27 = vector.broadcast %shift_right_logical3A : i32 to vector<16xi32>
    %shift_right_logical3A_28 = arith.shrui %get3A_25, %shift_right_logical3A_27 : vector<16xi32>
    %swap3A_29 = arith.constant 0 : index
    %swap3A_30 = tpu.vector_load %arg17[%swap3A_29] {strides = array<i32>} : memref<32xi32, #tpu.memory_space<vmem>>, vector<16xi32>,
    tpu.vector_store %arg17[%swap3A_29], %shift_right_logical3A_28 {strides = array<i32>} : memref<32xi32, #tpu.memory_space<vmem>>, vector<16xi32>,
    %and3A = arith.constant 7 : i32
    %and3A_31 = vector.broadcast %and3A : i32 to vector<16xi32>
    %and3A_32 = arith.andi %get3A_25, %and3A_31 : vector<16xi32>
    %mul3A_33 = arith.constant 16 : i32
    %mul3A_34 = vector.broadcast %mul3A_33 : i32 to vector<16xi32>
    %mul3A_35 = arith.muli %and3A_32, %mul3A_34 : vector<16xi32>
    %swap3A_36 = arith.constant 0 : index
    %swap3A_37 = tpu.vector_load %arg19[%swap3A_36] {strides = array<i32>} : memref<32xi32, #tpu.memory_space<vmem>>, vector<16xi32>,
    tpu.vector_store %arg19[%swap3A_36], %mul3A_35 {strides = array<i32>} : memref<32xi32, #tpu.memory_space<vmem>>, vector<16xi32>,
    %get3A_38 = arith.constant 16 : index
    %get3A_39 = tpu.vector_load %arg13[%get3A_38] {strides = array<i32>} : memref<32xi32, #tpu.memory_space<vmem>>, vector<16xi32>,
    %swap3A_40 = arith.constant 16 : index
    %swap3A_41 = tpu.vector_load %arg15[%swap3A_40] {strides = array<i32>} : memref<32xi32, #tpu.memory_space<vmem>>, vector<16xi32>,
    tpu.vector_store %arg15[%swap3A_40], %get3A_39 {strides = array<i32>} : memref<32xi32, #tpu.memory_space<vmem>>, vector<16xi32>,
    %shift_right_logical3A_42 = arith.constant 3 : i32
    %shift_right_logical3A_43 = vector.broadcast %shift_right_logical3A_42 : i32 to vector<16xi32>
    %shift_right_logical3A_44 = arith.shrui %get3A_39, %shift_right_logical3A_43 : vector<16xi32>
    %swap3A_45 = arith.constant 16 : index
    %swap3A_46 = tpu.vector_load %arg17[%swap3A_45] {strides = array<i32>} : memref<32xi32, #tpu.memory_space<vmem>>, vector<16xi32>,
    tpu.vector_store %arg17[%swap3A_45], %shift_right_logical3A_44 {strides = array<i32>} : memref<32xi32, #tpu.memory_space<vmem>>, vector<16xi32>,
    %and3A_47 = arith.constant 7 : i32
    %and3A_48 = vector.broadcast %and3A_47 : i32 to vector<16xi32>
    %and3A_49 = arith.andi %get3A_39, %and3A_48 : vector<16xi32>
    %mul3A_50 = arith.constant 16 : i32
    %mul3A_51 = vector.broadcast %mul3A_50 : i32 to vector<16xi32>
    %mul3A_52 = arith.muli %and3A_49, %mul3A_51 : vector<16xi32>
    %swap3A_53 = arith.constant 16 : index
    %swap3A_54 = tpu.vector_load %arg19[%swap3A_53] {strides = array<i32>} : memref<32xi32, #tpu.memory_space<vmem>>, vector<16xi32>,
    tpu.vector_store %arg19[%swap3A_53], %mul3A_52 {strides = array<i32>} : memref<32xi32, #tpu.memory_space<vmem>>, vector<16xi32>,
    %mul3A_55 = arith.constant 32 : i32
    %mul3A_56 = arith.muli %add3A, %mul3A_55 : i32
    %dma_start3A = arith.constant 0 : i32
    %dma_start3A_57 = arith.constant 0 : i32
    %dma_start3A_58 = tpu.memref_slice %arg2[%dma_start3A, %dma_start3A_57] : memref<10000x128xf32, #tpu.memory_space<hbm>> -> memref<10000x128xf32, #tpu.memory_space<hbm>>
    tpu.enqueue_indirect_dma source(%dma_start3A_58 : memref<10000x128xf32, #tpu.memory_space<hbm>>) target(%arg21 : memref<32x128xf32, #tpu.memory_space<vmem>>) offsets(%arg11 : memref<32xi32, #tpu.memory_space<vmem>>) semaphore(%arg32 : memref<!tpu.dma_semaphore, #tpu.memory_space<semaphore_mem>>)
    %dma_start3A_59 = arith.constant 0 : i32
    %dma_start3A_60 = arith.constant 0 : i32
    %dma_start3A_61 = tpu.memref_slice %arg3[%dma_start3A_59, %dma_start3A_60] : memref<10000x128xf32, #tpu.memory_space<hbm>> -> memref<10000x128xf32, #tpu.memory_space<hbm>>
    tpu.enqueue_indirect_dma source(%dma_start3A_61 : memref<10000x128xf32, #tpu.memory_space<hbm>>) target(%arg23 : memref<32x128xf32, #tpu.memory_space<vmem>>) offsets(%arg13 : memref<32xi32, #tpu.memory_space<vmem>>) semaphore(%arg34 : memref<!tpu.dma_semaphore, #tpu.memory_space<semaphore_mem>>)
    %dma_start3A_62 = arith.constant 0 : i32
    %dma_start3A_63 = arith.constant 0 : i32
    %dma_start3A_64 = tpu.memref_slice %arg4[%dma_start3A_62, %dma_start3A_63] : memref<10000x128xf32, #tpu.memory_space<hbm>> -> memref<10000x128xf32, #tpu.memory_space<hbm>>
    tpu.enqueue_indirect_dma source(%dma_start3A_64 : memref<10000x128xf32, #tpu.memory_space<hbm>>) target(%arg25 : memref<32x128xf32, #tpu.memory_space<vmem>>) offsets(%arg11 : memref<32xi32, #tpu.memory_space<vmem>>) semaphore(%arg36 : memref<!tpu.dma_semaphore, #tpu.memory_space<semaphore_mem>>)
    %dma_start3A_65 = arith.constant 0 : i32
    %dma_start3A_66 = tpu.memref_slice %arg5[%mul3A_56, %dma_start3A_65] : memref<320000x128xf32, #tpu.memory_space<hbm>> -> memref<32x128xf32, #tpu.memory_space<hbm>>
    %dma_start3A_67 = arith.constant 0 : i32
    %dma_start3A_68 = tpu.memref_slice %arg5[%mul3A_56, %dma_start3A_67] : memref<320000x128xf32, #tpu.memory_space<hbm>> -> memref<32x128xf32, #tpu.memory_space<hbm>>
    tpu.enqueue_dma source(%dma_start3A_68 : memref<32x128xf32, #tpu.memory_space<hbm>>) target(%arg27 : memref<32x128xf32, #tpu.memory_space<vmem>>) target_semaphore(%arg38 : memref<!tpu.dma_semaphore, #tpu.memory_space<semaphore_mem>>)
    %add3A_69 = arith.constant 32 : i32
    %add3A_70 = arith.addi %add3A, %add3A_69 : i32
    %mul3A_71 = arith.constant 32 : i32
    %mul3A_72 = arith.muli %add3A_70, %mul3A_71 : i32
    %dma_start3A_73 = tpu.memref_slice %arg6[%mul3A_72] : memref<320000xi32, #tpu.memory_space<hbm>> -> memref<32xi32, #tpu.memory_space<hbm>>
    %dma_start3A_74 = tpu.memref_slice %arg6[%mul3A_72] : memref<320000xi32, #tpu.memory_space<hbm>> -> memref<32xi32, #tpu.memory_space<hbm>>
    tpu.enqueue_dma source(%dma_start3A_74 : memref<32xi32, #tpu.memory_space<hbm>>) target(%arg12 : memref<32xi32, #tpu.memory_space<vmem>>) target_semaphore(%arg41 : memref<!tpu.dma_semaphore, #tpu.memory_space<semaphore_mem>>)
    %dma_start3A_75 = tpu.memref_slice %arg7[%mul3A_72] : memref<320000xi32, #tpu.memory_space<hbm>> -> memref<32xi32, #tpu.memory_space<hbm>>
    %dma_start3A_76 = tpu.memref_slice %arg7[%mul3A_72] : memref<320000xi32, #tpu.memory_space<hbm>> -> memref<32xi32, #tpu.memory_space<hbm>>
    tpu.enqueue_dma source(%dma_start3A_76 : memref<32xi32, #tpu.memory_space<hbm>>) target(%arg14 : memref<32xi32, #tpu.memory_space<vmem>>) target_semaphore(%arg41 : memref<!tpu.dma_semaphore, #tpu.memory_space<semaphore_mem>>)
    %scan3A_77 = arith.constant 0 : i32
    %scan3A_78 = arith.constant 0 : i32
    %scan3A_79 = arith.constant 157 : i32
    %scan3A_80 = arith.addi %scan3A_78, %scan3A_79 : i32
    %scan3A_81 = arith.constant 1 : i32
    scf.for %scan3A_127 = %scan3A_78 to %scan3A_80 step %scan3A_81  : i32 {
      %mul3A_128 = arith.constant 2 : i32
      %mul3A_129 = arith.muli %scan3A_127, %mul3A_128 : i32
      %mul3A_130 = arith.constant 32 : i32
      %mul3A_131 = arith.muli %mul3A_129, %mul3A_130 : i32
      %add3A_132 = arith.addi %mul3A_131, %add3A : i32
      %add3A_133 = arith.constant 32 : i32
      %add3A_134 = arith.addi %add3A_132, %add3A_133 : i32
      %add3A_135 = arith.constant 64 : i32
      %add3A_136 = arith.addi %add3A_132, %add3A_135 : i32
      %lt3A_137 = arith.constant 10000 : i32
      %lt3A_138 = arith.cmpi slt, %add3A_134, %lt3A_137 : i32
      %convert_element_type3A_139 = arith.extui %lt3A_138 : i1 to i32
      %cond3A_140 = arith.constant 0 : i32
      %cond3A_141 = arith.cmpi ne, %convert_element_type3A_139, %cond3A_140 : i32
      scf.if %cond3A_141 {
        %mul3A_178 = arith.constant 32 : i32
        %mul3A_179 = arith.muli %add3A_134, %mul3A_178 : i32
        %dma_wait3A_180 = tpu.memref_slice %arg6[%mul3A_179] : memref<320000xi32, #tpu.memory_space<hbm>> -> memref<32xi32, #tpu.memory_space<hbm>>
        %dma_wait3A_181 = tpu.memref_slice %arg6[%mul3A_179] : memref<320000xi32, #tpu.memory_space<hbm>> -> memref<32xi32, #tpu.memory_space<hbm>>
        tpu.wait_dma2 semaphore(%arg41 : memref<!tpu.dma_semaphore, #tpu.memory_space<semaphore_mem>>) src(%dma_wait3A_181 : memref<32xi32, #tpu.memory_space<hbm>>) dst(%arg12 : memref<32xi32, #tpu.memory_space<vmem>>)
        %dma_wait3A_182 = tpu.memref_slice %arg7[%mul3A_179] : memref<320000xi32, #tpu.memory_space<hbm>> -> memref<32xi32, #tpu.memory_space<hbm>>
        %dma_wait3A_183 = tpu.memref_slice %arg7[%mul3A_179] : memref<320000xi32, #tpu.memory_space<hbm>> -> memref<32xi32, #tpu.memory_space<hbm>>
        tpu.wait_dma2 semaphore(%arg41 : memref<!tpu.dma_semaphore, #tpu.memory_space<semaphore_mem>>) src(%dma_wait3A_183 : memref<32xi32, #tpu.memory_space<hbm>>) dst(%arg14 : memref<32xi32, #tpu.memory_space<vmem>>)
        %gt3A = arith.constant 0 : i32
        %gt3A_184 = arith.cmpi sgt, %mul3A_129, %gt3A : i32
        %convert_element_type3A_185 = arith.extui %gt3A_184 : i1 to i32
        %cond3A_186 = arith.constant 0 : i32
        %cond3A_187 = arith.cmpi ne, %convert_element_type3A_185, %cond3A_186 : i32
        scf.if %cond3A_187 {
          %dma_wait3A_237 = arith.constant 0 : i32
          %dma_wait3A_238 = arith.constant 0 : i32
          %dma_wait3A_239 = tpu.memref_slice %arg8[%dma_wait3A_237, %dma_wait3A_238] : memref<320000x128xf32, #tpu.memory_space<hbm>> -> memref<32x128xf32, #tpu.memory_space<hbm>>
          %dma_wait3A_240 = arith.constant 0 : i32
          %dma_wait3A_241 = arith.constant 0 : i32
          %dma_wait3A_242 = tpu.memref_slice %arg8[%dma_wait3A_240, %dma_wait3A_241] : memref<320000x128xf32, #tpu.memory_space<hbm>> -> memref<32x128xf32, #tpu.memory_space<hbm>>
          tpu.wait_dma2 semaphore(%arg43 : memref<!tpu.dma_semaphore, #tpu.memory_space<semaphore_mem>>) src(%arg28 : memref<32x128xf32, #tpu.memory_space<vmem>>) dst(%dma_wait3A_242 : memref<32x128xf32, #tpu.memory_space<hbm>>)
          %dma_wait3A_243 = arith.constant 0 : i32
          %dma_wait3A_244 = arith.constant 0 : i32
          %dma_wait3A_245 = tpu.memref_slice %arg30[%dma_wait3A_243, %dma_wait3A_244] : memref<10000x128xf32, #tpu.memory_space<vmem_shared>> -> memref<10000x128xf32, #tpu.memory_space<vmem_shared>>
          tpu.wait_indirect_dma semaphore(%arg45 : memref<!tpu.dma_semaphore, #tpu.memory_space<semaphore_mem>>) src(%arg26 : memref<32x128xf32, #tpu.memory_space<vmem>>) dst(%dma_wait3A_245 : memref<10000x128xf32, #tpu.memory_space<vmem_shared>>)
          %dma_wait3A_246 = arith.constant 0 : i32
          %dma_wait3A_247 = arith.constant 0 : i32
          %dma_wait3A_248 = tpu.memref_slice %arg31[%dma_wait3A_246, %dma_wait3A_247] : memref<1280x128xf32, #tpu.memory_space<vmem_shared>> -> memref<1280x128xf32, #tpu.memory_space<vmem_shared>>
          tpu.wait_indirect_dma semaphore(%arg47 : memref<!tpu.dma_semaphore, #tpu.memory_space<semaphore_mem>>) src(%arg29 : memref<32x128xf32, #tpu.memory_space<vmem>>) dst(%dma_wait3A_248 : memref<1280x128xf32, #tpu.memory_space<vmem_shared>>)
        } else {
        }
        %get3A_188 = arith.constant 0 : index
        %get3A_189 = tpu.vector_load %arg14[%get3A_188] {strides = array<i32>} : memref<32xi32, #tpu.memory_space<vmem>>, vector<16xi32>,
        %swap3A_190 = arith.constant 0 : index
        %swap3A_191 = tpu.vector_load %arg16[%swap3A_190] {strides = array<i32>} : memref<32xi32, #tpu.memory_space<vmem>>, vector<16xi32>,
        tpu.vector_store %arg16[%swap3A_190], %get3A_189 {strides = array<i32>} : memref<32xi32, #tpu.memory_space<vmem>>, vector<16xi32>,
        %shift_right_logical3A_192 = arith.constant 3 : i32
        %shift_right_logical3A_193 = vector.broadcast %shift_right_logical3A_192 : i32 to vector<16xi32>
        %shift_right_logical3A_194 = arith.shrui %get3A_189, %shift_right_logical3A_193 : vector<16xi32>
        %swap3A_195 = arith.constant 0 : index
        %swap3A_196 = tpu.vector_load %arg18[%swap3A_195] {strides = array<i32>} : memref<32xi32, #tpu.memory_space<vmem>>, vector<16xi32>,
        tpu.vector_store %arg18[%swap3A_195], %shift_right_logical3A_194 {strides = array<i32>} : memref<32xi32, #tpu.memory_space<vmem>>, vector<16xi32>,
        %and3A_197 = arith.constant 7 : i32
        %and3A_198 = vector.broadcast %and3A_197 : i32 to vector<16xi32>
        %and3A_199 = arith.andi %get3A_189, %and3A_198 : vector<16xi32>
        %mul3A_200 = arith.constant 16 : i32
        %mul3A_201 = vector.broadcast %mul3A_200 : i32 to vector<16xi32>
        %mul3A_202 = arith.muli %and3A_199, %mul3A_201 : vector<16xi32>
        %swap3A_203 = arith.constant 0 : index
        %swap3A_204 = tpu.vector_load %arg20[%swap3A_203] {strides = array<i32>} : memref<32xi32, #tpu.memory_space<vmem>>, vector<16xi32>,
        tpu.vector_store %arg20[%swap3A_203], %mul3A_202 {strides = array<i32>} : memref<32xi32, #tpu.memory_space<vmem>>, vector<16xi32>,
        %get3A_205 = arith.constant 16 : index
        %get3A_206 = tpu.vector_load %arg14[%get3A_205] {strides = array<i32>} : memref<32xi32, #tpu.memory_space<vmem>>, vector<16xi32>,
        %swap3A_207 = arith.constant 16 : index
        %swap3A_208 = tpu.vector_load %arg16[%swap3A_207] {strides = array<i32>} : memref<32xi32, #tpu.memory_space<vmem>>, vector<16xi32>,
        tpu.vector_store %arg16[%swap3A_207], %get3A_206 {strides = array<i32>} : memref<32xi32, #tpu.memory_space<vmem>>, vector<16xi32>,
        %shift_right_logical3A_209 = arith.constant 3 : i32
        %shift_right_logical3A_210 = vector.broadcast %shift_right_logical3A_209 : i32 to vector<16xi32>
        %shift_right_logical3A_211 = arith.shrui %get3A_206, %shift_right_logical3A_210 : vector<16xi32>
        %swap3A_212 = arith.constant 16 : index
        %swap3A_213 = tpu.vector_load %arg18[%swap3A_212] {strides = array<i32>} : memref<32xi32, #tpu.memory_space<vmem>>, vector<16xi32>,
        tpu.vector_store %arg18[%swap3A_212], %shift_right_logical3A_211 {strides = array<i32>} : memref<32xi32, #tpu.memory_space<vmem>>, vector<16xi32>,
        %and3A_214 = arith.constant 7 : i32
        %and3A_215 = vector.broadcast %and3A_214 : i32 to vector<16xi32>
        %and3A_216 = arith.andi %get3A_206, %and3A_215 : vector<16xi32>
        %mul3A_217 = arith.constant 16 : i32
        %mul3A_218 = vector.broadcast %mul3A_217 : i32 to vector<16xi32>
        %mul3A_219 = arith.muli %and3A_216, %mul3A_218 : vector<16xi32>
        %swap3A_220 = arith.constant 16 : index
        %swap3A_221 = tpu.vector_load %arg20[%swap3A_220] {strides = array<i32>} : memref<32xi32, #tpu.memory_space<vmem>>, vector<16xi32>,
        tpu.vector_store %arg20[%swap3A_220], %mul3A_219 {strides = array<i32>} : memref<32xi32, #tpu.memory_space<vmem>>, vector<16xi32>,
        %mul3A_222 = arith.constant 32 : i32
        %mul3A_223 = arith.muli %add3A_134, %mul3A_222 : i32
        %dma_start3A_224 = arith.constant 0 : i32
        %dma_start3A_225 = arith.constant 0 : i32
        %dma_start3A_226 = tpu.memref_slice %arg2[%dma_start3A_224, %dma_start3A_225] : memref<10000x128xf32, #tpu.memory_space<hbm>> -> memref<10000x128xf32, #tpu.memory_space<hbm>>
        tpu.enqueue_indirect_dma source(%dma_start3A_226 : memref<10000x128xf32, #tpu.memory_space<hbm>>) target(%arg22 : memref<32x128xf32, #tpu.memory_space<vmem>>) offsets(%arg12 : memref<32xi32, #tpu.memory_space<vmem>>) semaphore(%arg33 : memref<!tpu.dma_semaphore, #tpu.memory_space<semaphore_mem>>)
        %dma_start3A_227 = arith.constant 0 : i32
        %dma_start3A_228 = arith.constant 0 : i32
        %dma_start3A_229 = tpu.memref_slice %arg3[%dma_start3A_227, %dma_start3A_228] : memref<10000x128xf32, #tpu.memory_space<hbm>> -> memref<10000x128xf32, #tpu.memory_space<hbm>>
        tpu.enqueue_indirect_dma source(%dma_start3A_229 : memref<10000x128xf32, #tpu.memory_space<hbm>>) target(%arg24 : memref<32x128xf32, #tpu.memory_space<vmem>>) offsets(%arg14 : memref<32xi32, #tpu.memory_space<vmem>>) semaphore(%arg35 : memref<!tpu.dma_semaphore, #tpu.memory_space<semaphore_mem>>)
        %dma_start3A_230 = arith.constant 0 : i32
        %dma_start3A_231 = arith.constant 0 : i32
        %dma_start3A_232 = tpu.memref_slice %arg4[%dma_start3A_230, %dma_start3A_231] : memref<10000x128xf32, #tpu.memory_space<hbm>> -> memref<10000x128xf32, #tpu.memory_space<hbm>>
        tpu.enqueue_indirect_dma source(%dma_start3A_232 : memref<10000x128xf32, #tpu.memory_space<hbm>>) target(%arg26 : memref<32x128xf32, #tpu.memory_space<vmem>>) offsets(%arg12 : memref<32xi32, #tpu.memory_space<vmem>>) semaphore(%arg37 : memref<!tpu.dma_semaphore, #tpu.memory_space<semaphore_mem>>)
        %dma_start3A_233 = arith.constant 0 : i32
        %dma_start3A_234 = tpu.memref_slice %arg5[%mul3A_223, %dma_start3A_233] : memref<320000x128xf32, #tpu.memory_space<hbm>> -> memref<32x128xf32, #tpu.memory_space<hbm>>
        %dma_start3A_235 = arith.constant 0 : i32
        %dma_start3A_236 = tpu.memref_slice %arg5[%mul3A_223, %dma_start3A_235] : memref<320000x128xf32, #tpu.memory_space<hbm>> -> memref<32x128xf32, #tpu.memory_space<hbm>>
        tpu.enqueue_dma source(%dma_start3A_236 : memref<32x128xf32, #tpu.memory_space<hbm>>) target(%arg28 : memref<32x128xf32, #tpu.memory_space<vmem>>) target_semaphore(%arg39 : memref<!tpu.dma_semaphore, #tpu.memory_space<semaphore_mem>>)
      } else {
      }
      %lt3A_142 = arith.constant 10000 : i32
      %lt3A_143 = arith.cmpi slt, %add3A_132, %lt3A_142 : i32
      %convert_element_type3A_144 = arith.extui %lt3A_143 : i1 to i32
      %cond3A_145 = arith.constant 0 : i32
      %cond3A_146 = arith.cmpi ne, %convert_element_type3A_144, %cond3A_145 : i32
      scf.if %cond3A_146 {
        %mul3A_178 = arith.constant 32 : i32
        %mul3A_179 = arith.muli %add3A_132, %mul3A_178 : i32
        %ge3A = arith.constant 10000 : i32
        %ge3A_180 = arith.cmpi sge, %add3A_134, %ge3A : i32
        %gt3A = arith.constant 0 : i32
        %gt3A_181 = arith.cmpi sgt, %mul3A_129, %gt3A : i32
        %and3A_182 = arith.andi %ge3A_180, %gt3A_181 : i1
        %convert_element_type3A_183 = arith.extui %and3A_182 : i1 to i32
        %cond3A_184 = arith.constant 0 : i32
        %cond3A_185 = arith.cmpi ne, %convert_element_type3A_183, %cond3A_184 : i32
        scf.if %cond3A_185 {
          %dma_wait3A_215 = arith.constant 0 : i32
          %dma_wait3A_216 = arith.constant 0 : i32
          %dma_wait3A_217 = tpu.memref_slice %arg31[%dma_wait3A_215, %dma_wait3A_216] : memref<1280x128xf32, #tpu.memory_space<vmem_shared>> -> memref<1280x128xf32, #tpu.memory_space<vmem_shared>>
          tpu.wait_indirect_dma semaphore(%arg47 : memref<!tpu.dma_semaphore, #tpu.memory_space<semaphore_mem>>) src(%arg29 : memref<32x128xf32, #tpu.memory_space<vmem>>) dst(%dma_wait3A_217 : memref<1280x128xf32, #tpu.memory_space<vmem_shared>>)
        } else {
        }
        %dma_wait3A_186 = arith.constant 0 : i32
        %dma_wait3A_187 = arith.constant 0 : i32
        %dma_wait3A_188 = tpu.memref_slice %arg2[%dma_wait3A_186, %dma_wait3A_187] : memref<10000x128xf32, #tpu.memory_space<hbm>> -> memref<10000x128xf32, #tpu.memory_space<hbm>>
        tpu.wait_indirect_dma semaphore(%arg32 : memref<!tpu.dma_semaphore, #tpu.memory_space<semaphore_mem>>) src(%dma_wait3A_188 : memref<10000x128xf32, #tpu.memory_space<hbm>>) dst(%arg21 : memref<32x128xf32, #tpu.memory_space<vmem>>)
        %dma_wait3A_189 = arith.constant 0 : i32
        %dma_wait3A_190 = arith.constant 0 : i32
        %dma_wait3A_191 = tpu.memref_slice %arg3[%dma_wait3A_189, %dma_wait3A_190] : memref<10000x128xf32, #tpu.memory_space<hbm>> -> memref<10000x128xf32, #tpu.memory_space<hbm>>
        tpu.wait_indirect_dma semaphore(%arg34 : memref<!tpu.dma_semaphore, #tpu.memory_space<semaphore_mem>>) src(%dma_wait3A_191 : memref<10000x128xf32, #tpu.memory_space<hbm>>) dst(%arg23 : memref<32x128xf32, #tpu.memory_space<vmem>>)
        %dma_wait3A_192 = arith.constant 0 : i32
        %dma_wait3A_193 = arith.constant 0 : i32
        %dma_wait3A_194 = tpu.memref_slice %arg4[%dma_wait3A_192, %dma_wait3A_193] : memref<10000x128xf32, #tpu.memory_space<hbm>> -> memref<10000x128xf32, #tpu.memory_space<hbm>>
        tpu.wait_indirect_dma semaphore(%arg36 : memref<!tpu.dma_semaphore, #tpu.memory_space<semaphore_mem>>) src(%dma_wait3A_194 : memref<10000x128xf32, #tpu.memory_space<hbm>>) dst(%arg25 : memref<32x128xf32, #tpu.memory_space<vmem>>)
        %dma_wait3A_195 = arith.constant 0 : i32
        %dma_wait3A_196 = tpu.memref_slice %arg5[%mul3A_179, %dma_wait3A_195] : memref<320000x128xf32, #tpu.memory_space<hbm>> -> memref<32x128xf32, #tpu.memory_space<hbm>>
        %dma_wait3A_197 = arith.constant 0 : i32
        %dma_wait3A_198 = tpu.memref_slice %arg5[%mul3A_179, %dma_wait3A_197] : memref<320000x128xf32, #tpu.memory_space<hbm>> -> memref<32x128xf32, #tpu.memory_space<hbm>>
        tpu.wait_dma2 semaphore(%arg38 : memref<!tpu.dma_semaphore, #tpu.memory_space<semaphore_mem>>) src(%dma_wait3A_198 : memref<32x128xf32, #tpu.memory_space<hbm>>) dst(%arg27 : memref<32x128xf32, #tpu.memory_space<vmem>>)
        %scan3A_199 = arith.constant 0 : i32
        %scan3A_200 = arith.constant 0 : i32
        %scan3A_201 = arith.constant 32 : i32
        %scan3A_202 = arith.addi %scan3A_200, %scan3A_201 : i32
        %scan3A_203 = arith.constant 1 : i32
        scf.for %scan3A_215 = %scan3A_200 to %scan3A_202 step %scan3A_203  : i32 {
          %broadcast_in_dim3A_216 = arith.constant 0.000000e+00 : f32
          %broadcast_in_dim3A_217 = vector.broadcast %broadcast_in_dim3A_216 : f32 to vector<16xf32>
          %get3A_218 = arith.index_cast %scan3A_215 : i32 to index
          %get3A_219 = arith.constant 0 : index
          %get3A_220 = tpu.vector_load %arg21[%get3A_218, %get3A_219] {strides = array<i32>} : memref<32x128xf32, #tpu.memory_space<vmem>>, vector<16xf32>,
          %get3A_221 = arith.index_cast %scan3A_215 : i32 to index
          %get3A_222 = arith.constant 0 : index
          %get3A_223 = tpu.vector_load %arg23[%get3A_221, %get3A_222] {strides = array<i32>} : memref<32x128xf32, #tpu.memory_space<vmem>>, vector<16xf32>,
          %mul3A_224 = arith.mulf %get3A_220, %get3A_223 : vector<16xf32>
          %mul3A_225 = arith.constant 2.500000e-01 : f32
          %mul3A_226 = vector.broadcast %mul3A_225 : f32 to vector<16xf32>
          %mul3A_227 = arith.mulf %mul3A_224, %mul3A_226 : vector<16xf32>
          %get3A_228 = arith.index_cast %scan3A_215 : i32 to index
          %get3A_229 = arith.constant 0 : index
          %get3A_230 = tpu.vector_load %arg27[%get3A_228, %get3A_229] {strides = array<i32>} : memref<32x128xf32, #tpu.memory_space<vmem>>, vector<16xf32>,
          %mul3A_231 = arith.mulf %mul3A_227, %get3A_230 : vector<16xf32>
          %swap3A_232 = arith.index_cast %scan3A_215 : i32 to index
          %swap3A_233 = arith.constant 0 : index
          %swap3A_234 = tpu.vector_load %arg27[%swap3A_232, %swap3A_233] {strides = array<i32>} : memref<32x128xf32, #tpu.memory_space<vmem>>, vector<16xf32>,
          tpu.vector_store %arg27[%swap3A_232, %swap3A_233], %mul3A_231 {strides = array<i32>} : memref<32x128xf32, #tpu.memory_space<vmem>>, vector<16xf32>,
          %broadcast_in_dim3A_235 = arith.constant true
          %broadcast_in_dim3A_236 = vector.broadcast %broadcast_in_dim3A_235 : i1 to vector<16xi1>
          %masked_cumsum3A = tpu.scan <sum>, %mul3A_231 masked %broadcast_in_dim3A_236 : vector<16xf32>, vector<16xi1> -> vector<16xf32>
          %broadcast_in_dim3A_237 = vector.shape_cast %broadcast_in_dim3A_3 : vector<16xi32> to vector<16x1xi32>
          %gather3A = vector.shape_cast %broadcast_in_dim3A_237 : vector<16x1xi32> to vector<16xi32>
          %gather3A_238 = tpu.dynamic_gather %masked_cumsum3A[%gather3A] in [0] : vector<16xf32>, vector<16xi32> -> vector<16xf32>
          %eq3A_239 = arith.constant 0 : i32
          %eq3A_240 = vector.broadcast %eq3A_239 : i32 to vector<16xi32>
          %eq3A_241 = arith.cmpi eq, %iota3A, %eq3A_240 : vector<16xi32>
          %select_n3A = arith.select %eq3A_241, %gather3A_238, %broadcast_in_dim3A_217 : vector<16xi1>, vector<16xf32>
          %get3A_242 = arith.index_cast %scan3A_215 : i32 to index
          %get3A_243 = arith.constant 16 : index
          %get3A_244 = tpu.vector_load %arg21[%get3A_242, %get3A_243] {strides = array<i32>} : memref<32x128xf32, #tpu.memory_space<vmem>>, vector<16xf32>,
          %get3A_245 = arith.index_cast %scan3A_215 : i32 to index
          %get3A_246 = arith.constant 16 : index
          %get3A_247 = tpu.vector_load %arg23[%get3A_245, %get3A_246] {strides = array<i32>} : memref<32x128xf32, #tpu.memory_space<vmem>>, vector<16xf32>,
          %mul3A_248 = arith.mulf %get3A_244, %get3A_247 : vector<16xf32>
          %mul3A_249 = arith.constant 2.500000e-01 : f32
          %mul3A_250 = vector.broadcast %mul3A_249 : f32 to vector<16xf32>
          %mul3A_251 = arith.mulf %mul3A_248, %mul3A_250 : vector<16xf32>
          %get3A_252 = arith.index_cast %scan3A_215 : i32 to index
          %get3A_253 = arith.constant 16 : index
          %get3A_254 = tpu.vector_load %arg27[%get3A_252, %get3A_253] {strides = array<i32>} : memref<32x128xf32, #tpu.memory_space<vmem>>, vector<16xf32>,
          %mul3A_255 = arith.mulf %mul3A_251, %get3A_254 : vector<16xf32>
          %swap3A_256 = arith.index_cast %scan3A_215 : i32 to index
          %swap3A_257 = arith.constant 16 : index
          %swap3A_258 = tpu.vector_load %arg27[%swap3A_256, %swap3A_257] {strides = array<i32>} : memref<32x128xf32, #tpu.memory_space<vmem>>, vector<16xf32>,
          tpu.vector_store %arg27[%swap3A_256, %swap3A_257], %mul3A_255 {strides = array<i32>} : memref<32x128xf32, #tpu.memory_space<vmem>>, vector<16xf32>,
          %broadcast_in_dim3A_259 = arith.constant true
          %broadcast_in_dim3A_260 = vector.broadcast %broadcast_in_dim3A_259 : i1 to vector<16xi1>
          %masked_cumsum3A_261 = tpu.scan <sum>, %mul3A_255 masked %broadcast_in_dim3A_260 : vector<16xf32>, vector<16xi1> -> vector<16xf32>
          %broadcast_in_dim3A_262 = vector.shape_cast %broadcast_in_dim3A_3 : vector<16xi32> to vector<16x1xi32>
          %gather3A_263 = vector.shape_cast %broadcast_in_dim3A_262 : vector<16x1xi32> to vector<16xi32>
          %gather3A_264 = tpu.dynamic_gather %masked_cumsum3A_261[%gather3A_263] in [0] : vector<16xf32>, vector<16xi32> -> vector<16xf32>
          %eq3A_265 = arith.constant 1 : i32
          %eq3A_266 = vector.broadcast %eq3A_265 : i32 to vector<16xi32>
          %eq3A_267 = arith.cmpi eq, %iota3A, %eq3A_266 : vector<16xi32>
          %select_n3A_268 = arith.select %eq3A_267, %gather3A_264, %select_n3A : vector<16xi1>, vector<16xf32>
          %get3A_269 = arith.index_cast %scan3A_215 : i32 to index
          %get3A_270 = arith.constant 32 : index
          %get3A_271 = tpu.vector_load %arg21[%get3A_269, %get3A_270] {strides = array<i32>} : memref<32x128xf32, #tpu.memory_space<vmem>>, vector<16xf32>,
          %get3A_272 = arith.index_cast %scan3A_215 : i32 to index
          %get3A_273 = arith.constant 32 : index
          %get3A_274 = tpu.vector_load %arg23[%get3A_272, %get3A_273] {strides = array<i32>} : memref<32x128xf32, #tpu.memory_space<vmem>>, vector<16xf32>,
          %mul3A_275 = arith.mulf %get3A_271, %get3A_274 : vector<16xf32>
          %mul3A_276 = arith.constant 2.500000e-01 : f32
          %mul3A_277 = vector.broadcast %mul3A_276 : f32 to vector<16xf32>
          %mul3A_278 = arith.mulf %mul3A_275, %mul3A_277 : vector<16xf32>
          %get3A_279 = arith.index_cast %scan3A_215 : i32 to index
          %get3A_280 = arith.constant 32 : index
          %get3A_281 = tpu.vector_load %arg27[%get3A_279, %get3A_280] {strides = array<i32>} : memref<32x128xf32, #tpu.memory_space<vmem>>, vector<16xf32>,
          %mul3A_282 = arith.mulf %mul3A_278, %get3A_281 : vector<16xf32>
          %swap3A_283 = arith.index_cast %scan3A_215 : i32 to index
          %swap3A_284 = arith.constant 32 : index
          %swap3A_285 = tpu.vector_load %arg27[%swap3A_283, %swap3A_284] {strides = array<i32>} : memref<32x128xf32, #tpu.memory_space<vmem>>, vector<16xf32>,
          tpu.vector_store %arg27[%swap3A_283, %swap3A_284], %mul3A_282 {strides = array<i32>} : memref<32x128xf32, #tpu.memory_space<vmem>>, vector<16xf32>,
          %broadcast_in_dim3A_286 = arith.constant true
          %broadcast_in_dim3A_287 = vector.broadcast %broadcast_in_dim3A_286 : i1 to vector<16xi1>
          %masked_cumsum3A_288 = tpu.scan <sum>, %mul3A_282 masked %broadcast_in_dim3A_287 : vector<16xf32>, vector<16xi1> -> vector<16xf32>
          %broadcast_in_dim3A_289 = vector.shape_cast %broadcast_in_dim3A_3 : vector<16xi32> to vector<16x1xi32>
          %gather3A_290 = vector.shape_cast %broadcast_in_dim3A_289 : vector<16x1xi32> to vector<16xi32>
          %gather3A_291 = tpu.dynamic_gather %masked_cumsum3A_288[%gather3A_290] in [0] : vector<16xf32>, vector<16xi32> -> vector<16xf32>
          %eq3A_292 = arith.constant 2 : i32
          %eq3A_293 = vector.broadcast %eq3A_292 : i32 to vector<16xi32>
          %eq3A_294 = arith.cmpi eq, %iota3A, %eq3A_293 : vector<16xi32>
          %select_n3A_295 = arith.select %eq3A_294, %gather3A_291, %select_n3A_268 : vector<16xi1>, vector<16xf32>
          %get3A_296 = arith.index_cast %scan3A_215 : i32 to index
          %get3A_297 = arith.constant 48 : index
          %get3A_298 = tpu.vector_load %arg21[%get3A_296, %get3A_297] {strides = array<i32>} : memref<32x128xf32, #tpu.memory_space<vmem>>, vector<16xf32>,
          %get3A_299 = arith.index_cast %scan3A_215 : i32 to index
          %get3A_300 = arith.constant 48 : index
          %get3A_301 = tpu.vector_load %arg23[%get3A_299, %get3A_300] {strides = array<i32>} : memref<32x128xf32, #tpu.memory_space<vmem>>, vector<16xf32>,
          %mul3A_302 = arith.mulf %get3A_298, %get3A_301 : vector<16xf32>
          %mul3A_303 = arith.constant 2.500000e-01 : f32
          %mul3A_304 = vector.broadcast %mul3A_303 : f32 to vector<16xf32>
          %mul3A_305 = arith.mulf %mul3A_302, %mul3A_304 : vector<16xf32>
          %get3A_306 = arith.index_cast %scan3A_215 : i32 to index
          %get3A_307 = arith.constant 48 : index
          %get3A_308 = tpu.vector_load %arg27[%get3A_306, %get3A_307] {strides = array<i32>} : memref<32x128xf32, #tpu.memory_space<vmem>>, vector<16xf32>,
          %mul3A_309 = arith.mulf %mul3A_305, %get3A_308 : vector<16xf32>
          %swap3A_310 = arith.index_cast %scan3A_215 : i32 to index
          %swap3A_311 = arith.constant 48 : index
          %swap3A_312 = tpu.vector_load %arg27[%swap3A_310, %swap3A_311] {strides = array<i32>} : memref<32x128xf32, #tpu.memory_space<vmem>>, vector<16xf32>,
          tpu.vector_store %arg27[%swap3A_310, %swap3A_311], %mul3A_309 {strides = array<i32>} : memref<32x128xf32, #tpu.memory_space<vmem>>, vector<16xf32>,
          %broadcast_in_dim3A_313 = arith.constant true
          %broadcast_in_dim3A_314 = vector.broadcast %broadcast_in_dim3A_313 : i1 to vector<16xi1>
          %masked_cumsum3A_315 = tpu.scan <sum>, %mul3A_309 masked %broadcast_in_dim3A_314 : vector<16xf32>, vector<16xi1> -> vector<16xf32>
          %broadcast_in_dim3A_316 = vector.shape_cast %broadcast_in_dim3A_3 : vector<16xi32> to vector<16x1xi32>
          %gather3A_317 = vector.shape_cast %broadcast_in_dim3A_316 : vector<16x1xi32> to vector<16xi32>
          %gather3A_318 = tpu.dynamic_gather %masked_cumsum3A_315[%gather3A_317] in [0] : vector<16xf32>, vector<16xi32> -> vector<16xf32>
          %eq3A_319 = arith.constant 3 : i32
          %eq3A_320 = vector.broadcast %eq3A_319 : i32 to vector<16xi32>
          %eq3A_321 = arith.cmpi eq, %iota3A, %eq3A_320 : vector<16xi32>
          %select_n3A_322 = arith.select %eq3A_321, %gather3A_318, %select_n3A_295 : vector<16xi1>, vector<16xf32>
          %get3A_323 = arith.index_cast %scan3A_215 : i32 to index
          %get3A_324 = arith.constant 64 : index
          %get3A_325 = tpu.vector_load %arg21[%get3A_323, %get3A_324] {strides = array<i32>} : memref<32x128xf32, #tpu.memory_space<vmem>>, vector<16xf32>,
          %get3A_326 = arith.index_cast %scan3A_215 : i32 to index
          %get3A_327 = arith.constant 64 : index
          %get3A_328 = tpu.vector_load %arg23[%get3A_326, %get3A_327] {strides = array<i32>} : memref<32x128xf32, #tpu.memory_space<vmem>>, vector<16xf32>,
          %mul3A_329 = arith.mulf %get3A_325, %get3A_328 : vector<16xf32>
          %mul3A_330 = arith.constant 2.500000e-01 : f32
          %mul3A_331 = vector.broadcast %mul3A_330 : f32 to vector<16xf32>
          %mul3A_332 = arith.mulf %mul3A_329, %mul3A_331 : vector<16xf32>
          %get3A_333 = arith.index_cast %scan3A_215 : i32 to index
          %get3A_334 = arith.constant 64 : index
          %get3A_335 = tpu.vector_load %arg27[%get3A_333, %get3A_334] {strides = array<i32>} : memref<32x128xf32, #tpu.memory_space<vmem>>, vector<16xf32>,
          %mul3A_336 = arith.mulf %mul3A_332, %get3A_335 : vector<16xf32>
          %swap3A_337 = arith.index_cast %scan3A_215 : i32 to index
          %swap3A_338 = arith.constant 64 : index
          %swap3A_339 = tpu.vector_load %arg27[%swap3A_337, %swap3A_338] {strides = array<i32>} : memref<32x128xf32, #tpu.memory_space<vmem>>, vector<16xf32>,
          tpu.vector_store %arg27[%swap3A_337, %swap3A_338], %mul3A_336 {strides = array<i32>} : memref<32x128xf32, #tpu.memory_space<vmem>>, vector<16xf32>,
          %broadcast_in_dim3A_340 = arith.constant true
          %broadcast_in_dim3A_341 = vector.broadcast %broadcast_in_dim3A_340 : i1 to vector<16xi1>
          %masked_cumsum3A_342 = tpu.scan <sum>, %mul3A_336 masked %broadcast_in_dim3A_341 : vector<16xf32>, vector<16xi1> -> vector<16xf32>
          %broadcast_in_dim3A_343 = vector.shape_cast %broadcast_in_dim3A_3 : vector<16xi32> to vector<16x1xi32>
          %gather3A_344 = vector.shape_cast %broadcast_in_dim3A_343 : vector<16x1xi32> to vector<16xi32>
          %gather3A_345 = tpu.dynamic_gather %masked_cumsum3A_342[%gather3A_344] in [0] : vector<16xf32>, vector<16xi32> -> vector<16xf32>
          %eq3A_346 = arith.constant 4 : i32
          %eq3A_347 = vector.broadcast %eq3A_346 : i32 to vector<16xi32>
          %eq3A_348 = arith.cmpi eq, %iota3A, %eq3A_347 : vector<16xi32>
          %select_n3A_349 = arith.select %eq3A_348, %gather3A_345, %select_n3A_322 : vector<16xi1>, vector<16xf32>
          %get3A_350 = arith.index_cast %scan3A_215 : i32 to index
          %get3A_351 = arith.constant 80 : index
          %get3A_352 = tpu.vector_load %arg21[%get3A_350, %get3A_351] {strides = array<i32>} : memref<32x128xf32, #tpu.memory_space<vmem>>, vector<16xf32>,
          %get3A_353 = arith.index_cast %scan3A_215 : i32 to index
          %get3A_354 = arith.constant 80 : index
          %get3A_355 = tpu.vector_load %arg23[%get3A_353, %get3A_354] {strides = array<i32>} : memref<32x128xf32, #tpu.memory_space<vmem>>, vector<16xf32>,
          %mul3A_356 = arith.mulf %get3A_352, %get3A_355 : vector<16xf32>
          %mul3A_357 = arith.constant 2.500000e-01 : f32
          %mul3A_358 = vector.broadcast %mul3A_357 : f32 to vector<16xf32>
          %mul3A_359 = arith.mulf %mul3A_356, %mul3A_358 : vector<16xf32>
          %get3A_360 = arith.index_cast %scan3A_215 : i32 to index
          %get3A_361 = arith.constant 80 : index
          %get3A_362 = tpu.vector_load %arg27[%get3A_360, %get3A_361] {strides = array<i32>} : memref<32x128xf32, #tpu.memory_space<vmem>>, vector<16xf32>,
          %mul3A_363 = arith.mulf %mul3A_359, %get3A_362 : vector<16xf32>
          %swap3A_364 = arith.index_cast %scan3A_215 : i32 to index
          %swap3A_365 = arith.constant 80 : index
          %swap3A_366 = tpu.vector_load %arg27[%swap3A_364, %swap3A_365] {strides = array<i32>} : memref<32x128xf32, #tpu.memory_space<vmem>>, vector<16xf32>,
          tpu.vector_store %arg27[%swap3A_364, %swap3A_365], %mul3A_363 {strides = array<i32>} : memref<32x128xf32, #tpu.memory_space<vmem>>, vector<16xf32>,
          %broadcast_in_dim3A_367 = arith.constant true
          %broadcast_in_dim3A_368 = vector.broadcast %broadcast_in_dim3A_367 : i1 to vector<16xi1>
          %masked_cumsum3A_369 = tpu.scan <sum>, %mul3A_363 masked %broadcast_in_dim3A_368 : vector<16xf32>, vector<16xi1> -> vector<16xf32>
          %broadcast_in_dim3A_370 = vector.shape_cast %broadcast_in_dim3A_3 : vector<16xi32> to vector<16x1xi32>
          %gather3A_371 = vector.shape_cast %broadcast_in_dim3A_370 : vector<16x1xi32> to vector<16xi32>
          %gather3A_372 = tpu.dynamic_gather %masked_cumsum3A_369[%gather3A_371] in [0] : vector<16xf32>, vector<16xi32> -> vector<16xf32>
          %eq3A_373 = arith.constant 5 : i32
          %eq3A_374 = vector.broadcast %eq3A_373 : i32 to vector<16xi32>
          %eq3A_375 = arith.cmpi eq, %iota3A, %eq3A_374 : vector<16xi32>
          %select_n3A_376 = arith.select %eq3A_375, %gather3A_372, %select_n3A_349 : vector<16xi1>, vector<16xf32>
          %get3A_377 = arith.index_cast %scan3A_215 : i32 to index
          %get3A_378 = arith.constant 96 : index
          %get3A_379 = tpu.vector_load %arg21[%get3A_377, %get3A_378] {strides = array<i32>} : memref<32x128xf32, #tpu.memory_space<vmem>>, vector<16xf32>,
          %get3A_380 = arith.index_cast %scan3A_215 : i32 to index
          %get3A_381 = arith.constant 96 : index
          %get3A_382 = tpu.vector_load %arg23[%get3A_380, %get3A_381] {strides = array<i32>} : memref<32x128xf32, #tpu.memory_space<vmem>>, vector<16xf32>,
          %mul3A_383 = arith.mulf %get3A_379, %get3A_382 : vector<16xf32>
          %mul3A_384 = arith.constant 2.500000e-01 : f32
          %mul3A_385 = vector.broadcast %mul3A_384 : f32 to vector<16xf32>
          %mul3A_386 = arith.mulf %mul3A_383, %mul3A_385 : vector<16xf32>
          %get3A_387 = arith.index_cast %scan3A_215 : i32 to index
          %get3A_388 = arith.constant 96 : index
          %get3A_389 = tpu.vector_load %arg27[%get3A_387, %get3A_388] {strides = array<i32>} : memref<32x128xf32, #tpu.memory_space<vmem>>, vector<16xf32>,
          %mul3A_390 = arith.mulf %mul3A_386, %get3A_389 : vector<16xf32>
          %swap3A_391 = arith.index_cast %scan3A_215 : i32 to index
          %swap3A_392 = arith.constant 96 : index
          %swap3A_393 = tpu.vector_load %arg27[%swap3A_391, %swap3A_392] {strides = array<i32>} : memref<32x128xf32, #tpu.memory_space<vmem>>, vector<16xf32>,
          tpu.vector_store %arg27[%swap3A_391, %swap3A_392], %mul3A_390 {strides = array<i32>} : memref<32x128xf32, #tpu.memory_space<vmem>>, vector<16xf32>,
          %broadcast_in_dim3A_394 = arith.constant true
          %broadcast_in_dim3A_395 = vector.broadcast %broadcast_in_dim3A_394 : i1 to vector<16xi1>
          %masked_cumsum3A_396 = tpu.scan <sum>, %mul3A_390 masked %broadcast_in_dim3A_395 : vector<16xf32>, vector<16xi1> -> vector<16xf32>
          %broadcast_in_dim3A_397 = vector.shape_cast %broadcast_in_dim3A_3 : vector<16xi32> to vector<16x1xi32>
          %gather3A_398 = vector.shape_cast %broadcast_in_dim3A_397 : vector<16x1xi32> to vector<16xi32>
          %gather3A_399 = tpu.dynamic_gather %masked_cumsum3A_396[%gather3A_398] in [0] : vector<16xf32>, vector<16xi32> -> vector<16xf32>
          %eq3A_400 = arith.constant 6 : i32
          %eq3A_401 = vector.broadcast %eq3A_400 : i32 to vector<16xi32>
          %eq3A_402 = arith.cmpi eq, %iota3A, %eq3A_401 : vector<16xi32>
          %select_n3A_403 = arith.select %eq3A_402, %gather3A_399, %select_n3A_376 : vector<16xi1>, vector<16xf32>
          %get3A_404 = arith.index_cast %scan3A_215 : i32 to index
          %get3A_405 = arith.constant 112 : index
          %get3A_406 = tpu.vector_load %arg21[%get3A_404, %get3A_405] {strides = array<i32>} : memref<32x128xf32, #tpu.memory_space<vmem>>, vector<16xf32>,
          %get3A_407 = arith.index_cast %scan3A_215 : i32 to index
          %get3A_408 = arith.constant 112 : index
          %get3A_409 = tpu.vector_load %arg23[%get3A_407, %get3A_408] {strides = array<i32>} : memref<32x128xf32, #tpu.memory_space<vmem>>, vector<16xf32>,
          %mul3A_410 = arith.mulf %get3A_406, %get3A_409 : vector<16xf32>
          %mul3A_411 = arith.constant 2.500000e-01 : f32
          %mul3A_412 = vector.broadcast %mul3A_411 : f32 to vector<16xf32>
          %mul3A_413 = arith.mulf %mul3A_410, %mul3A_412 : vector<16xf32>
          %get3A_414 = arith.index_cast %scan3A_215 : i32 to index
          %get3A_415 = arith.constant 112 : index
          %get3A_416 = tpu.vector_load %arg27[%get3A_414, %get3A_415] {strides = array<i32>} : memref<32x128xf32, #tpu.memory_space<vmem>>, vector<16xf32>,
          %mul3A_417 = arith.mulf %mul3A_413, %get3A_416 : vector<16xf32>
          %swap3A_418 = arith.index_cast %scan3A_215 : i32 to index
          %swap3A_419 = arith.constant 112 : index
          %swap3A_420 = tpu.vector_load %arg27[%swap3A_418, %swap3A_419] {strides = array<i32>} : memref<32x128xf32, #tpu.memory_space<vmem>>, vector<16xf32>,
          tpu.vector_store %arg27[%swap3A_418, %swap3A_419], %mul3A_417 {strides = array<i32>} : memref<32x128xf32, #tpu.memory_space<vmem>>, vector<16xf32>,
          %broadcast_in_dim3A_421 = arith.constant true
          %broadcast_in_dim3A_422 = vector.broadcast %broadcast_in_dim3A_421 : i1 to vector<16xi1>
          %masked_cumsum3A_423 = tpu.scan <sum>, %mul3A_417 masked %broadcast_in_dim3A_422 : vector<16xf32>, vector<16xi1> -> vector<16xf32>
          %broadcast_in_dim3A_424 = vector.shape_cast %broadcast_in_dim3A_3 : vector<16xi32> to vector<16x1xi32>
          %gather3A_425 = vector.shape_cast %broadcast_in_dim3A_424 : vector<16x1xi32> to vector<16xi32>
          %gather3A_426 = tpu.dynamic_gather %masked_cumsum3A_423[%gather3A_425] in [0] : vector<16xf32>, vector<16xi32> -> vector<16xf32>
          %eq3A_427 = arith.constant 7 : i32
          %eq3A_428 = vector.broadcast %eq3A_427 : i32 to vector<16xi32>
          %eq3A_429 = arith.cmpi eq, %iota3A, %eq3A_428 : vector<16xi32>
          %select_n3A_430 = arith.select %eq3A_429, %gather3A_426, %select_n3A_403 : vector<16xi1>, vector<16xf32>
          %jit3A = arith.constant -5.000000e+00 : f32
          %jit3A_431 = arith.constant 5.000000e+00 : f32
          %max3A = vector.broadcast %jit3A : f32 to vector<16xf32>
          %max3A_432 = arith.maximumf %max3A, %select_n3A_430 : vector<16xf32>
          %min3A = vector.broadcast %jit3A_431 : f32 to vector<16xf32>
          %min3A_433 = arith.minimumf %min3A, %max3A_432 : vector<16xf32>
          %exp3A = math.exp %min3A_433 : vector<16xf32>
          %broadcast_in_dim3A_434 = arith.constant 0 : i32
          %broadcast_in_dim3A_435 = vector.broadcast %broadcast_in_dim3A_434 : i32 to vector<16xi32>
          %broadcast_in_dim3A_436 = vector.shape_cast %broadcast_in_dim3A_435 : vector<16xi32> to vector<16x1xi32>
          %gather3A_437 = vector.shape_cast %broadcast_in_dim3A_436 : vector<16x1xi32> to vector<16xi32>
          %gather3A_438 = tpu.dynamic_gather %exp3A[%gather3A_437] in [0] : vector<16xf32>, vector<16xi32> -> vector<16xf32>
          %get3A_439 = arith.index_cast %scan3A_215 : i32 to index
          %get3A_440 = arith.constant 0 : index
          %get3A_441 = tpu.vector_load %arg25[%get3A_439, %get3A_440] {strides = array<i32>} : memref<32x128xf32, #tpu.memory_space<vmem>>, vector<16xf32>,
          %mul3A_442 = arith.mulf %get3A_441, %gather3A_438 : vector<16xf32>
          %swap3A_443 = arith.index_cast %scan3A_215 : i32 to index
          %swap3A_444 = arith.constant 0 : index
          %swap3A_445 = tpu.vector_load %arg25[%swap3A_443, %swap3A_444] {strides = array<i32>} : memref<32x128xf32, #tpu.memory_space<vmem>>, vector<16xf32>,
          tpu.vector_store %arg25[%swap3A_443, %swap3A_444], %mul3A_442 {strides = array<i32>} : memref<32x128xf32, #tpu.memory_space<vmem>>, vector<16xf32>,
          %broadcast_in_dim3A_446 = arith.constant 1 : i32
          %broadcast_in_dim3A_447 = vector.broadcast %broadcast_in_dim3A_446 : i32 to vector<16xi32>
          %broadcast_in_dim3A_448 = vector.shape_cast %broadcast_in_dim3A_447 : vector<16xi32> to vector<16x1xi32>
          %gather3A_449 = vector.shape_cast %broadcast_in_dim3A_448 : vector<16x1xi32> to vector<16xi32>
          %gather3A_450 = tpu.dynamic_gather %exp3A[%gather3A_449] in [0] : vector<16xf32>, vector<16xi32> -> vector<16xf32>
          %get3A_451 = arith.index_cast %scan3A_215 : i32 to index
          %get3A_452 = arith.constant 16 : index
          %get3A_453 = tpu.vector_load %arg25[%get3A_451, %get3A_452] {strides = array<i32>} : memref<32x128xf32, #tpu.memory_space<vmem>>, vector<16xf32>,
          %mul3A_454 = arith.mulf %get3A_453, %gather3A_450 : vector<16xf32>
          %swap3A_455 = arith.index_cast %scan3A_215 : i32 to index
          %swap3A_456 = arith.constant 16 : index
          %swap3A_457 = tpu.vector_load %arg25[%swap3A_455, %swap3A_456] {strides = array<i32>} : memref<32x128xf32, #tpu.memory_space<vmem>>, vector<16xf32>,
          tpu.vector_store %arg25[%swap3A_455, %swap3A_456], %mul3A_454 {strides = array<i32>} : memref<32x128xf32, #tpu.memory_space<vmem>>, vector<16xf32>,
          %broadcast_in_dim3A_458 = arith.constant 2 : i32
          %broadcast_in_dim3A_459 = vector.broadcast %broadcast_in_dim3A_458 : i32 to vector<16xi32>
          %broadcast_in_dim3A_460 = vector.shape_cast %broadcast_in_dim3A_459 : vector<16xi32> to vector<16x1xi32>
          %gather3A_461 = vector.shape_cast %broadcast_in_dim3A_460 : vector<16x1xi32> to vector<16xi32>
          %gather3A_462 = tpu.dynamic_gather %exp3A[%gather3A_461] in [0] : vector<16xf32>, vector<16xi32> -> vector<16xf32>
          %get3A_463 = arith.index_cast %scan3A_215 : i32 to index
          %get3A_464 = arith.constant 32 : index
          %get3A_465 = tpu.vector_load %arg25[%get3A_463, %get3A_464] {strides = array<i32>} : memref<32x128xf32, #tpu.memory_space<vmem>>, vector<16xf32>,
          %mul3A_466 = arith.mulf %get3A_465, %gather3A_462 : vector<16xf32>
          %swap3A_467 = arith.index_cast %scan3A_215 : i32 to index
          %swap3A_468 = arith.constant 32 : index
          %swap3A_469 = tpu.vector_load %arg25[%swap3A_467, %swap3A_468] {strides = array<i32>} : memref<32x128xf32, #tpu.memory_space<vmem>>, vector<16xf32>,
          tpu.vector_store %arg25[%swap3A_467, %swap3A_468], %mul3A_466 {strides = array<i32>} : memref<32x128xf32, #tpu.memory_space<vmem>>, vector<16xf32>,
          %broadcast_in_dim3A_470 = arith.constant 3 : i32
          %broadcast_in_dim3A_471 = vector.broadcast %broadcast_in_dim3A_470 : i32 to vector<16xi32>
          %broadcast_in_dim3A_472 = vector.shape_cast %broadcast_in_dim3A_471 : vector<16xi32> to vector<16x1xi32>
          %gather3A_473 = vector.shape_cast %broadcast_in_dim3A_472 : vector<16x1xi32> to vector<16xi32>
          %gather3A_474 = tpu.dynamic_gather %exp3A[%gather3A_473] in [0] : vector<16xf32>, vector<16xi32> -> vector<16xf32>
          %get3A_475 = arith.index_cast %scan3A_215 : i32 to index
          %get3A_476 = arith.constant 48 : index
          %get3A_477 = tpu.vector_load %arg25[%get3A_475, %get3A_476] {strides = array<i32>} : memref<32x128xf32, #tpu.memory_space<vmem>>, vector<16xf32>,
          %mul3A_478 = arith.mulf %get3A_477, %gather3A_474 : vector<16xf32>
          %swap3A_479 = arith.index_cast %scan3A_215 : i32 to index
          %swap3A_480 = arith.constant 48 : index
          %swap3A_481 = tpu.vector_load %arg25[%swap3A_479, %swap3A_480] {strides = array<i32>} : memref<32x128xf32, #tpu.memory_space<vmem>>, vector<16xf32>,
          tpu.vector_store %arg25[%swap3A_479, %swap3A_480], %mul3A_478 {strides = array<i32>} : memref<32x128xf32, #tpu.memory_space<vmem>>, vector<16xf32>,
          %broadcast_in_dim3A_482 = arith.constant 4 : i32
          %broadcast_in_dim3A_483 = vector.broadcast %broadcast_in_dim3A_482 : i32 to vector<16xi32>
          %broadcast_in_dim3A_484 = vector.shape_cast %broadcast_in_dim3A_483 : vector<16xi32> to vector<16x1xi32>
          %gather3A_485 = vector.shape_cast %broadcast_in_dim3A_484 : vector<16x1xi32> to vector<16xi32>
          %gather3A_486 = tpu.dynamic_gather %exp3A[%gather3A_485] in [0] : vector<16xf32>, vector<16xi32> -> vector<16xf32>
          %get3A_487 = arith.index_cast %scan3A_215 : i32 to index
          %get3A_488 = arith.constant 64 : index
          %get3A_489 = tpu.vector_load %arg25[%get3A_487, %get3A_488] {strides = array<i32>} : memref<32x128xf32, #tpu.memory_space<vmem>>, vector<16xf32>,
          %mul3A_490 = arith.mulf %get3A_489, %gather3A_486 : vector<16xf32>
          %swap3A_491 = arith.index_cast %scan3A_215 : i32 to index
          %swap3A_492 = arith.constant 64 : index
          %swap3A_493 = tpu.vector_load %arg25[%swap3A_491, %swap3A_492] {strides = array<i32>} : memref<32x128xf32, #tpu.memory_space<vmem>>, vector<16xf32>,
          tpu.vector_store %arg25[%swap3A_491, %swap3A_492], %mul3A_490 {strides = array<i32>} : memref<32x128xf32, #tpu.memory_space<vmem>>, vector<16xf32>,
          %broadcast_in_dim3A_494 = arith.constant 5 : i32
          %broadcast_in_dim3A_495 = vector.broadcast %broadcast_in_dim3A_494 : i32 to vector<16xi32>
          %broadcast_in_dim3A_496 = vector.shape_cast %broadcast_in_dim3A_495 : vector<16xi32> to vector<16x1xi32>
          %gather3A_497 = vector.shape_cast %broadcast_in_dim3A_496 : vector<16x1xi32> to vector<16xi32>
          %gather3A_498 = tpu.dynamic_gather %exp3A[%gather3A_497] in [0] : vector<16xf32>, vector<16xi32> -> vector<16xf32>
          %get3A_499 = arith.index_cast %scan3A_215 : i32 to index
          %get3A_500 = arith.constant 80 : index
          %get3A_501 = tpu.vector_load %arg25[%get3A_499, %get3A_500] {strides = array<i32>} : memref<32x128xf32, #tpu.memory_space<vmem>>, vector<16xf32>,
          %mul3A_502 = arith.mulf %get3A_501, %gather3A_498 : vector<16xf32>
          %swap3A_503 = arith.index_cast %scan3A_215 : i32 to index
          %swap3A_504 = arith.constant 80 : index
          %swap3A_505 = tpu.vector_load %arg25[%swap3A_503, %swap3A_504] {strides = array<i32>} : memref<32x128xf32, #tpu.memory_space<vmem>>, vector<16xf32>,
          tpu.vector_store %arg25[%swap3A_503, %swap3A_504], %mul3A_502 {strides = array<i32>} : memref<32x128xf32, #tpu.memory_space<vmem>>, vector<16xf32>,
          %broadcast_in_dim3A_506 = arith.constant 6 : i32
          %broadcast_in_dim3A_507 = vector.broadcast %broadcast_in_dim3A_506 : i32 to vector<16xi32>
          %broadcast_in_dim3A_508 = vector.shape_cast %broadcast_in_dim3A_507 : vector<16xi32> to vector<16x1xi32>
          %gather3A_509 = vector.shape_cast %broadcast_in_dim3A_508 : vector<16x1xi32> to vector<16xi32>
          %gather3A_510 = tpu.dynamic_gather %exp3A[%gather3A_509] in [0] : vector<16xf32>, vector<16xi32> -> vector<16xf32>
          %get3A_511 = arith.index_cast %scan3A_215 : i32 to index
          %get3A_512 = arith.constant 96 : index
          %get3A_513 = tpu.vector_load %arg25[%get3A_511, %get3A_512] {strides = array<i32>} : memref<32x128xf32, #tpu.memory_space<vmem>>, vector<16xf32>,
          %mul3A_514 = arith.mulf %get3A_513, %gather3A_510 : vector<16xf32>
          %swap3A_515 = arith.index_cast %scan3A_215 : i32 to index
          %swap3A_516 = arith.constant 96 : index
          %swap3A_517 = tpu.vector_load %arg25[%swap3A_515, %swap3A_516] {strides = array<i32>} : memref<32x128xf32, #tpu.memory_space<vmem>>, vector<16xf32>,
          tpu.vector_store %arg25[%swap3A_515, %swap3A_516], %mul3A_514 {strides = array<i32>} : memref<32x128xf32, #tpu.memory_space<vmem>>, vector<16xf32>,
          %broadcast_in_dim3A_518 = arith.constant 7 : i32
          %broadcast_in_dim3A_519 = vector.broadcast %broadcast_in_dim3A_518 : i32 to vector<16xi32>
          %broadcast_in_dim3A_520 = vector.shape_cast %broadcast_in_dim3A_519 : vector<16xi32> to vector<16x1xi32>
          %gather3A_521 = vector.shape_cast %broadcast_in_dim3A_520 : vector<16x1xi32> to vector<16xi32>
          %gather3A_522 = tpu.dynamic_gather %exp3A[%gather3A_521] in [0] : vector<16xf32>, vector<16xi32> -> vector<16xf32>
          %get3A_523 = arith.index_cast %scan3A_215 : i32 to index
          %get3A_524 = arith.constant 112 : index
          %get3A_525 = tpu.vector_load %arg25[%get3A_523, %get3A_524] {strides = array<i32>} : memref<32x128xf32, #tpu.memory_space<vmem>>, vector<16xf32>,
          %mul3A_526 = arith.mulf %get3A_525, %gather3A_522 : vector<16xf32>
          %swap3A_527 = arith.index_cast %scan3A_215 : i32 to index
          %swap3A_528 = arith.constant 112 : index
          %swap3A_529 = tpu.vector_load %arg25[%swap3A_527, %swap3A_528] {strides = array<i32>} : memref<32x128xf32, #tpu.memory_space<vmem>>, vector<16xf32>,
          tpu.vector_store %arg25[%swap3A_527, %swap3A_528], %mul3A_526 {strides = array<i32>} : memref<32x128xf32, #tpu.memory_space<vmem>>, vector<16xf32>,
          %broadcast_in_dim3A_530 = vector.broadcast %scan3A_215 : i32 to vector<16xi32>
          %gather3A_531 = tpu.vector_load_idx %arg19[%broadcast_in_dim3A_530] : memref<32xi32, #tpu.memory_space<vmem>>[vector<16xi32>], vector<16xi32>,
          %eq3A_532 = arith.constant 0 : i32
          %eq3A_533 = vector.broadcast %eq3A_532 : i32 to vector<16xi32>
          %eq3A_534 = arith.cmpi eq, %gather3A_531, %eq3A_533 : vector<16xi32>
          %select_n3A_535 = arith.select %eq3A_534, %exp3A, %broadcast_in_dim3A_1 : vector<16xi1>, vector<16xf32>
          %swap3A_536 = arith.index_cast %scan3A_215 : i32 to index
          %swap3A_537 = arith.constant 0 : index
          %swap3A_538 = tpu.vector_load %arg29[%swap3A_536, %swap3A_537] {strides = array<i32>} : memref<32x128xf32, #tpu.memory_space<vmem>>, vector<16xf32>,
          tpu.vector_store %arg29[%swap3A_536, %swap3A_537], %select_n3A_535 {strides = array<i32>} : memref<32x128xf32, #tpu.memory_space<vmem>>, vector<16xf32>,
          %eq3A_539 = arith.constant 16 : i32
          %eq3A_540 = vector.broadcast %eq3A_539 : i32 to vector<16xi32>
          %eq3A_541 = arith.cmpi eq, %gather3A_531, %eq3A_540 : vector<16xi32>
          %select_n3A_542 = arith.select %eq3A_541, %exp3A, %broadcast_in_dim3A_1 : vector<16xi1>, vector<16xf32>
          %swap3A_543 = arith.index_cast %scan3A_215 : i32 to index
          %swap3A_544 = arith.constant 16 : index
          %swap3A_545 = tpu.vector_load %arg29[%swap3A_543, %swap3A_544] {strides = array<i32>} : memref<32x128xf32, #tpu.memory_space<vmem>>, vector<16xf32>,
          tpu.vector_store %arg29[%swap3A_543, %swap3A_544], %select_n3A_542 {strides = array<i32>} : memref<32x128xf32, #tpu.memory_space<vmem>>, vector<16xf32>,
          %eq3A_546 = arith.constant 32 : i32
          %eq3A_547 = vector.broadcast %eq3A_546 : i32 to vector<16xi32>
          %eq3A_548 = arith.cmpi eq, %gather3A_531, %eq3A_547 : vector<16xi32>
          %select_n3A_549 = arith.select %eq3A_548, %exp3A, %broadcast_in_dim3A_1 : vector<16xi1>, vector<16xf32>
          %swap3A_550 = arith.index_cast %scan3A_215 : i32 to index
          %swap3A_551 = arith.constant 32 : index
          %swap3A_552 = tpu.vector_load %arg29[%swap3A_550, %swap3A_551] {strides = array<i32>} : memref<32x128xf32, #tpu.memory_space<vmem>>, vector<16xf32>,
          tpu.vector_store %arg29[%swap3A_550, %swap3A_551], %select_n3A_549 {strides = array<i32>} : memref<32x128xf32, #tpu.memory_space<vmem>>, vector<16xf32>,
          %eq3A_553 = arith.constant 48 : i32
          %eq3A_554 = vector.broadcast %eq3A_553 : i32 to vector<16xi32>
          %eq3A_555 = arith.cmpi eq, %gather3A_531, %eq3A_554 : vector<16xi32>
          %select_n3A_556 = arith.select %eq3A_555, %exp3A, %broadcast_in_dim3A_1 : vector<16xi1>, vector<16xf32>
          %swap3A_557 = arith.index_cast %scan3A_215 : i32 to index
          %swap3A_558 = arith.constant 48 : index
          %swap3A_559 = tpu.vector_load %arg29[%swap3A_557, %swap3A_558] {strides = array<i32>} : memref<32x128xf32, #tpu.memory_space<vmem>>, vector<16xf32>,
          tpu.vector_store %arg29[%swap3A_557, %swap3A_558], %select_n3A_556 {strides = array<i32>} : memref<32x128xf32, #tpu.memory_space<vmem>>, vector<16xf32>,
          %eq3A_560 = arith.constant 64 : i32
          %eq3A_561 = vector.broadcast %eq3A_560 : i32 to vector<16xi32>
          %eq3A_562 = arith.cmpi eq, %gather3A_531, %eq3A_561 : vector<16xi32>
          %select_n3A_563 = arith.select %eq3A_562, %exp3A, %broadcast_in_dim3A_1 : vector<16xi1>, vector<16xf32>
          %swap3A_564 = arith.index_cast %scan3A_215 : i32 to index
          %swap3A_565 = arith.constant 64 : index
          %swap3A_566 = tpu.vector_load %arg29[%swap3A_564, %swap3A_565] {strides = array<i32>} : memref<32x128xf32, #tpu.memory_space<vmem>>, vector<16xf32>,
          tpu.vector_store %arg29[%swap3A_564, %swap3A_565], %select_n3A_563 {strides = array<i32>} : memref<32x128xf32, #tpu.memory_space<vmem>>, vector<16xf32>,
          %eq3A_567 = arith.constant 80 : i32
          %eq3A_568 = vector.broadcast %eq3A_567 : i32 to vector<16xi32>
          %eq3A_569 = arith.cmpi eq, %gather3A_531, %eq3A_568 : vector<16xi32>
          %select_n3A_570 = arith.select %eq3A_569, %exp3A, %broadcast_in_dim3A_1 : vector<16xi1>, vector<16xf32>
          %swap3A_571 = arith.index_cast %scan3A_215 : i32 to index
          %swap3A_572 = arith.constant 80 : index
          %swap3A_573 = tpu.vector_load %arg29[%swap3A_571, %swap3A_572] {strides = array<i32>} : memref<32x128xf32, #tpu.memory_space<vmem>>, vector<16xf32>,
          tpu.vector_store %arg29[%swap3A_571, %swap3A_572], %select_n3A_570 {strides = array<i32>} : memref<32x128xf32, #tpu.memory_space<vmem>>, vector<16xf32>,
          %eq3A_574 = arith.constant 96 : i32
          %eq3A_575 = vector.broadcast %eq3A_574 : i32 to vector<16xi32>
          %eq3A_576 = arith.cmpi eq, %gather3A_531, %eq3A_575 : vector<16xi32>
          %select_n3A_577 = arith.select %eq3A_576, %exp3A, %broadcast_in_dim3A_1 : vector<16xi1>, vector<16xf32>
          %swap3A_578 = arith.index_cast %scan3A_215 : i32 to index
          %swap3A_579 = arith.constant 96 : index
          %swap3A_580 = tpu.vector_load %arg29[%swap3A_578, %swap3A_579] {strides = array<i32>} : memref<32x128xf32, #tpu.memory_space<vmem>>, vector<16xf32>,
          tpu.vector_store %arg29[%swap3A_578, %swap3A_579], %select_n3A_577 {strides = array<i32>} : memref<32x128xf32, #tpu.memory_space<vmem>>, vector<16xf32>,
          %eq3A_581 = arith.constant 112 : i32
          %eq3A_582 = vector.broadcast %eq3A_581 : i32 to vector<16xi32>
          %eq3A_583 = arith.cmpi eq, %gather3A_531, %eq3A_582 : vector<16xi32>
          %select_n3A_584 = arith.select %eq3A_583, %exp3A, %broadcast_in_dim3A_1 : vector<16xi1>, vector<16xf32>
          %swap3A_585 = arith.index_cast %scan3A_215 : i32 to index
          %swap3A_586 = arith.constant 112 : index
          %swap3A_587 = tpu.vector_load %arg29[%swap3A_585, %swap3A_586] {strides = array<i32>} : memref<32x128xf32, #tpu.memory_space<vmem>>, vector<16xf32>,
          tpu.vector_store %arg29[%swap3A_585, %swap3A_586], %select_n3A_584 {strides = array<i32>} : memref<32x128xf32, #tpu.memory_space<vmem>>, vector<16xf32>,
        }
        %scan3A_204 = arith.constant 32 : i32
        %dma_start3A_205 = arith.constant 0 : i32
        %dma_start3A_206 = tpu.memref_slice %arg8[%mul3A_179, %dma_start3A_205] : memref<320000x128xf32, #tpu.memory_space<hbm>> -> memref<32x128xf32, #tpu.memory_space<hbm>>
        %dma_start3A_207 = arith.constant 0 : i32
        %dma_start3A_208 = tpu.memref_slice %arg8[%mul3A_179, %dma_start3A_207] : memref<320000x128xf32, #tpu.memory_space<hbm>> -> memref<32x128xf32, #tpu.memory_space<hbm>>
        tpu.enqueue_dma source(%arg27 : memref<32x128xf32, #tpu.memory_space<vmem>>) target(%dma_start3A_208 : memref<32x128xf32, #tpu.memory_space<hbm>>) target_semaphore(%arg42 : memref<!tpu.dma_semaphore, #tpu.memory_space<semaphore_mem>>)
        %dma_start3A_209 = arith.constant 0 : i32
        %dma_start3A_210 = arith.constant 0 : i32
        %dma_start3A_211 = tpu.memref_slice %arg30[%dma_start3A_209, %dma_start3A_210] : memref<10000x128xf32, #tpu.memory_space<vmem_shared>> -> memref<10000x128xf32, #tpu.memory_space<vmem_shared>>
        tpu.enqueue_indirect_dma source(%arg25 : memref<32x128xf32, #tpu.memory_space<vmem>>) target(%dma_start3A_211 : memref<10000x128xf32, #tpu.memory_space<vmem_shared>>) offsets(%arg15 : memref<32xi32, #tpu.memory_space<vmem>>) semaphore(%arg44 : memref<!tpu.dma_semaphore, #tpu.memory_space<semaphore_mem>>) {add = true}
        %dma_start3A_212 = arith.constant 0 : i32
        %dma_start3A_213 = arith.constant 0 : i32
        %dma_start3A_214 = tpu.memref_slice %arg31[%dma_start3A_212, %dma_start3A_213] : memref<1280x128xf32, #tpu.memory_space<vmem_shared>> -> memref<1280x128xf32, #tpu.memory_space<vmem_shared>>
        tpu.enqueue_indirect_dma source(%arg29 : memref<32x128xf32, #tpu.memory_space<vmem>>) target(%dma_start3A_214 : memref<1280x128xf32, #tpu.memory_space<vmem_shared>>) offsets(%arg17 : memref<32xi32, #tpu.memory_space<vmem>>) semaphore(%arg46 : memref<!tpu.dma_semaphore, #tpu.memory_space<semaphore_mem>>) {add = true}
      } else {
      }
      %lt3A_147 = arith.constant 10000 : i32
      %lt3A_148 = arith.cmpi slt, %add3A_136, %lt3A_147 : i32
      %convert_element_type3A_149 = arith.extui %lt3A_148 : i1 to i32
      %cond3A_150 = arith.constant 0 : i32
      %cond3A_151 = arith.cmpi ne, %convert_element_type3A_149, %cond3A_150 : i32
      scf.if %cond3A_151 {
        %mul3A_178 = arith.constant 32 : i32
        %mul3A_179 = arith.muli %add3A_136, %mul3A_178 : i32
        %dma_start3A_180 = tpu.memref_slice %arg6[%mul3A_179] : memref<320000xi32, #tpu.memory_space<hbm>> -> memref<32xi32, #tpu.memory_space<hbm>>
        %dma_start3A_181 = tpu.memref_slice %arg6[%mul3A_179] : memref<320000xi32, #tpu.memory_space<hbm>> -> memref<32xi32, #tpu.memory_space<hbm>>
        tpu.enqueue_dma source(%dma_start3A_181 : memref<32xi32, #tpu.memory_space<hbm>>) target(%arg11 : memref<32xi32, #tpu.memory_space<vmem>>) target_semaphore(%arg40 : memref<!tpu.dma_semaphore, #tpu.memory_space<semaphore_mem>>)
        %dma_start3A_182 = tpu.memref_slice %arg7[%mul3A_179] : memref<320000xi32, #tpu.memory_space<hbm>> -> memref<32xi32, #tpu.memory_space<hbm>>
        %dma_start3A_183 = tpu.memref_slice %arg7[%mul3A_179] : memref<320000xi32, #tpu.memory_space<hbm>> -> memref<32xi32, #tpu.memory_space<hbm>>
        tpu.enqueue_dma source(%dma_start3A_183 : memref<32xi32, #tpu.memory_space<hbm>>) target(%arg13 : memref<32xi32, #tpu.memory_space<vmem>>) target_semaphore(%arg40 : memref<!tpu.dma_semaphore, #tpu.memory_space<semaphore_mem>>)
      } else {
      }
      %mul3A_152 = arith.constant 2 : i32
      %mul3A_153 = arith.muli %scan3A_127, %mul3A_152 : i32
      %add3A_154 = arith.constant 1 : i32
      %add3A_155 = arith.addi %mul3A_153, %add3A_154 : i32
      %mul3A_156 = arith.constant 32 : i32
      %mul3A_157 = arith.muli %add3A_155, %mul3A_156 : i32
      %add3A_158 = arith.addi %mul3A_157, %add3A : i32
      %add3A_159 = arith.constant 32 : i32
      %add3A_160 = arith.addi %add3A_158, %add3A_159 : i32
      %add3A_161 = arith.constant 64 : i32
      %add3A_162 = arith.addi %add3A_158, %add3A_161 : i32
      %lt3A_163 = arith.constant 10000 : i32
      %lt3A_164 = arith.cmpi slt, %add3A_160, %lt3A_163 : i32
      %convert_element_type3A_165 = arith.extui %lt3A_164 : i1 to i32
      %cond3A_166 = arith.constant 0 : i32
      %cond3A_167 = arith.cmpi ne, %convert_element_type3A_165, %cond3A_166 : i32
      scf.if %cond3A_167 {
        %mul3A_178 = arith.constant 32 : i32
        %mul3A_179 = arith.muli %add3A_160, %mul3A_178 : i32
        %dma_wait3A_180 = tpu.memref_slice %arg6[%mul3A_179] : memref<320000xi32, #tpu.memory_space<hbm>> -> memref<32xi32, #tpu.memory_space<hbm>>
        %dma_wait3A_181 = tpu.memref_slice %arg6[%mul3A_179] : memref<320000xi32, #tpu.memory_space<hbm>> -> memref<32xi32, #tpu.memory_space<hbm>>
        tpu.wait_dma2 semaphore(%arg40 : memref<!tpu.dma_semaphore, #tpu.memory_space<semaphore_mem>>) src(%dma_wait3A_181 : memref<32xi32, #tpu.memory_space<hbm>>) dst(%arg11 : memref<32xi32, #tpu.memory_space<vmem>>)
        %dma_wait3A_182 = tpu.memref_slice %arg7[%mul3A_179] : memref<320000xi32, #tpu.memory_space<hbm>> -> memref<32xi32, #tpu.memory_space<hbm>>
        %dma_wait3A_183 = tpu.memref_slice %arg7[%mul3A_179] : memref<320000xi32, #tpu.memory_space<hbm>> -> memref<32xi32, #tpu.memory_space<hbm>>
        tpu.wait_dma2 semaphore(%arg40 : memref<!tpu.dma_semaphore, #tpu.memory_space<semaphore_mem>>) src(%dma_wait3A_183 : memref<32xi32, #tpu.memory_space<hbm>>) dst(%arg13 : memref<32xi32, #tpu.memory_space<vmem>>)
        %gt3A = arith.constant 0 : i32
        %gt3A_184 = arith.cmpi sgt, %add3A_155, %gt3A : i32
        %convert_element_type3A_185 = arith.extui %gt3A_184 : i1 to i32
        %cond3A_186 = arith.constant 0 : i32
        %cond3A_187 = arith.cmpi ne, %convert_element_type3A_185, %cond3A_186 : i32
        scf.if %cond3A_187 {
          %dma_wait3A_237 = arith.constant 0 : i32
          %dma_wait3A_238 = arith.constant 0 : i32
          %dma_wait3A_239 = tpu.memref_slice %arg8[%dma_wait3A_237, %dma_wait3A_238] : memref<320000x128xf32, #tpu.memory_space<hbm>> -> memref<32x128xf32, #tpu.memory_space<hbm>>
          %dma_wait3A_240 = arith.constant 0 : i32
          %dma_wait3A_241 = arith.constant 0 : i32
          %dma_wait3A_242 = tpu.memref_slice %arg8[%dma_wait3A_240, %dma_wait3A_241] : memref<320000x128xf32, #tpu.memory_space<hbm>> -> memref<32x128xf32, #tpu.memory_space<hbm>>
          tpu.wait_dma2 semaphore(%arg42 : memref<!tpu.dma_semaphore, #tpu.memory_space<semaphore_mem>>) src(%arg27 : memref<32x128xf32, #tpu.memory_space<vmem>>) dst(%dma_wait3A_242 : memref<32x128xf32, #tpu.memory_space<hbm>>)
          %dma_wait3A_243 = arith.constant 0 : i32
          %dma_wait3A_244 = arith.constant 0 : i32
          %dma_wait3A_245 = tpu.memref_slice %arg30[%dma_wait3A_243, %dma_wait3A_244] : memref<10000x128xf32, #tpu.memory_space<vmem_shared>> -> memref<10000x128xf32, #tpu.memory_space<vmem_shared>>
          tpu.wait_indirect_dma semaphore(%arg44 : memref<!tpu.dma_semaphore, #tpu.memory_space<semaphore_mem>>) src(%arg25 : memref<32x128xf32, #tpu.memory_space<vmem>>) dst(%dma_wait3A_245 : memref<10000x128xf32, #tpu.memory_space<vmem_shared>>)
          %dma_wait3A_246 = arith.constant 0 : i32
          %dma_wait3A_247 = arith.constant 0 : i32
          %dma_wait3A_248 = tpu.memref_slice %arg31[%dma_wait3A_246, %dma_wait3A_247] : memref<1280x128xf32, #tpu.memory_space<vmem_shared>> -> memref<1280x128xf32, #tpu.memory_space<vmem_shared>>
          tpu.wait_indirect_dma semaphore(%arg46 : memref<!tpu.dma_semaphore, #tpu.memory_space<semaphore_mem>>) src(%arg29 : memref<32x128xf32, #tpu.memory_space<vmem>>) dst(%dma_wait3A_248 : memref<1280x128xf32, #tpu.memory_space<vmem_shared>>)
        } else {
        }
        %get3A_188 = arith.constant 0 : index
        %get3A_189 = tpu.vector_load %arg13[%get3A_188] {strides = array<i32>} : memref<32xi32, #tpu.memory_space<vmem>>, vector<16xi32>,
        %swap3A_190 = arith.constant 0 : index
        %swap3A_191 = tpu.vector_load %arg15[%swap3A_190] {strides = array<i32>} : memref<32xi32, #tpu.memory_space<vmem>>, vector<16xi32>,
        tpu.vector_store %arg15[%swap3A_190], %get3A_189 {strides = array<i32>} : memref<32xi32, #tpu.memory_space<vmem>>, vector<16xi32>,
        %shift_right_logical3A_192 = arith.constant 3 : i32
        %shift_right_logical3A_193 = vector.broadcast %shift_right_logical3A_192 : i32 to vector<16xi32>
        %shift_right_logical3A_194 = arith.shrui %get3A_189, %shift_right_logical3A_193 : vector<16xi32>
        %swap3A_195 = arith.constant 0 : index
        %swap3A_196 = tpu.vector_load %arg17[%swap3A_195] {strides = array<i32>} : memref<32xi32, #tpu.memory_space<vmem>>, vector<16xi32>,
        tpu.vector_store %arg17[%swap3A_195], %shift_right_logical3A_194 {strides = array<i32>} : memref<32xi32, #tpu.memory_space<vmem>>, vector<16xi32>,
        %and3A_197 = arith.constant 7 : i32
        %and3A_198 = vector.broadcast %and3A_197 : i32 to vector<16xi32>
        %and3A_199 = arith.andi %get3A_189, %and3A_198 : vector<16xi32>
        %mul3A_200 = arith.constant 16 : i32
        %mul3A_201 = vector.broadcast %mul3A_200 : i32 to vector<16xi32>
        %mul3A_202 = arith.muli %and3A_199, %mul3A_201 : vector<16xi32>
        %swap3A_203 = arith.constant 0 : index
        %swap3A_204 = tpu.vector_load %arg19[%swap3A_203] {strides = array<i32>} : memref<32xi32, #tpu.memory_space<vmem>>, vector<16xi32>,
        tpu.vector_store %arg19[%swap3A_203], %mul3A_202 {strides = array<i32>} : memref<32xi32, #tpu.memory_space<vmem>>, vector<16xi32>,
        %get3A_205 = arith.constant 16 : index
        %get3A_206 = tpu.vector_load %arg13[%get3A_205] {strides = array<i32>} : memref<32xi32, #tpu.memory_space<vmem>>, vector<16xi32>,
        %swap3A_207 = arith.constant 16 : index
        %swap3A_208 = tpu.vector_load %arg15[%swap3A_207] {strides = array<i32>} : memref<32xi32, #tpu.memory_space<vmem>>, vector<16xi32>,
        tpu.vector_store %arg15[%swap3A_207], %get3A_206 {strides = array<i32>} : memref<32xi32, #tpu.memory_space<vmem>>, vector<16xi32>,
        %shift_right_logical3A_209 = arith.constant 3 : i32
        %shift_right_logical3A_210 = vector.broadcast %shift_right_logical3A_209 : i32 to vector<16xi32>
        %shift_right_logical3A_211 = arith.shrui %get3A_206, %shift_right_logical3A_210 : vector<16xi32>
        %swap3A_212 = arith.constant 16 : index
        %swap3A_213 = tpu.vector_load %arg17[%swap3A_212] {strides = array<i32>} : memref<32xi32, #tpu.memory_space<vmem>>, vector<16xi32>,
        tpu.vector_store %arg17[%swap3A_212], %shift_right_logical3A_211 {strides = array<i32>} : memref<32xi32, #tpu.memory_space<vmem>>, vector<16xi32>,
        %and3A_214 = arith.constant 7 : i32
        %and3A_215 = vector.broadcast %and3A_214 : i32 to vector<16xi32>
        %and3A_216 = arith.andi %get3A_206, %and3A_215 : vector<16xi32>
        %mul3A_217 = arith.constant 16 : i32
        %mul3A_218 = vector.broadcast %mul3A_217 : i32 to vector<16xi32>
        %mul3A_219 = arith.muli %and3A_216, %mul3A_218 : vector<16xi32>
        %swap3A_220 = arith.constant 16 : index
        %swap3A_221 = tpu.vector_load %arg19[%swap3A_220] {strides = array<i32>} : memref<32xi32, #tpu.memory_space<vmem>>, vector<16xi32>,
        tpu.vector_store %arg19[%swap3A_220], %mul3A_219 {strides = array<i32>} : memref<32xi32, #tpu.memory_space<vmem>>, vector<16xi32>,
        %mul3A_222 = arith.constant 32 : i32
        %mul3A_223 = arith.muli %add3A_160, %mul3A_222 : i32
        %dma_start3A_224 = arith.constant 0 : i32
        %dma_start3A_225 = arith.constant 0 : i32
        %dma_start3A_226 = tpu.memref_slice %arg2[%dma_start3A_224, %dma_start3A_225] : memref<10000x128xf32, #tpu.memory_space<hbm>> -> memref<10000x128xf32, #tpu.memory_space<hbm>>
        tpu.enqueue_indirect_dma source(%dma_start3A_226 : memref<10000x128xf32, #tpu.memory_space<hbm>>) target(%arg21 : memref<32x128xf32, #tpu.memory_space<vmem>>) offsets(%arg11 : memref<32xi32, #tpu.memory_space<vmem>>) semaphore(%arg32 : memref<!tpu.dma_semaphore, #tpu.memory_space<semaphore_mem>>)
        %dma_start3A_227 = arith.constant 0 : i32
        %dma_start3A_228 = arith.constant 0 : i32
        %dma_start3A_229 = tpu.memref_slice %arg3[%dma_start3A_227, %dma_start3A_228] : memref<10000x128xf32, #tpu.memory_space<hbm>> -> memref<10000x128xf32, #tpu.memory_space<hbm>>
        tpu.enqueue_indirect_dma source(%dma_start3A_229 : memref<10000x128xf32, #tpu.memory_space<hbm>>) target(%arg23 : memref<32x128xf32, #tpu.memory_space<vmem>>) offsets(%arg13 : memref<32xi32, #tpu.memory_space<vmem>>) semaphore(%arg34 : memref<!tpu.dma_semaphore, #tpu.memory_space<semaphore_mem>>)
        %dma_start3A_230 = arith.constant 0 : i32
        %dma_start3A_231 = arith.constant 0 : i32
        %dma_start3A_232 = tpu.memref_slice %arg4[%dma_start3A_230, %dma_start3A_231] : memref<10000x128xf32, #tpu.memory_space<hbm>> -> memref<10000x128xf32, #tpu.memory_space<hbm>>
        tpu.enqueue_indirect_dma source(%dma_start3A_232 : memref<10000x128xf32, #tpu.memory_space<hbm>>) target(%arg25 : memref<32x128xf32, #tpu.memory_space<vmem>>) offsets(%arg11 : memref<32xi32, #tpu.memory_space<vmem>>) semaphore(%arg36 : memref<!tpu.dma_semaphore, #tpu.memory_space<semaphore_mem>>)
        %dma_start3A_233 = arith.constant 0 : i32
        %dma_start3A_234 = tpu.memref_slice %arg5[%mul3A_223, %dma_start3A_233] : memref<320000x128xf32, #tpu.memory_space<hbm>> -> memref<32x128xf32, #tpu.memory_space<hbm>>
        %dma_start3A_235 = arith.constant 0 : i32
        %dma_start3A_236 = tpu.memref_slice %arg5[%mul3A_223, %dma_start3A_235] : memref<320000x128xf32, #tpu.memory_space<hbm>> -> memref<32x128xf32, #tpu.memory_space<hbm>>
        tpu.enqueue_dma source(%dma_start3A_236 : memref<32x128xf32, #tpu.memory_space<hbm>>) target(%arg27 : memref<32x128xf32, #tpu.memory_space<vmem>>) target_semaphore(%arg38 : memref<!tpu.dma_semaphore, #tpu.memory_space<semaphore_mem>>)
      } else {
      }
      %lt3A_168 = arith.constant 10000 : i32
      %lt3A_169 = arith.cmpi slt, %add3A_158, %lt3A_168 : i32
      %convert_element_type3A_170 = arith.extui %lt3A_169 : i1 to i32
      %cond3A_171 = arith.constant 0 : i32
      %cond3A_172 = arith.cmpi ne, %convert_element_type3A_170, %cond3A_171 : i32
      scf.if %cond3A_172 {
        %mul3A_178 = arith.constant 32 : i32
        %mul3A_179 = arith.muli %add3A_158, %mul3A_178 : i32
        %ge3A = arith.constant 10000 : i32
        %ge3A_180 = arith.cmpi sge, %add3A_160, %ge3A : i32
        %gt3A = arith.constant 0 : i32
        %gt3A_181 = arith.cmpi sgt, %add3A_155, %gt3A : i32
        %and3A_182 = arith.andi %ge3A_180, %gt3A_181 : i1
        %convert_element_type3A_183 = arith.extui %and3A_182 : i1 to i32
        %cond3A_184 = arith.constant 0 : i32
        %cond3A_185 = arith.cmpi ne, %convert_element_type3A_183, %cond3A_184 : i32
        scf.if %cond3A_185 {
          %dma_wait3A_215 = arith.constant 0 : i32
          %dma_wait3A_216 = arith.constant 0 : i32
          %dma_wait3A_217 = tpu.memref_slice %arg31[%dma_wait3A_215, %dma_wait3A_216] : memref<1280x128xf32, #tpu.memory_space<vmem_shared>> -> memref<1280x128xf32, #tpu.memory_space<vmem_shared>>
          tpu.wait_indirect_dma semaphore(%arg46 : memref<!tpu.dma_semaphore, #tpu.memory_space<semaphore_mem>>) src(%arg29 : memref<32x128xf32, #tpu.memory_space<vmem>>) dst(%dma_wait3A_217 : memref<1280x128xf32, #tpu.memory_space<vmem_shared>>)
        } else {
        }
        %dma_wait3A_186 = arith.constant 0 : i32
        %dma_wait3A_187 = arith.constant 0 : i32
        %dma_wait3A_188 = tpu.memref_slice %arg2[%dma_wait3A_186, %dma_wait3A_187] : memref<10000x128xf32, #tpu.memory_space<hbm>> -> memref<10000x128xf32, #tpu.memory_space<hbm>>
        tpu.wait_indirect_dma semaphore(%arg33 : memref<!tpu.dma_semaphore, #tpu.memory_space<semaphore_mem>>) src(%dma_wait3A_188 : memref<10000x128xf32, #tpu.memory_space<hbm>>) dst(%arg22 : memref<32x128xf32, #tpu.memory_space<vmem>>)
        %dma_wait3A_189 = arith.constant 0 : i32
        %dma_wait3A_190 = arith.constant 0 : i32
        %dma_wait3A_191 = tpu.memref_slice %arg3[%dma_wait3A_189, %dma_wait3A_190] : memref<10000x128xf32, #tpu.memory_space<hbm>> -> memref<10000x128xf32, #tpu.memory_space<hbm>>
        tpu.wait_indirect_dma semaphore(%arg35 : memref<!tpu.dma_semaphore, #tpu.memory_space<semaphore_mem>>) src(%dma_wait3A_191 : memref<10000x128xf32, #tpu.memory_space<hbm>>) dst(%arg24 : memref<32x128xf32, #tpu.memory_space<vmem>>)
        %dma_wait3A_192 = arith.constant 0 : i32
        %dma_wait3A_193 = arith.constant 0 : i32
        %dma_wait3A_194 = tpu.memref_slice %arg4[%dma_wait3A_192, %dma_wait3A_193] : memref<10000x128xf32, #tpu.memory_space<hbm>> -> memref<10000x128xf32, #tpu.memory_space<hbm>>
        tpu.wait_indirect_dma semaphore(%arg37 : memref<!tpu.dma_semaphore, #tpu.memory_space<semaphore_mem>>) src(%dma_wait3A_194 : memref<10000x128xf32, #tpu.memory_space<hbm>>) dst(%arg26 : memref<32x128xf32, #tpu.memory_space<vmem>>)
        %dma_wait3A_195 = arith.constant 0 : i32
        %dma_wait3A_196 = tpu.memref_slice %arg5[%mul3A_179, %dma_wait3A_195] : memref<320000x128xf32, #tpu.memory_space<hbm>> -> memref<32x128xf32, #tpu.memory_space<hbm>>
        %dma_wait3A_197 = arith.constant 0 : i32
        %dma_wait3A_198 = tpu.memref_slice %arg5[%mul3A_179, %dma_wait3A_197] : memref<320000x128xf32, #tpu.memory_space<hbm>> -> memref<32x128xf32, #tpu.memory_space<hbm>>
        tpu.wait_dma2 semaphore(%arg39 : memref<!tpu.dma_semaphore, #tpu.memory_space<semaphore_mem>>) src(%dma_wait3A_198 : memref<32x128xf32, #tpu.memory_space<hbm>>) dst(%arg28 : memref<32x128xf32, #tpu.memory_space<vmem>>)
        %scan3A_199 = arith.constant 0 : i32
        %scan3A_200 = arith.constant 0 : i32
        %scan3A_201 = arith.constant 32 : i32
        %scan3A_202 = arith.addi %scan3A_200, %scan3A_201 : i32
        %scan3A_203 = arith.constant 1 : i32
        scf.for %scan3A_215 = %scan3A_200 to %scan3A_202 step %scan3A_203  : i32 {
          %broadcast_in_dim3A_216 = arith.constant 0.000000e+00 : f32
          %broadcast_in_dim3A_217 = vector.broadcast %broadcast_in_dim3A_216 : f32 to vector<16xf32>
          %get3A_218 = arith.index_cast %scan3A_215 : i32 to index
          %get3A_219 = arith.constant 0 : index
          %get3A_220 = tpu.vector_load %arg22[%get3A_218, %get3A_219] {strides = array<i32>} : memref<32x128xf32, #tpu.memory_space<vmem>>, vector<16xf32>,
          %get3A_221 = arith.index_cast %scan3A_215 : i32 to index
          %get3A_222 = arith.constant 0 : index
          %get3A_223 = tpu.vector_load %arg24[%get3A_221, %get3A_222] {strides = array<i32>} : memref<32x128xf32, #tpu.memory_space<vmem>>, vector<16xf32>,
          %mul3A_224 = arith.mulf %get3A_220, %get3A_223 : vector<16xf32>
          %mul3A_225 = arith.constant 2.500000e-01 : f32
          %mul3A_226 = vector.broadcast %mul3A_225 : f32 to vector<16xf32>
          %mul3A_227 = arith.mulf %mul3A_224, %mul3A_226 : vector<16xf32>
          %get3A_228 = arith.index_cast %scan3A_215 : i32 to index
          %get3A_229 = arith.constant 0 : index
          %get3A_230 = tpu.vector_load %arg28[%get3A_228, %get3A_229] {strides = array<i32>} : memref<32x128xf32, #tpu.memory_space<vmem>>, vector<16xf32>,
          %mul3A_231 = arith.mulf %mul3A_227, %get3A_230 : vector<16xf32>
          %swap3A_232 = arith.index_cast %scan3A_215 : i32 to index
          %swap3A_233 = arith.constant 0 : index
          %swap3A_234 = tpu.vector_load %arg28[%swap3A_232, %swap3A_233] {strides = array<i32>} : memref<32x128xf32, #tpu.memory_space<vmem>>, vector<16xf32>,
          tpu.vector_store %arg28[%swap3A_232, %swap3A_233], %mul3A_231 {strides = array<i32>} : memref<32x128xf32, #tpu.memory_space<vmem>>, vector<16xf32>,
          %broadcast_in_dim3A_235 = arith.constant true
          %broadcast_in_dim3A_236 = vector.broadcast %broadcast_in_dim3A_235 : i1 to vector<16xi1>
          %masked_cumsum3A = tpu.scan <sum>, %mul3A_231 masked %broadcast_in_dim3A_236 : vector<16xf32>, vector<16xi1> -> vector<16xf32>
          %broadcast_in_dim3A_237 = vector.shape_cast %broadcast_in_dim3A_3 : vector<16xi32> to vector<16x1xi32>
          %gather3A = vector.shape_cast %broadcast_in_dim3A_237 : vector<16x1xi32> to vector<16xi32>
          %gather3A_238 = tpu.dynamic_gather %masked_cumsum3A[%gather3A] in [0] : vector<16xf32>, vector<16xi32> -> vector<16xf32>
          %eq3A_239 = arith.constant 0 : i32
          %eq3A_240 = vector.broadcast %eq3A_239 : i32 to vector<16xi32>
          %eq3A_241 = arith.cmpi eq, %iota3A, %eq3A_240 : vector<16xi32>
          %select_n3A = arith.select %eq3A_241, %gather3A_238, %broadcast_in_dim3A_217 : vector<16xi1>, vector<16xf32>
          %get3A_242 = arith.index_cast %scan3A_215 : i32 to index
          %get3A_243 = arith.constant 16 : index
          %get3A_244 = tpu.vector_load %arg22[%get3A_242, %get3A_243] {strides = array<i32>} : memref<32x128xf32, #tpu.memory_space<vmem>>, vector<16xf32>,
          %get3A_245 = arith.index_cast %scan3A_215 : i32 to index
          %get3A_246 = arith.constant 16 : index
          %get3A_247 = tpu.vector_load %arg24[%get3A_245, %get3A_246] {strides = array<i32>} : memref<32x128xf32, #tpu.memory_space<vmem>>, vector<16xf32>,
          %mul3A_248 = arith.mulf %get3A_244, %get3A_247 : vector<16xf32>
          %mul3A_249 = arith.constant 2.500000e-01 : f32
          %mul3A_250 = vector.broadcast %mul3A_249 : f32 to vector<16xf32>
          %mul3A_251 = arith.mulf %mul3A_248, %mul3A_250 : vector<16xf32>
          %get3A_252 = arith.index_cast %scan3A_215 : i32 to index
          %get3A_253 = arith.constant 16 : index
          %get3A_254 = tpu.vector_load %arg28[%get3A_252, %get3A_253] {strides = array<i32>} : memref<32x128xf32, #tpu.memory_space<vmem>>, vector<16xf32>,
          %mul3A_255 = arith.mulf %mul3A_251, %get3A_254 : vector<16xf32>
          %swap3A_256 = arith.index_cast %scan3A_215 : i32 to index
          %swap3A_257 = arith.constant 16 : index
          %swap3A_258 = tpu.vector_load %arg28[%swap3A_256, %swap3A_257] {strides = array<i32>} : memref<32x128xf32, #tpu.memory_space<vmem>>, vector<16xf32>,
          tpu.vector_store %arg28[%swap3A_256, %swap3A_257], %mul3A_255 {strides = array<i32>} : memref<32x128xf32, #tpu.memory_space<vmem>>, vector<16xf32>,
          %broadcast_in_dim3A_259 = arith.constant true
          %broadcast_in_dim3A_260 = vector.broadcast %broadcast_in_dim3A_259 : i1 to vector<16xi1>
          %masked_cumsum3A_261 = tpu.scan <sum>, %mul3A_255 masked %broadcast_in_dim3A_260 : vector<16xf32>, vector<16xi1> -> vector<16xf32>
          %broadcast_in_dim3A_262 = vector.shape_cast %broadcast_in_dim3A_3 : vector<16xi32> to vector<16x1xi32>
          %gather3A_263 = vector.shape_cast %broadcast_in_dim3A_262 : vector<16x1xi32> to vector<16xi32>
          %gather3A_264 = tpu.dynamic_gather %masked_cumsum3A_261[%gather3A_263] in [0] : vector<16xf32>, vector<16xi32> -> vector<16xf32>
          %eq3A_265 = arith.constant 1 : i32
          %eq3A_266 = vector.broadcast %eq3A_265 : i32 to vector<16xi32>
          %eq3A_267 = arith.cmpi eq, %iota3A, %eq3A_266 : vector<16xi32>
          %select_n3A_268 = arith.select %eq3A_267, %gather3A_264, %select_n3A : vector<16xi1>, vector<16xf32>
          %get3A_269 = arith.index_cast %scan3A_215 : i32 to index
          %get3A_270 = arith.constant 32 : index
          %get3A_271 = tpu.vector_load %arg22[%get3A_269, %get3A_270] {strides = array<i32>} : memref<32x128xf32, #tpu.memory_space<vmem>>, vector<16xf32>,
          %get3A_272 = arith.index_cast %scan3A_215 : i32 to index
          %get3A_273 = arith.constant 32 : index
          %get3A_274 = tpu.vector_load %arg24[%get3A_272, %get3A_273] {strides = array<i32>} : memref<32x128xf32, #tpu.memory_space<vmem>>, vector<16xf32>,
          %mul3A_275 = arith.mulf %get3A_271, %get3A_274 : vector<16xf32>
          %mul3A_276 = arith.constant 2.500000e-01 : f32
          %mul3A_277 = vector.broadcast %mul3A_276 : f32 to vector<16xf32>
          %mul3A_278 = arith.mulf %mul3A_275, %mul3A_277 : vector<16xf32>
          %get3A_279 = arith.index_cast %scan3A_215 : i32 to index
          %get3A_280 = arith.constant 32 : index
          %get3A_281 = tpu.vector_load %arg28[%get3A_279, %get3A_280] {strides = array<i32>} : memref<32x128xf32, #tpu.memory_space<vmem>>, vector<16xf32>,
          %mul3A_282 = arith.mulf %mul3A_278, %get3A_281 : vector<16xf32>
          %swap3A_283 = arith.index_cast %scan3A_215 : i32 to index
          %swap3A_284 = arith.constant 32 : index
          %swap3A_285 = tpu.vector_load %arg28[%swap3A_283, %swap3A_284] {strides = array<i32>} : memref<32x128xf32, #tpu.memory_space<vmem>>, vector<16xf32>,
          tpu.vector_store %arg28[%swap3A_283, %swap3A_284], %mul3A_282 {strides = array<i32>} : memref<32x128xf32, #tpu.memory_space<vmem>>, vector<16xf32>,
          %broadcast_in_dim3A_286 = arith.constant true
          %broadcast_in_dim3A_287 = vector.broadcast %broadcast_in_dim3A_286 : i1 to vector<16xi1>
          %masked_cumsum3A_288 = tpu.scan <sum>, %mul3A_282 masked %broadcast_in_dim3A_287 : vector<16xf32>, vector<16xi1> -> vector<16xf32>
          %broadcast_in_dim3A_289 = vector.shape_cast %broadcast_in_dim3A_3 : vector<16xi32> to vector<16x1xi32>
          %gather3A_290 = vector.shape_cast %broadcast_in_dim3A_289 : vector<16x1xi32> to vector<16xi32>
          %gather3A_291 = tpu.dynamic_gather %masked_cumsum3A_288[%gather3A_290] in [0] : vector<16xf32>, vector<16xi32> -> vector<16xf32>
          %eq3A_292 = arith.constant 2 : i32
          %eq3A_293 = vector.broadcast %eq3A_292 : i32 to vector<16xi32>
          %eq3A_294 = arith.cmpi eq, %iota3A, %eq3A_293 : vector<16xi32>
          %select_n3A_295 = arith.select %eq3A_294, %gather3A_291, %select_n3A_268 : vector<16xi1>, vector<16xf32>
          %get3A_296 = arith.index_cast %scan3A_215 : i32 to index
          %get3A_297 = arith.constant 48 : index
          %get3A_298 = tpu.vector_load %arg22[%get3A_296, %get3A_297] {strides = array<i32>} : memref<32x128xf32, #tpu.memory_space<vmem>>, vector<16xf32>,
          %get3A_299 = arith.index_cast %scan3A_215 : i32 to index
          %get3A_300 = arith.constant 48 : index
          %get3A_301 = tpu.vector_load %arg24[%get3A_299, %get3A_300] {strides = array<i32>} : memref<32x128xf32, #tpu.memory_space<vmem>>, vector<16xf32>,
          %mul3A_302 = arith.mulf %get3A_298, %get3A_301 : vector<16xf32>
          %mul3A_303 = arith.constant 2.500000e-01 : f32
          %mul3A_304 = vector.broadcast %mul3A_303 : f32 to vector<16xf32>
          %mul3A_305 = arith.mulf %mul3A_302, %mul3A_304 : vector<16xf32>
          %get3A_306 = arith.index_cast %scan3A_215 : i32 to index
          %get3A_307 = arith.constant 48 : index
          %get3A_308 = tpu.vector_load %arg28[%get3A_306, %get3A_307] {strides = array<i32>} : memref<32x128xf32, #tpu.memory_space<vmem>>, vector<16xf32>,
          %mul3A_309 = arith.mulf %mul3A_305, %get3A_308 : vector<16xf32>
          %swap3A_310 = arith.index_cast %scan3A_215 : i32 to index
          %swap3A_311 = arith.constant 48 : index
          %swap3A_312 = tpu.vector_load %arg28[%swap3A_310, %swap3A_311] {strides = array<i32>} : memref<32x128xf32, #tpu.memory_space<vmem>>, vector<16xf32>,
          tpu.vector_store %arg28[%swap3A_310, %swap3A_311], %mul3A_309 {strides = array<i32>} : memref<32x128xf32, #tpu.memory_space<vmem>>, vector<16xf32>,
          %broadcast_in_dim3A_313 = arith.constant true
          %broadcast_in_dim3A_314 = vector.broadcast %broadcast_in_dim3A_313 : i1 to vector<16xi1>
          %masked_cumsum3A_315 = tpu.scan <sum>, %mul3A_309 masked %broadcast_in_dim3A_314 : vector<16xf32>, vector<16xi1> -> vector<16xf32>
          %broadcast_in_dim3A_316 = vector.shape_cast %broadcast_in_dim3A_3 : vector<16xi32> to vector<16x1xi32>
          %gather3A_317 = vector.shape_cast %broadcast_in_dim3A_316 : vector<16x1xi32> to vector<16xi32>
          %gather3A_318 = tpu.dynamic_gather %masked_cumsum3A_315[%gather3A_317] in [0] : vector<16xf32>, vector<16xi32> -> vector<16xf32>
          %eq3A_319 = arith.constant 3 : i32
          %eq3A_320 = vector.broadcast %eq3A_319 : i32 to vector<16xi32>
          %eq3A_321 = arith.cmpi eq, %iota3A, %eq3A_320 : vector<16xi32>
          %select_n3A_322 = arith.select %eq3A_321, %gather3A_318, %select_n3A_295 : vector<16xi1>, vector<16xf32>
          %get3A_323 = arith.index_cast %scan3A_215 : i32 to index
          %get3A_324 = arith.constant 64 : index
          %get3A_325 = tpu.vector_load %arg22[%get3A_323, %get3A_324] {strides = array<i32>} : memref<32x128xf32, #tpu.memory_space<vmem>>, vector<16xf32>,
          %get3A_326 = arith.index_cast %scan3A_215 : i32 to index
          %get3A_327 = arith.constant 64 : index
          %get3A_328 = tpu.vector_load %arg24[%get3A_326, %get3A_327] {strides = array<i32>} : memref<32x128xf32, #tpu.memory_space<vmem>>, vector<16xf32>,
          %mul3A_329 = arith.mulf %get3A_325, %get3A_328 : vector<16xf32>
          %mul3A_330 = arith.constant 2.500000e-01 : f32
          %mul3A_331 = vector.broadcast %mul3A_330 : f32 to vector<16xf32>
          %mul3A_332 = arith.mulf %mul3A_329, %mul3A_331 : vector<16xf32>
          %get3A_333 = arith.index_cast %scan3A_215 : i32 to index
          %get3A_334 = arith.constant 64 : index
          %get3A_335 = tpu.vector_load %arg28[%get3A_333, %get3A_334] {strides = array<i32>} : memref<32x128xf32, #tpu.memory_space<vmem>>, vector<16xf32>,
          %mul3A_336 = arith.mulf %mul3A_332, %get3A_335 : vector<16xf32>
          %swap3A_337 = arith.index_cast %scan3A_215 : i32 to index
          %swap3A_338 = arith.constant 64 : index
          %swap3A_339 = tpu.vector_load %arg28[%swap3A_337, %swap3A_338] {strides = array<i32>} : memref<32x128xf32, #tpu.memory_space<vmem>>, vector<16xf32>,
          tpu.vector_store %arg28[%swap3A_337, %swap3A_338], %mul3A_336 {strides = array<i32>} : memref<32x128xf32, #tpu.memory_space<vmem>>, vector<16xf32>,
          %broadcast_in_dim3A_340 = arith.constant true
          %broadcast_in_dim3A_341 = vector.broadcast %broadcast_in_dim3A_340 : i1 to vector<16xi1>
          %masked_cumsum3A_342 = tpu.scan <sum>, %mul3A_336 masked %broadcast_in_dim3A_341 : vector<16xf32>, vector<16xi1> -> vector<16xf32>
          %broadcast_in_dim3A_343 = vector.shape_cast %broadcast_in_dim3A_3 : vector<16xi32> to vector<16x1xi32>
          %gather3A_344 = vector.shape_cast %broadcast_in_dim3A_343 : vector<16x1xi32> to vector<16xi32>
          %gather3A_345 = tpu.dynamic_gather %masked_cumsum3A_342[%gather3A_344] in [0] : vector<16xf32>, vector<16xi32> -> vector<16xf32>
          %eq3A_346 = arith.constant 4 : i32
          %eq3A_347 = vector.broadcast %eq3A_346 : i32 to vector<16xi32>
          %eq3A_348 = arith.cmpi eq, %iota3A, %eq3A_347 : vector<16xi32>
          %select_n3A_349 = arith.select %eq3A_348, %gather3A_345, %select_n3A_322 : vector<16xi1>, vector<16xf32>
          %get3A_350 = arith.index_cast %scan3A_215 : i32 to index
          %get3A_351 = arith.constant 80 : index
          %get3A_352 = tpu.vector_load %arg22[%get3A_350, %get3A_351] {strides = array<i32>} : memref<32x128xf32, #tpu.memory_space<vmem>>, vector<16xf32>,
          %get3A_353 = arith.index_cast %scan3A_215 : i32 to index
          %get3A_354 = arith.constant 80 : index
          %get3A_355 = tpu.vector_load %arg24[%get3A_353, %get3A_354] {strides = array<i32>} : memref<32x128xf32, #tpu.memory_space<vmem>>, vector<16xf32>,
          %mul3A_356 = arith.mulf %get3A_352, %get3A_355 : vector<16xf32>
          %mul3A_357 = arith.constant 2.500000e-01 : f32
          %mul3A_358 = vector.broadcast %mul3A_357 : f32 to vector<16xf32>
          %mul3A_359 = arith.mulf %mul3A_356, %mul3A_358 : vector<16xf32>
          %get3A_360 = arith.index_cast %scan3A_215 : i32 to index
          %get3A_361 = arith.constant 80 : index
          %get3A_362 = tpu.vector_load %arg28[%get3A_360, %get3A_361] {strides = array<i32>} : memref<32x128xf32, #tpu.memory_space<vmem>>, vector<16xf32>,
          %mul3A_363 = arith.mulf %mul3A_359, %get3A_362 : vector<16xf32>
          %swap3A_364 = arith.index_cast %scan3A_215 : i32 to index
          %swap3A_365 = arith.constant 80 : index
          %swap3A_366 = tpu.vector_load %arg28[%swap3A_364, %swap3A_365] {strides = array<i32>} : memref<32x128xf32, #tpu.memory_space<vmem>>, vector<16xf32>,
          tpu.vector_store %arg28[%swap3A_364, %swap3A_365], %mul3A_363 {strides = array<i32>} : memref<32x128xf32, #tpu.memory_space<vmem>>, vector<16xf32>,
          %broadcast_in_dim3A_367 = arith.constant true
          %broadcast_in_dim3A_368 = vector.broadcast %broadcast_in_dim3A_367 : i1 to vector<16xi1>
          %masked_cumsum3A_369 = tpu.scan <sum>, %mul3A_363 masked %broadcast_in_dim3A_368 : vector<16xf32>, vector<16xi1> -> vector<16xf32>
          %broadcast_in_dim3A_370 = vector.shape_cast %broadcast_in_dim3A_3 : vector<16xi32> to vector<16x1xi32>
          %gather3A_371 = vector.shape_cast %broadcast_in_dim3A_370 : vector<16x1xi32> to vector<16xi32>
          %gather3A_372 = tpu.dynamic_gather %masked_cumsum3A_369[%gather3A_371] in [0] : vector<16xf32>, vector<16xi32> -> vector<16xf32>
          %eq3A_373 = arith.constant 5 : i32
          %eq3A_374 = vector.broadcast %eq3A_373 : i32 to vector<16xi32>
          %eq3A_375 = arith.cmpi eq, %iota3A, %eq3A_374 : vector<16xi32>
          %select_n3A_376 = arith.select %eq3A_375, %gather3A_372, %select_n3A_349 : vector<16xi1>, vector<16xf32>
          %get3A_377 = arith.index_cast %scan3A_215 : i32 to index
          %get3A_378 = arith.constant 96 : index
          %get3A_379 = tpu.vector_load %arg22[%get3A_377, %get3A_378] {strides = array<i32>} : memref<32x128xf32, #tpu.memory_space<vmem>>, vector<16xf32>,
          %get3A_380 = arith.index_cast %scan3A_215 : i32 to index
          %get3A_381 = arith.constant 96 : index
          %get3A_382 = tpu.vector_load %arg24[%get3A_380, %get3A_381] {strides = array<i32>} : memref<32x128xf32, #tpu.memory_space<vmem>>, vector<16xf32>,
          %mul3A_383 = arith.mulf %get3A_379, %get3A_382 : vector<16xf32>
          %mul3A_384 = arith.constant 2.500000e-01 : f32
          %mul3A_385 = vector.broadcast %mul3A_384 : f32 to vector<16xf32>
          %mul3A_386 = arith.mulf %mul3A_383, %mul3A_385 : vector<16xf32>
          %get3A_387 = arith.index_cast %scan3A_215 : i32 to index
          %get3A_388 = arith.constant 96 : index
          %get3A_389 = tpu.vector_load %arg28[%get3A_387, %get3A_388] {strides = array<i32>} : memref<32x128xf32, #tpu.memory_space<vmem>>, vector<16xf32>,
          %mul3A_390 = arith.mulf %mul3A_386, %get3A_389 : vector<16xf32>
          %swap3A_391 = arith.index_cast %scan3A_215 : i32 to index
          %swap3A_392 = arith.constant 96 : index
          %swap3A_393 = tpu.vector_load %arg28[%swap3A_391, %swap3A_392] {strides = array<i32>} : memref<32x128xf32, #tpu.memory_space<vmem>>, vector<16xf32>,
          tpu.vector_store %arg28[%swap3A_391, %swap3A_392], %mul3A_390 {strides = array<i32>} : memref<32x128xf32, #tpu.memory_space<vmem>>, vector<16xf32>,
          %broadcast_in_dim3A_394 = arith.constant true
          %broadcast_in_dim3A_395 = vector.broadcast %broadcast_in_dim3A_394 : i1 to vector<16xi1>
          %masked_cumsum3A_396 = tpu.scan <sum>, %mul3A_390 masked %broadcast_in_dim3A_395 : vector<16xf32>, vector<16xi1> -> vector<16xf32>
          %broadcast_in_dim3A_397 = vector.shape_cast %broadcast_in_dim3A_3 : vector<16xi32> to vector<16x1xi32>
          %gather3A_398 = vector.shape_cast %broadcast_in_dim3A_397 : vector<16x1xi32> to vector<16xi32>
          %gather3A_399 = tpu.dynamic_gather %masked_cumsum3A_396[%gather3A_398] in [0] : vector<16xf32>, vector<16xi32> -> vector<16xf32>
          %eq3A_400 = arith.constant 6 : i32
          %eq3A_401 = vector.broadcast %eq3A_400 : i32 to vector<16xi32>
          %eq3A_402 = arith.cmpi eq, %iota3A, %eq3A_401 : vector<16xi32>
          %select_n3A_403 = arith.select %eq3A_402, %gather3A_399, %select_n3A_376 : vector<16xi1>, vector<16xf32>
          %get3A_404 = arith.index_cast %scan3A_215 : i32 to index
          %get3A_405 = arith.constant 112 : index
          %get3A_406 = tpu.vector_load %arg22[%get3A_404, %get3A_405] {strides = array<i32>} : memref<32x128xf32, #tpu.memory_space<vmem>>, vector<16xf32>,
          %get3A_407 = arith.index_cast %scan3A_215 : i32 to index
          %get3A_408 = arith.constant 112 : index
          %get3A_409 = tpu.vector_load %arg24[%get3A_407, %get3A_408] {strides = array<i32>} : memref<32x128xf32, #tpu.memory_space<vmem>>, vector<16xf32>,
          %mul3A_410 = arith.mulf %get3A_406, %get3A_409 : vector<16xf32>
          %mul3A_411 = arith.constant 2.500000e-01 : f32
          %mul3A_412 = vector.broadcast %mul3A_411 : f32 to vector<16xf32>
          %mul3A_413 = arith.mulf %mul3A_410, %mul3A_412 : vector<16xf32>
          %get3A_414 = arith.index_cast %scan3A_215 : i32 to index
          %get3A_415 = arith.constant 112 : index
          %get3A_416 = tpu.vector_load %arg28[%get3A_414, %get3A_415] {strides = array<i32>} : memref<32x128xf32, #tpu.memory_space<vmem>>, vector<16xf32>,
          %mul3A_417 = arith.mulf %mul3A_413, %get3A_416 : vector<16xf32>
          %swap3A_418 = arith.index_cast %scan3A_215 : i32 to index
          %swap3A_419 = arith.constant 112 : index
          %swap3A_420 = tpu.vector_load %arg28[%swap3A_418, %swap3A_419] {strides = array<i32>} : memref<32x128xf32, #tpu.memory_space<vmem>>, vector<16xf32>,
          tpu.vector_store %arg28[%swap3A_418, %swap3A_419], %mul3A_417 {strides = array<i32>} : memref<32x128xf32, #tpu.memory_space<vmem>>, vector<16xf32>,
          %broadcast_in_dim3A_421 = arith.constant true
          %broadcast_in_dim3A_422 = vector.broadcast %broadcast_in_dim3A_421 : i1 to vector<16xi1>
          %masked_cumsum3A_423 = tpu.scan <sum>, %mul3A_417 masked %broadcast_in_dim3A_422 : vector<16xf32>, vector<16xi1> -> vector<16xf32>
          %broadcast_in_dim3A_424 = vector.shape_cast %broadcast_in_dim3A_3 : vector<16xi32> to vector<16x1xi32>
          %gather3A_425 = vector.shape_cast %broadcast_in_dim3A_424 : vector<16x1xi32> to vector<16xi32>
          %gather3A_426 = tpu.dynamic_gather %masked_cumsum3A_423[%gather3A_425] in [0] : vector<16xf32>, vector<16xi32> -> vector<16xf32>
          %eq3A_427 = arith.constant 7 : i32
          %eq3A_428 = vector.broadcast %eq3A_427 : i32 to vector<16xi32>
          %eq3A_429 = arith.cmpi eq, %iota3A, %eq3A_428 : vector<16xi32>
          %select_n3A_430 = arith.select %eq3A_429, %gather3A_426, %select_n3A_403 : vector<16xi1>, vector<16xf32>
          %jit3A = arith.constant -5.000000e+00 : f32
          %jit3A_431 = arith.constant 5.000000e+00 : f32
          %max3A = vector.broadcast %jit3A : f32 to vector<16xf32>
          %max3A_432 = arith.maximumf %max3A, %select_n3A_430 : vector<16xf32>
          %min3A = vector.broadcast %jit3A_431 : f32 to vector<16xf32>
          %min3A_433 = arith.minimumf %min3A, %max3A_432 : vector<16xf32>
          %exp3A = math.exp %min3A_433 : vector<16xf32>
          %broadcast_in_dim3A_434 = arith.constant 0 : i32
          %broadcast_in_dim3A_435 = vector.broadcast %broadcast_in_dim3A_434 : i32 to vector<16xi32>
          %broadcast_in_dim3A_436 = vector.shape_cast %broadcast_in_dim3A_435 : vector<16xi32> to vector<16x1xi32>
          %gather3A_437 = vector.shape_cast %broadcast_in_dim3A_436 : vector<16x1xi32> to vector<16xi32>
          %gather3A_438 = tpu.dynamic_gather %exp3A[%gather3A_437] in [0] : vector<16xf32>, vector<16xi32> -> vector<16xf32>
          %get3A_439 = arith.index_cast %scan3A_215 : i32 to index
          %get3A_440 = arith.constant 0 : index
          %get3A_441 = tpu.vector_load %arg26[%get3A_439, %get3A_440] {strides = array<i32>} : memref<32x128xf32, #tpu.memory_space<vmem>>, vector<16xf32>,
          %mul3A_442 = arith.mulf %get3A_441, %gather3A_438 : vector<16xf32>
          %swap3A_443 = arith.index_cast %scan3A_215 : i32 to index
          %swap3A_444 = arith.constant 0 : index
          %swap3A_445 = tpu.vector_load %arg26[%swap3A_443, %swap3A_444] {strides = array<i32>} : memref<32x128xf32, #tpu.memory_space<vmem>>, vector<16xf32>,
          tpu.vector_store %arg26[%swap3A_443, %swap3A_444], %mul3A_442 {strides = array<i32>} : memref<32x128xf32, #tpu.memory_space<vmem>>, vector<16xf32>,
          %broadcast_in_dim3A_446 = arith.constant 1 : i32
          %broadcast_in_dim3A_447 = vector.broadcast %broadcast_in_dim3A_446 : i32 to vector<16xi32>
          %broadcast_in_dim3A_448 = vector.shape_cast %broadcast_in_dim3A_447 : vector<16xi32> to vector<16x1xi32>
          %gather3A_449 = vector.shape_cast %broadcast_in_dim3A_448 : vector<16x1xi32> to vector<16xi32>
          %gather3A_450 = tpu.dynamic_gather %exp3A[%gather3A_449] in [0] : vector<16xf32>, vector<16xi32> -> vector<16xf32>
          %get3A_451 = arith.index_cast %scan3A_215 : i32 to index
          %get3A_452 = arith.constant 16 : index
          %get3A_453 = tpu.vector_load %arg26[%get3A_451, %get3A_452] {strides = array<i32>} : memref<32x128xf32, #tpu.memory_space<vmem>>, vector<16xf32>,
          %mul3A_454 = arith.mulf %get3A_453, %gather3A_450 : vector<16xf32>
          %swap3A_455 = arith.index_cast %scan3A_215 : i32 to index
          %swap3A_456 = arith.constant 16 : index
          %swap3A_457 = tpu.vector_load %arg26[%swap3A_455, %swap3A_456] {strides = array<i32>} : memref<32x128xf32, #tpu.memory_space<vmem>>, vector<16xf32>,
          tpu.vector_store %arg26[%swap3A_455, %swap3A_456], %mul3A_454 {strides = array<i32>} : memref<32x128xf32, #tpu.memory_space<vmem>>, vector<16xf32>,
          %broadcast_in_dim3A_458 = arith.constant 2 : i32
          %broadcast_in_dim3A_459 = vector.broadcast %broadcast_in_dim3A_458 : i32 to vector<16xi32>
          %broadcast_in_dim3A_460 = vector.shape_cast %broadcast_in_dim3A_459 : vector<16xi32> to vector<16x1xi32>
          %gather3A_461 = vector.shape_cast %broadcast_in_dim3A_460 : vector<16x1xi32> to vector<16xi32>
          %gather3A_462 = tpu.dynamic_gather %exp3A[%gather3A_461] in [0] : vector<16xf32>, vector<16xi32> -> vector<16xf32>
          %get3A_463 = arith.index_cast %scan3A_215 : i32 to index
          %get3A_464 = arith.constant 32 : index
          %get3A_465 = tpu.vector_load %arg26[%get3A_463, %get3A_464] {strides = array<i32>} : memref<32x128xf32, #tpu.memory_space<vmem>>, vector<16xf32>,
          %mul3A_466 = arith.mulf %get3A_465, %gather3A_462 : vector<16xf32>
          %swap3A_467 = arith.index_cast %scan3A_215 : i32 to index
          %swap3A_468 = arith.constant 32 : index
          %swap3A_469 = tpu.vector_load %arg26[%swap3A_467, %swap3A_468] {strides = array<i32>} : memref<32x128xf32, #tpu.memory_space<vmem>>, vector<16xf32>,
          tpu.vector_store %arg26[%swap3A_467, %swap3A_468], %mul3A_466 {strides = array<i32>} : memref<32x128xf32, #tpu.memory_space<vmem>>, vector<16xf32>,
          %broadcast_in_dim3A_470 = arith.constant 3 : i32
          %broadcast_in_dim3A_471 = vector.broadcast %broadcast_in_dim3A_470 : i32 to vector<16xi32>
          %broadcast_in_dim3A_472 = vector.shape_cast %broadcast_in_dim3A_471 : vector<16xi32> to vector<16x1xi32>
          %gather3A_473 = vector.shape_cast %broadcast_in_dim3A_472 : vector<16x1xi32> to vector<16xi32>
          %gather3A_474 = tpu.dynamic_gather %exp3A[%gather3A_473] in [0] : vector<16xf32>, vector<16xi32> -> vector<16xf32>
          %get3A_475 = arith.index_cast %scan3A_215 : i32 to index
          %get3A_476 = arith.constant 48 : index
          %get3A_477 = tpu.vector_load %arg26[%get3A_475, %get3A_476] {strides = array<i32>} : memref<32x128xf32, #tpu.memory_space<vmem>>, vector<16xf32>,
          %mul3A_478 = arith.mulf %get3A_477, %gather3A_474 : vector<16xf32>
          %swap3A_479 = arith.index_cast %scan3A_215 : i32 to index
          %swap3A_480 = arith.constant 48 : index
          %swap3A_481 = tpu.vector_load %arg26[%swap3A_479, %swap3A_480] {strides = array<i32>} : memref<32x128xf32, #tpu.memory_space<vmem>>, vector<16xf32>,
          tpu.vector_store %arg26[%swap3A_479, %swap3A_480], %mul3A_478 {strides = array<i32>} : memref<32x128xf32, #tpu.memory_space<vmem>>, vector<16xf32>,
          %broadcast_in_dim3A_482 = arith.constant 4 : i32
          %broadcast_in_dim3A_483 = vector.broadcast %broadcast_in_dim3A_482 : i32 to vector<16xi32>
          %broadcast_in_dim3A_484 = vector.shape_cast %broadcast_in_dim3A_483 : vector<16xi32> to vector<16x1xi32>
          %gather3A_485 = vector.shape_cast %broadcast_in_dim3A_484 : vector<16x1xi32> to vector<16xi32>
          %gather3A_486 = tpu.dynamic_gather %exp3A[%gather3A_485] in [0] : vector<16xf32>, vector<16xi32> -> vector<16xf32>
          %get3A_487 = arith.index_cast %scan3A_215 : i32 to index
          %get3A_488 = arith.constant 64 : index
          %get3A_489 = tpu.vector_load %arg26[%get3A_487, %get3A_488] {strides = array<i32>} : memref<32x128xf32, #tpu.memory_space<vmem>>, vector<16xf32>,
          %mul3A_490 = arith.mulf %get3A_489, %gather3A_486 : vector<16xf32>
          %swap3A_491 = arith.index_cast %scan3A_215 : i32 to index
          %swap3A_492 = arith.constant 64 : index
          %swap3A_493 = tpu.vector_load %arg26[%swap3A_491, %swap3A_492] {strides = array<i32>} : memref<32x128xf32, #tpu.memory_space<vmem>>, vector<16xf32>,
          tpu.vector_store %arg26[%swap3A_491, %swap3A_492], %mul3A_490 {strides = array<i32>} : memref<32x128xf32, #tpu.memory_space<vmem>>, vector<16xf32>,
          %broadcast_in_dim3A_494 = arith.constant 5 : i32
          %broadcast_in_dim3A_495 = vector.broadcast %broadcast_in_dim3A_494 : i32 to vector<16xi32>
          %broadcast_in_dim3A_496 = vector.shape_cast %broadcast_in_dim3A_495 : vector<16xi32> to vector<16x1xi32>
          %gather3A_497 = vector.shape_cast %broadcast_in_dim3A_496 : vector<16x1xi32> to vector<16xi32>
          %gather3A_498 = tpu.dynamic_gather %exp3A[%gather3A_497] in [0] : vector<16xf32>, vector<16xi32> -> vector<16xf32>
          %get3A_499 = arith.index_cast %scan3A_215 : i32 to index
          %get3A_500 = arith.constant 80 : index
          %get3A_501 = tpu.vector_load %arg26[%get3A_499, %get3A_500] {strides = array<i32>} : memref<32x128xf32, #tpu.memory_space<vmem>>, vector<16xf32>,
          %mul3A_502 = arith.mulf %get3A_501, %gather3A_498 : vector<16xf32>
          %swap3A_503 = arith.index_cast %scan3A_215 : i32 to index
          %swap3A_504 = arith.constant 80 : index
          %swap3A_505 = tpu.vector_load %arg26[%swap3A_503, %swap3A_504] {strides = array<i32>} : memref<32x128xf32, #tpu.memory_space<vmem>>, vector<16xf32>,
          tpu.vector_store %arg26[%swap3A_503, %swap3A_504], %mul3A_502 {strides = array<i32>} : memref<32x128xf32, #tpu.memory_space<vmem>>, vector<16xf32>,
          %broadcast_in_dim3A_506 = arith.constant 6 : i32
          %broadcast_in_dim3A_507 = vector.broadcast %broadcast_in_dim3A_506 : i32 to vector<16xi32>
          %broadcast_in_dim3A_508 = vector.shape_cast %broadcast_in_dim3A_507 : vector<16xi32> to vector<16x1xi32>
          %gather3A_509 = vector.shape_cast %broadcast_in_dim3A_508 : vector<16x1xi32> to vector<16xi32>
          %gather3A_510 = tpu.dynamic_gather %exp3A[%gather3A_509] in [0] : vector<16xf32>, vector<16xi32> -> vector<16xf32>
          %get3A_511 = arith.index_cast %scan3A_215 : i32 to index
          %get3A_512 = arith.constant 96 : index
          %get3A_513 = tpu.vector_load %arg26[%get3A_511, %get3A_512] {strides = array<i32>} : memref<32x128xf32, #tpu.memory_space<vmem>>, vector<16xf32>,
          %mul3A_514 = arith.mulf %get3A_513, %gather3A_510 : vector<16xf32>
          %swap3A_515 = arith.index_cast %scan3A_215 : i32 to index
          %swap3A_516 = arith.constant 96 : index
          %swap3A_517 = tpu.vector_load %arg26[%swap3A_515, %swap3A_516] {strides = array<i32>} : memref<32x128xf32, #tpu.memory_space<vmem>>, vector<16xf32>,
          tpu.vector_store %arg26[%swap3A_515, %swap3A_516], %mul3A_514 {strides = array<i32>} : memref<32x128xf32, #tpu.memory_space<vmem>>, vector<16xf32>,
          %broadcast_in_dim3A_518 = arith.constant 7 : i32
          %broadcast_in_dim3A_519 = vector.broadcast %broadcast_in_dim3A_518 : i32 to vector<16xi32>
          %broadcast_in_dim3A_520 = vector.shape_cast %broadcast_in_dim3A_519 : vector<16xi32> to vector<16x1xi32>
          %gather3A_521 = vector.shape_cast %broadcast_in_dim3A_520 : vector<16x1xi32> to vector<16xi32>
          %gather3A_522 = tpu.dynamic_gather %exp3A[%gather3A_521] in [0] : vector<16xf32>, vector<16xi32> -> vector<16xf32>
          %get3A_523 = arith.index_cast %scan3A_215 : i32 to index
          %get3A_524 = arith.constant 112 : index
          %get3A_525 = tpu.vector_load %arg26[%get3A_523, %get3A_524] {strides = array<i32>} : memref<32x128xf32, #tpu.memory_space<vmem>>, vector<16xf32>,
          %mul3A_526 = arith.mulf %get3A_525, %gather3A_522 : vector<16xf32>
          %swap3A_527 = arith.index_cast %scan3A_215 : i32 to index
          %swap3A_528 = arith.constant 112 : index
          %swap3A_529 = tpu.vector_load %arg26[%swap3A_527, %swap3A_528] {strides = array<i32>} : memref<32x128xf32, #tpu.memory_space<vmem>>, vector<16xf32>,
          tpu.vector_store %arg26[%swap3A_527, %swap3A_528], %mul3A_526 {strides = array<i32>} : memref<32x128xf32, #tpu.memory_space<vmem>>, vector<16xf32>,
          %broadcast_in_dim3A_530 = vector.broadcast %scan3A_215 : i32 to vector<16xi32>
          %gather3A_531 = tpu.vector_load_idx %arg20[%broadcast_in_dim3A_530] : memref<32xi32, #tpu.memory_space<vmem>>[vector<16xi32>], vector<16xi32>,
          %eq3A_532 = arith.constant 0 : i32
          %eq3A_533 = vector.broadcast %eq3A_532 : i32 to vector<16xi32>
          %eq3A_534 = arith.cmpi eq, %gather3A_531, %eq3A_533 : vector<16xi32>
          %select_n3A_535 = arith.select %eq3A_534, %exp3A, %broadcast_in_dim3A_1 : vector<16xi1>, vector<16xf32>
          %swap3A_536 = arith.index_cast %scan3A_215 : i32 to index
          %swap3A_537 = arith.constant 0 : index
          %swap3A_538 = tpu.vector_load %arg29[%swap3A_536, %swap3A_537] {strides = array<i32>} : memref<32x128xf32, #tpu.memory_space<vmem>>, vector<16xf32>,
          tpu.vector_store %arg29[%swap3A_536, %swap3A_537], %select_n3A_535 {strides = array<i32>} : memref<32x128xf32, #tpu.memory_space<vmem>>, vector<16xf32>,
          %eq3A_539 = arith.constant 16 : i32
          %eq3A_540 = vector.broadcast %eq3A_539 : i32 to vector<16xi32>
          %eq3A_541 = arith.cmpi eq, %gather3A_531, %eq3A_540 : vector<16xi32>
          %select_n3A_542 = arith.select %eq3A_541, %exp3A, %broadcast_in_dim3A_1 : vector<16xi1>, vector<16xf32>
          %swap3A_543 = arith.index_cast %scan3A_215 : i32 to index
          %swap3A_544 = arith.constant 16 : index
          %swap3A_545 = tpu.vector_load %arg29[%swap3A_543, %swap3A_544] {strides = array<i32>} : memref<32x128xf32, #tpu.memory_space<vmem>>, vector<16xf32>,
          tpu.vector_store %arg29[%swap3A_543, %swap3A_544], %select_n3A_542 {strides = array<i32>} : memref<32x128xf32, #tpu.memory_space<vmem>>, vector<16xf32>,
          %eq3A_546 = arith.constant 32 : i32
          %eq3A_547 = vector.broadcast %eq3A_546 : i32 to vector<16xi32>
          %eq3A_548 = arith.cmpi eq, %gather3A_531, %eq3A_547 : vector<16xi32>
          %select_n3A_549 = arith.select %eq3A_548, %exp3A, %broadcast_in_dim3A_1 : vector<16xi1>, vector<16xf32>
          %swap3A_550 = arith.index_cast %scan3A_215 : i32 to index
          %swap3A_551 = arith.constant 32 : index
          %swap3A_552 = tpu.vector_load %arg29[%swap3A_550, %swap3A_551] {strides = array<i32>} : memref<32x128xf32, #tpu.memory_space<vmem>>, vector<16xf32>,
          tpu.vector_store %arg29[%swap3A_550, %swap3A_551], %select_n3A_549 {strides = array<i32>} : memref<32x128xf32, #tpu.memory_space<vmem>>, vector<16xf32>,
          %eq3A_553 = arith.constant 48 : i32
          %eq3A_554 = vector.broadcast %eq3A_553 : i32 to vector<16xi32>
          %eq3A_555 = arith.cmpi eq, %gather3A_531, %eq3A_554 : vector<16xi32>
          %select_n3A_556 = arith.select %eq3A_555, %exp3A, %broadcast_in_dim3A_1 : vector<16xi1>, vector<16xf32>
          %swap3A_557 = arith.index_cast %scan3A_215 : i32 to index
          %swap3A_558 = arith.constant 48 : index
          %swap3A_559 = tpu.vector_load %arg29[%swap3A_557, %swap3A_558] {strides = array<i32>} : memref<32x128xf32, #tpu.memory_space<vmem>>, vector<16xf32>,
          tpu.vector_store %arg29[%swap3A_557, %swap3A_558], %select_n3A_556 {strides = array<i32>} : memref<32x128xf32, #tpu.memory_space<vmem>>, vector<16xf32>,
          %eq3A_560 = arith.constant 64 : i32
          %eq3A_561 = vector.broadcast %eq3A_560 : i32 to vector<16xi32>
          %eq3A_562 = arith.cmpi eq, %gather3A_531, %eq3A_561 : vector<16xi32>
          %select_n3A_563 = arith.select %eq3A_562, %exp3A, %broadcast_in_dim3A_1 : vector<16xi1>, vector<16xf32>
          %swap3A_564 = arith.index_cast %scan3A_215 : i32 to index
          %swap3A_565 = arith.constant 64 : index
          %swap3A_566 = tpu.vector_load %arg29[%swap3A_564, %swap3A_565] {strides = array<i32>} : memref<32x128xf32, #tpu.memory_space<vmem>>, vector<16xf32>,
          tpu.vector_store %arg29[%swap3A_564, %swap3A_565], %select_n3A_563 {strides = array<i32>} : memref<32x128xf32, #tpu.memory_space<vmem>>, vector<16xf32>,
          %eq3A_567 = arith.constant 80 : i32
          %eq3A_568 = vector.broadcast %eq3A_567 : i32 to vector<16xi32>
          %eq3A_569 = arith.cmpi eq, %gather3A_531, %eq3A_568 : vector<16xi32>
          %select_n3A_570 = arith.select %eq3A_569, %exp3A, %broadcast_in_dim3A_1 : vector<16xi1>, vector<16xf32>
          %swap3A_571 = arith.index_cast %scan3A_215 : i32 to index
          %swap3A_572 = arith.constant 80 : index
          %swap3A_573 = tpu.vector_load %arg29[%swap3A_571, %swap3A_572] {strides = array<i32>} : memref<32x128xf32, #tpu.memory_space<vmem>>, vector<16xf32>,
          tpu.vector_store %arg29[%swap3A_571, %swap3A_572], %select_n3A_570 {strides = array<i32>} : memref<32x128xf32, #tpu.memory_space<vmem>>, vector<16xf32>,
          %eq3A_574 = arith.constant 96 : i32
          %eq3A_575 = vector.broadcast %eq3A_574 : i32 to vector<16xi32>
          %eq3A_576 = arith.cmpi eq, %gather3A_531, %eq3A_575 : vector<16xi32>
          %select_n3A_577 = arith.select %eq3A_576, %exp3A, %broadcast_in_dim3A_1 : vector<16xi1>, vector<16xf32>
          %swap3A_578 = arith.index_cast %scan3A_215 : i32 to index
          %swap3A_579 = arith.constant 96 : index
          %swap3A_580 = tpu.vector_load %arg29[%swap3A_578, %swap3A_579] {strides = array<i32>} : memref<32x128xf32, #tpu.memory_space<vmem>>, vector<16xf32>,
          tpu.vector_store %arg29[%swap3A_578, %swap3A_579], %select_n3A_577 {strides = array<i32>} : memref<32x128xf32, #tpu.memory_space<vmem>>, vector<16xf32>,
          %eq3A_581 = arith.constant 112 : i32
          %eq3A_582 = vector.broadcast %eq3A_581 : i32 to vector<16xi32>
          %eq3A_583 = arith.cmpi eq, %gather3A_531, %eq3A_582 : vector<16xi32>
          %select_n3A_584 = arith.select %eq3A_583, %exp3A, %broadcast_in_dim3A_1 : vector<16xi1>, vector<16xf32>
          %swap3A_585 = arith.index_cast %scan3A_215 : i32 to index
          %swap3A_586 = arith.constant 112 : index
          %swap3A_587 = tpu.vector_load %arg29[%swap3A_585, %swap3A_586] {strides = array<i32>} : memref<32x128xf32, #tpu.memory_space<vmem>>, vector<16xf32>,
          tpu.vector_store %arg29[%swap3A_585, %swap3A_586], %select_n3A_584 {strides = array<i32>} : memref<32x128xf32, #tpu.memory_space<vmem>>, vector<16xf32>,
        }
        %scan3A_204 = arith.constant 32 : i32
        %dma_start3A_205 = arith.constant 0 : i32
        %dma_start3A_206 = tpu.memref_slice %arg8[%mul3A_179, %dma_start3A_205] : memref<320000x128xf32, #tpu.memory_space<hbm>> -> memref<32x128xf32, #tpu.memory_space<hbm>>
        %dma_start3A_207 = arith.constant 0 : i32
        %dma_start3A_208 = tpu.memref_slice %arg8[%mul3A_179, %dma_start3A_207] : memref<320000x128xf32, #tpu.memory_space<hbm>> -> memref<32x128xf32, #tpu.memory_space<hbm>>
        tpu.enqueue_dma source(%arg28 : memref<32x128xf32, #tpu.memory_space<vmem>>) target(%dma_start3A_208 : memref<32x128xf32, #tpu.memory_space<hbm>>) target_semaphore(%arg43 : memref<!tpu.dma_semaphore, #tpu.memory_space<semaphore_mem>>)
        %dma_start3A_209 = arith.constant 0 : i32
        %dma_start3A_210 = arith.constant 0 : i32
        %dma_start3A_211 = tpu.memref_slice %arg30[%dma_start3A_209, %dma_start3A_210] : memref<10000x128xf32, #tpu.memory_space<vmem_shared>> -> memref<10000x128xf32, #tpu.memory_space<vmem_shared>>
        tpu.enqueue_indirect_dma source(%arg26 : memref<32x128xf32, #tpu.memory_space<vmem>>) target(%dma_start3A_211 : memref<10000x128xf32, #tpu.memory_space<vmem_shared>>) offsets(%arg16 : memref<32xi32, #tpu.memory_space<vmem>>) semaphore(%arg45 : memref<!tpu.dma_semaphore, #tpu.memory_space<semaphore_mem>>) {add = true}
        %dma_start3A_212 = arith.constant 0 : i32
        %dma_start3A_213 = arith.constant 0 : i32
        %dma_start3A_214 = tpu.memref_slice %arg31[%dma_start3A_212, %dma_start3A_213] : memref<1280x128xf32, #tpu.memory_space<vmem_shared>> -> memref<1280x128xf32, #tpu.memory_space<vmem_shared>>
        tpu.enqueue_indirect_dma source(%arg29 : memref<32x128xf32, #tpu.memory_space<vmem>>) target(%dma_start3A_214 : memref<1280x128xf32, #tpu.memory_space<vmem_shared>>) offsets(%arg18 : memref<32xi32, #tpu.memory_space<vmem>>) semaphore(%arg47 : memref<!tpu.dma_semaphore, #tpu.memory_space<semaphore_mem>>) {add = true}
      } else {
      }
      %lt3A_173 = arith.constant 10000 : i32
      %lt3A_174 = arith.cmpi slt, %add3A_162, %lt3A_173 : i32
      %convert_element_type3A_175 = arith.extui %lt3A_174 : i1 to i32
      %cond3A_176 = arith.constant 0 : i32
      %cond3A_177 = arith.cmpi ne, %convert_element_type3A_175, %cond3A_176 : i32
      scf.if %cond3A_177 {
        %mul3A_178 = arith.constant 32 : i32
        %mul3A_179 = arith.muli %add3A_162, %mul3A_178 : i32
        %dma_start3A_180 = tpu.memref_slice %arg6[%mul3A_179] : memref<320000xi32, #tpu.memory_space<hbm>> -> memref<32xi32, #tpu.memory_space<hbm>>
        %dma_start3A_181 = tpu.memref_slice %arg6[%mul3A_179] : memref<320000xi32, #tpu.memory_space<hbm>> -> memref<32xi32, #tpu.memory_space<hbm>>
        tpu.enqueue_dma source(%dma_start3A_181 : memref<32xi32, #tpu.memory_space<hbm>>) target(%arg12 : memref<32xi32, #tpu.memory_space<vmem>>) target_semaphore(%arg41 : memref<!tpu.dma_semaphore, #tpu.memory_space<semaphore_mem>>)
        %dma_start3A_182 = tpu.memref_slice %arg7[%mul3A_179] : memref<320000xi32, #tpu.memory_space<hbm>> -> memref<32xi32, #tpu.memory_space<hbm>>
        %dma_start3A_183 = tpu.memref_slice %arg7[%mul3A_179] : memref<320000xi32, #tpu.memory_space<hbm>> -> memref<32xi32, #tpu.memory_space<hbm>>
        tpu.enqueue_dma source(%dma_start3A_183 : memref<32xi32, #tpu.memory_space<hbm>>) target(%arg14 : memref<32xi32, #tpu.memory_space<vmem>>) target_semaphore(%arg41 : memref<!tpu.dma_semaphore, #tpu.memory_space<semaphore_mem>>)
      } else {
      }
    }
    %scan3A_82 = arith.constant 157 : i32
    %dma_wait3A = arith.constant 0 : i32
    %dma_wait3A_83 = arith.constant 0 : i32
    %dma_wait3A_84 = tpu.memref_slice %arg8[%dma_wait3A, %dma_wait3A_83] : memref<320000x128xf32, #tpu.memory_space<hbm>> -> memref<32x128xf32, #tpu.memory_space<hbm>>
    %dma_wait3A_85 = arith.constant 0 : i32
    %dma_wait3A_86 = arith.constant 0 : i32
    %dma_wait3A_87 = tpu.memref_slice %arg8[%dma_wait3A_85, %dma_wait3A_86] : memref<320000x128xf32, #tpu.memory_space<hbm>> -> memref<32x128xf32, #tpu.memory_space<hbm>>
    tpu.wait_dma2 semaphore(%arg42 : memref<!tpu.dma_semaphore, #tpu.memory_space<semaphore_mem>>) src(%arg27 : memref<32x128xf32, #tpu.memory_space<vmem>>) dst(%dma_wait3A_87 : memref<32x128xf32, #tpu.memory_space<hbm>>)
    %dma_wait3A_88 = arith.constant 0 : i32
    %dma_wait3A_89 = arith.constant 0 : i32
    %dma_wait3A_90 = tpu.memref_slice %arg30[%dma_wait3A_88, %dma_wait3A_89] : memref<10000x128xf32, #tpu.memory_space<vmem_shared>> -> memref<10000x128xf32, #tpu.memory_space<vmem_shared>>
    tpu.wait_indirect_dma semaphore(%arg44 : memref<!tpu.dma_semaphore, #tpu.memory_space<semaphore_mem>>) src(%arg25 : memref<32x128xf32, #tpu.memory_space<vmem>>) dst(%dma_wait3A_90 : memref<10000x128xf32, #tpu.memory_space<vmem_shared>>)
    %dma_wait3A_91 = arith.constant 0 : i32
    %dma_wait3A_92 = arith.constant 0 : i32
    %dma_wait3A_93 = tpu.memref_slice %arg8[%dma_wait3A_91, %dma_wait3A_92] : memref<320000x128xf32, #tpu.memory_space<hbm>> -> memref<32x128xf32, #tpu.memory_space<hbm>>
    %dma_wait3A_94 = arith.constant 0 : i32
    %dma_wait3A_95 = arith.constant 0 : i32
    %dma_wait3A_96 = tpu.memref_slice %arg8[%dma_wait3A_94, %dma_wait3A_95] : memref<320000x128xf32, #tpu.memory_space<hbm>> -> memref<32x128xf32, #tpu.memory_space<hbm>>
    tpu.wait_dma2 semaphore(%arg43 : memref<!tpu.dma_semaphore, #tpu.memory_space<semaphore_mem>>) src(%arg28 : memref<32x128xf32, #tpu.memory_space<vmem>>) dst(%dma_wait3A_96 : memref<32x128xf32, #tpu.memory_space<hbm>>)
    %dma_wait3A_97 = arith.constant 0 : i32
    %dma_wait3A_98 = arith.constant 0 : i32
    %dma_wait3A_99 = tpu.memref_slice %arg30[%dma_wait3A_97, %dma_wait3A_98] : memref<10000x128xf32, #tpu.memory_space<vmem_shared>> -> memref<10000x128xf32, #tpu.memory_space<vmem_shared>>
    tpu.wait_indirect_dma semaphore(%arg45 : memref<!tpu.dma_semaphore, #tpu.memory_space<semaphore_mem>>) src(%arg26 : memref<32x128xf32, #tpu.memory_space<vmem>>) dst(%dma_wait3A_99 : memref<10000x128xf32, #tpu.memory_space<vmem_shared>>)
    %lt3A = arith.constant 16 : i32
    %lt3A_100 = arith.cmpi slt, %add3A, %lt3A : i32
    %convert_element_type3A = arith.extui %lt3A_100 : i1 to i32
    %add3A_101 = arith.constant 312 : i32
    %add3A_102 = arith.addi %add3A_101, %convert_element_type3A : i32
    %sub3A = arith.constant 1 : i32
    %sub3A_103 = arith.subi %add3A_102, %sub3A : i32
    %and3A_104 = arith.constant 1 : i32
    %and3A_105 = arith.andi %sub3A_103, %and3A_104 : i32
    %eq3A = arith.constant 0 : i32
    %eq3A_106 = arith.cmpi eq, %and3A_105, %eq3A : i32
    %convert_element_type3A_107 = arith.extui %eq3A_106 : i1 to i32
    %cond3A = arith.constant 0 : i32
    %cond3A_108 = arith.cmpi ne, %convert_element_type3A_107, %cond3A : i32
    scf.if %cond3A_108 {
      %dma_wait3A_127 = arith.constant 0 : i32
      %dma_wait3A_128 = arith.constant 0 : i32
      %dma_wait3A_129 = tpu.memref_slice %arg31[%dma_wait3A_127, %dma_wait3A_128] : memref<1280x128xf32, #tpu.memory_space<vmem_shared>> -> memref<1280x128xf32, #tpu.memory_space<vmem_shared>>
      tpu.wait_indirect_dma semaphore(%arg46 : memref<!tpu.dma_semaphore, #tpu.memory_space<semaphore_mem>>) src(%arg29 : memref<32x128xf32, #tpu.memory_space<vmem>>) dst(%dma_wait3A_129 : memref<1280x128xf32, #tpu.memory_space<vmem_shared>>)
    } else {
    }
    %eq3A_109 = arith.constant 1 : i32
    %eq3A_110 = arith.cmpi eq, %and3A_105, %eq3A_109 : i32
    %convert_element_type3A_111 = arith.extui %eq3A_110 : i1 to i32
    %cond3A_112 = arith.constant 0 : i32
    %cond3A_113 = arith.cmpi ne, %convert_element_type3A_111, %cond3A_112 : i32
    scf.if %cond3A_113 {
      %dma_wait3A_127 = arith.constant 0 : i32
      %dma_wait3A_128 = arith.constant 0 : i32
      %dma_wait3A_129 = tpu.memref_slice %arg31[%dma_wait3A_127, %dma_wait3A_128] : memref<1280x128xf32, #tpu.memory_space<vmem_shared>> -> memref<1280x128xf32, #tpu.memory_space<vmem_shared>>
      tpu.wait_indirect_dma semaphore(%arg47 : memref<!tpu.dma_semaphore, #tpu.memory_space<semaphore_mem>>) src(%arg29 : memref<32x128xf32, #tpu.memory_space<vmem>>) dst(%dma_wait3A_129 : memref<1280x128xf32, #tpu.memory_space<vmem_shared>>)
    } else {
    }
    %barrier3A_114 = arith.constant 0 : index
    tpu.barrier barrier_id(%barrier3A_114)
    %scan3A_115 = arith.constant 0 : i32
    %scan3A_116 = arith.constant 0 : i32
    %scan3A_117 = arith.constant 40 : i32
    %scan3A_118 = arith.addi %scan3A_116, %scan3A_117 : i32
    %scan3A_119 = arith.constant 1 : i32
    scf.for %scan3A_127 = %scan3A_116 to %scan3A_118 step %scan3A_119  : i32 {
      %mul3A_128 = arith.constant 16 : i32
      %mul3A_129 = arith.muli %mul3A_128, %scan3A_127 : i32
      %add3A_130 = arith.addi %arg1, %mul3A_129 : i32
      %lt3A_131 = arith.constant 625 : i32
      %lt3A_132 = arith.cmpi slt, %add3A_130, %lt3A_131 : i32
      %convert_element_type3A_133 = arith.extui %lt3A_132 : i1 to i32
      %cond3A_134 = arith.constant 0 : i32
      %cond3A_135 = arith.cmpi ne, %convert_element_type3A_133, %cond3A_134 : i32
      scf.if %cond3A_135 {
        %mul3A_136 = arith.constant 16 : i32
        %mul3A_137 = arith.muli %add3A_130, %mul3A_136 : i32
        "tpu.region"() ({
          %run_scoped3A = tpu.sem_alloc : memref<!tpu.dma_semaphore, #tpu.memory_space<semaphore_mem>>
          %dma_start3A_138 = arith.constant 0 : i32
          %dma_start3A_139 = tpu.memref_slice %arg9[%arg0, %mul3A_137, %dma_start3A_138] : memref<2x10000x128xf32, #tpu.memory_space<hbm>> -> memref<1x16x128xf32, #tpu.memory_space<hbm>>
          %dma_start3A_140 = tpu.memref_squeeze %dma_start3A_139 : memref<1x16x128xf32, #tpu.memory_space<hbm>> -> memref<16x128xf32, #tpu.memory_space<hbm>>
          %dma_start3A_141 = arith.constant 0 : i32
          %dma_start3A_142 = tpu.memref_slice %arg30[%mul3A_137, %dma_start3A_141] : memref<10000x128xf32, #tpu.memory_space<vmem_shared>> -> memref<16x128xf32, #tpu.memory_space<vmem_shared>>
          tpu.enqueue_dma source(%dma_start3A_142 : memref<16x128xf32, #tpu.memory_space<vmem_shared>>) target(%dma_start3A_140 : memref<16x128xf32, #tpu.memory_space<hbm>>) target_semaphore(%run_scoped3A : memref<!tpu.dma_semaphore, #tpu.memory_space<semaphore_mem>>)
          %dma_wait3A_143 = arith.constant 0 : i32
          %dma_wait3A_144 = tpu.memref_slice %arg9[%arg0, %mul3A_137, %dma_wait3A_143] : memref<2x10000x128xf32, #tpu.memory_space<hbm>> -> memref<1x16x128xf32, #tpu.memory_space<hbm>>
          %dma_wait3A_145 = tpu.memref_squeeze %dma_wait3A_144 : memref<1x16x128xf32, #tpu.memory_space<hbm>> -> memref<16x128xf32, #tpu.memory_space<hbm>>
          %dma_wait3A_146 = arith.constant 0 : i32
          %dma_wait3A_147 = tpu.memref_slice %arg30[%mul3A_137, %dma_wait3A_146] : memref<10000x128xf32, #tpu.memory_space<vmem_shared>> -> memref<16x128xf32, #tpu.memory_space<vmem_shared>>
          tpu.wait_dma2 semaphore(%run_scoped3A : memref<!tpu.dma_semaphore, #tpu.memory_space<semaphore_mem>>) src(%dma_wait3A_147 : memref<16x128xf32, #tpu.memory_space<vmem_shared>>) dst(%dma_wait3A_145 : memref<16x128xf32, #tpu.memory_space<hbm>>)
          tpu.yield
        }) : () -> ()
      } else {
      }
    }
    %scan3A_120 = arith.constant 40 : i32
    %scan3A_121 = arith.constant 0 : i32
    %scan3A_122 = arith.constant 0 : i32
    %scan3A_123 = arith.constant 5 : i32
    %scan3A_124 = arith.addi %scan3A_122, %scan3A_123 : i32
    %scan3A_125 = arith.constant 1 : i32
    scf.for %scan3A_127 = %scan3A_122 to %scan3A_124 step %scan3A_125  : i32 {
      %mul3A_128 = arith.constant 16 : i32
      %mul3A_129 = arith.muli %mul3A_128, %scan3A_127 : i32
      %add3A_130 = arith.addi %arg1, %mul3A_129 : i32
      %lt3A_131 = arith.constant 80 : i32
      %lt3A_132 = arith.cmpi slt, %add3A_130, %lt3A_131 : i32
      %convert_element_type3A_133 = arith.extui %lt3A_132 : i1 to i32
      %cond3A_134 = arith.constant 0 : i32
      %cond3A_135 = arith.cmpi ne, %convert_element_type3A_133, %cond3A_134 : i32
      scf.if %cond3A_135 {
        %mul3A_136 = arith.constant 16 : i32
        %mul3A_137 = arith.muli %add3A_130, %mul3A_136 : i32
        "tpu.region"() ({
          %run_scoped3A = tpu.sem_alloc : memref<!tpu.dma_semaphore, #tpu.memory_space<semaphore_mem>>
          %dma_start3A_138 = arith.constant 0 : i32
          %dma_start3A_139 = tpu.memref_slice %arg10[%arg0, %mul3A_137, %dma_start3A_138] : memref<2x1280x128xf32, #tpu.memory_space<hbm>> -> memref<1x16x128xf32, #tpu.memory_space<hbm>>
          %dma_start3A_140 = tpu.memref_squeeze %dma_start3A_139 : memref<1x16x128xf32, #tpu.memory_space<hbm>> -> memref<16x128xf32, #tpu.memory_space<hbm>>
          %dma_start3A_141 = arith.constant 0 : i32
          %dma_start3A_142 = tpu.memref_slice %arg31[%mul3A_137, %dma_start3A_141] : memref<1280x128xf32, #tpu.memory_space<vmem_shared>> -> memref<16x128xf32, #tpu.memory_space<vmem_shared>>
          tpu.enqueue_dma source(%dma_start3A_142 : memref<16x128xf32, #tpu.memory_space<vmem_shared>>) target(%dma_start3A_140 : memref<16x128xf32, #tpu.memory_space<hbm>>) target_semaphore(%run_scoped3A : memref<!tpu.dma_semaphore, #tpu.memory_space<semaphore_mem>>)
          %dma_wait3A_143 = arith.constant 0 : i32
          %dma_wait3A_144 = tpu.memref_slice %arg10[%arg0, %mul3A_137, %dma_wait3A_143] : memref<2x1280x128xf32, #tpu.memory_space<hbm>> -> memref<1x16x128xf32, #tpu.memory_space<hbm>>
          %dma_wait3A_145 = tpu.memref_squeeze %dma_wait3A_144 : memref<1x16x128xf32, #tpu.memory_space<hbm>> -> memref<16x128xf32, #tpu.memory_space<hbm>>
          %dma_wait3A_146 = arith.constant 0 : i32
          %dma_wait3A_147 = tpu.memref_slice %arg31[%mul3A_137, %dma_wait3A_146] : memref<1280x128xf32, #tpu.memory_space<vmem_shared>> -> memref<16x128xf32, #tpu.memory_space<vmem_shared>>
          tpu.wait_dma2 semaphore(%run_scoped3A : memref<!tpu.dma_semaphore, #tpu.memory_space<semaphore_mem>>) src(%dma_wait3A_147 : memref<16x128xf32, #tpu.memory_space<vmem_shared>>) dst(%dma_wait3A_145 : memref<16x128xf32, #tpu.memory_space<hbm>>)
          tpu.yield
        }) : () -> ()
      } else {
      }
    }
    %scan3A_126 = arith.constant 5 : i32
    return
  }
}

module attributes {stable_mosaic.version = 14 : i64} {
  func.func @_proj_kernel(%arg0: i32, %arg1: memref<2000x128xf32, #tpu.memory_space<vmem>>, %arg2: memref<128x128xf32, #tpu.memory_space<vmem>>, %arg3: memref<1x128xf32, #tpu.memory_space<vmem>>, %arg4: memref<2000x128xf32, #tpu.memory_space<vmem>>) attributes {dimension_semantics = [#tpu.dimension_semantics<arbitrary>], iteration_bounds = array<i64: 160>, scalar_prefetch = 0 : i64, scratch_operands = 0 : i64, tpu.core_type = #tpu.core_type<tc>, window_params = [{transform_indices = @transform_0, window_bounds = array<i64: 2000, 128>}, {pipeline_mode = #tpu.pipeline_mode<synchronous>, transform_indices = @transform_1, window_bounds = array<i64: 128, 128>}, {pipeline_mode = #tpu.pipeline_mode<synchronous>, transform_indices = @transform_2, window_bounds = array<i64: 1, 128>}, {transform_indices = @transform_3, window_bounds = array<i64: 2000, 128>}]} {
    %get3A = arith.constant 0 : index
    %get3A_0 = arith.constant 0 : index
    %get3A_1 = vector.load %arg1[%get3A, %get3A_0] : memref<2000x128xf32, #tpu.memory_space<vmem>>, vector<2000x128xf32>
    %get3A_2 = arith.constant 0 : index
    %get3A_3 = arith.constant 0 : index
    %get3A_4 = vector.load %arg2[%get3A_2, %get3A_3] : memref<128x128xf32, #tpu.memory_space<vmem>>, vector<128x128xf32>
    %dot_general3A = arith.constant dense<0.000000e+00> : vector<2000x128xf32>
    %dot_general3A_5 = tpu.matmul %get3A_1, %get3A_4, %dot_general3A {dimension_numbers = #tpu.dot_dimension_numbers<[1], [0], [0], [1], [0, 0, 1, 1], [], []>, transpose_lhs_hint = false} : vector<2000x128xf32>, vector<128x128xf32>, vector<2000x128xf32> -> vector<2000x128xf32>
    %get3A_6 = arith.constant 0 : index
    %get3A_7 = arith.constant 0 : index
    %get3A_8 = vector.load %arg3[%get3A_6, %get3A_7] : memref<1x128xf32, #tpu.memory_space<vmem>>, vector<1x128xf32>
    %add3A = vector.broadcast %get3A_8 : vector<1x128xf32> to vector<2000x128xf32>
    %add3A_9 = arith.addf %dot_general3A_5, %add3A : vector<2000x128xf32>
    %swap3A = arith.constant 0 : index
    %swap3A_10 = arith.constant 0 : index
    %swap3A_11 = vector.load %arg4[%swap3A, %swap3A_10] : memref<2000x128xf32, #tpu.memory_space<vmem>>, vector<2000x128xf32>
    tpu.vector_store %arg4[%swap3A, %swap3A_10], %add3A_9 {strides = array<i32>} : memref<2000x128xf32, #tpu.memory_space<vmem>>, vector<2000x128xf32>,
    return
  }
  func.func @transform_0(%arg0: i32) -> (i32, i32) {
    %c0_i32 = arith.constant 0 : i32
    %c0_i32_0 = arith.constant 0 : i32
    return %arg0, %c0_i32 : i32, i32
  }
  func.func @transform_1(%arg0: i32) -> (i32, i32) {
    %c0_i32 = arith.constant 0 : i32
    %c0_i32_0 = arith.constant 0 : i32
    %c0_i32_1 = arith.constant 0 : i32
    return %c0_i32, %c0_i32_0 : i32, i32
  }
  func.func @transform_2(%arg0: i32) -> (i32, i32) {
    %c0_i32 = arith.constant 0 : i32
    %c0_i32_0 = arith.constant 0 : i32
    %c0_i32_1 = arith.constant 0 : i32
    return %c0_i32, %c0_i32_0 : i32, i32
  }
  func.func @transform_3(%arg0: i32) -> (i32, i32) {
    %c0_i32 = arith.constant 0 : i32
    %c0_i32_0 = arith.constant 0 : i32
    return %arg0, %c0_i32 : i32, i32
  }
}

module attributes {stable_mosaic.version = 14 : i64} {
  func.func @_proj3_kernel(%arg0: i32, %arg1: memref<1000x128xf32, #tpu.memory_space<vmem>>, %arg2: memref<128x384xf32, #tpu.memory_space<vmem>>, %arg3: memref<1x384xf32, #tpu.memory_space<vmem>>, %arg4: memref<1000x128xf32, #tpu.memory_space<vmem>>, %arg5: memref<1000x128xf32, #tpu.memory_space<vmem>>, %arg6: memref<1000x128xf32, #tpu.memory_space<vmem>>) attributes {dimension_semantics = [#tpu.dimension_semantics<arbitrary>], iteration_bounds = array<i64: 10>, scalar_prefetch = 0 : i64, scratch_operands = 0 : i64, tpu.core_type = #tpu.core_type<tc>, window_params = [{transform_indices = @transform_0, window_bounds = array<i64: 1000, 128>}, {pipeline_mode = #tpu.pipeline_mode<synchronous>, transform_indices = @transform_1, window_bounds = array<i64: 128, 384>}, {pipeline_mode = #tpu.pipeline_mode<synchronous>, transform_indices = @transform_2, window_bounds = array<i64: 1, 384>}, {transform_indices = @transform_3, window_bounds = array<i64: 1000, 128>}, {transform_indices = @transform_4, window_bounds = array<i64: 1000, 128>}, {transform_indices = @transform_5, window_bounds = array<i64: 1000, 128>}]} {
    %get3A = arith.constant 0 : index
    %get3A_0 = arith.constant 0 : index
    %get3A_1 = vector.load %arg1[%get3A, %get3A_0] : memref<1000x128xf32, #tpu.memory_space<vmem>>, vector<1000x128xf32>
    %get3A_2 = arith.constant 0 : index
    %get3A_3 = arith.constant 0 : index
    %get3A_4 = vector.load %arg2[%get3A_2, %get3A_3] : memref<128x384xf32, #tpu.memory_space<vmem>>, vector<128x384xf32>
    %dot_general3A = arith.constant dense<0.000000e+00> : vector<1000x384xf32>
    %dot_general3A_5 = tpu.matmul %get3A_1, %get3A_4, %dot_general3A {dimension_numbers = #tpu.dot_dimension_numbers<[1], [0], [0], [1], [0, 0, 1, 1], [], []>, transpose_lhs_hint = false} : vector<1000x128xf32>, vector<128x384xf32>, vector<1000x384xf32> -> vector<1000x384xf32>
    %get3A_6 = arith.constant 0 : index
    %get3A_7 = arith.constant 0 : index
    %get3A_8 = vector.load %arg3[%get3A_6, %get3A_7] : memref<1x384xf32, #tpu.memory_space<vmem>>, vector<1x384xf32>
    %add3A = vector.broadcast %get3A_8 : vector<1x384xf32> to vector<1000x384xf32>
    %add3A_9 = arith.addf %dot_general3A_5, %add3A : vector<1000x384xf32>
    %slice3A = vector.extract_strided_slice %add3A_9 {offsets = [0, 0], sizes = [1000, 128], strides = [1, 1]} : vector<1000x384xf32> to vector<1000x128xf32>
    %swap3A = arith.constant 0 : index
    %swap3A_10 = arith.constant 0 : index
    %swap3A_11 = vector.load %arg4[%swap3A, %swap3A_10] : memref<1000x128xf32, #tpu.memory_space<vmem>>, vector<1000x128xf32>
    tpu.vector_store %arg4[%swap3A, %swap3A_10], %slice3A {strides = array<i32>} : memref<1000x128xf32, #tpu.memory_space<vmem>>, vector<1000x128xf32>,
    %slice3A_12 = vector.extract_strided_slice %add3A_9 {offsets = [0, 128], sizes = [1000, 128], strides = [1, 1]} : vector<1000x384xf32> to vector<1000x128xf32>
    %swap3A_13 = arith.constant 0 : index
    %swap3A_14 = arith.constant 0 : index
    %swap3A_15 = vector.load %arg5[%swap3A_13, %swap3A_14] : memref<1000x128xf32, #tpu.memory_space<vmem>>, vector<1000x128xf32>
    tpu.vector_store %arg5[%swap3A_13, %swap3A_14], %slice3A_12 {strides = array<i32>} : memref<1000x128xf32, #tpu.memory_space<vmem>>, vector<1000x128xf32>,
    %slice3A_16 = vector.extract_strided_slice %add3A_9 {offsets = [0, 256], sizes = [1000, 128], strides = [1, 1]} : vector<1000x384xf32> to vector<1000x128xf32>
    %swap3A_17 = arith.constant 0 : index
    %swap3A_18 = arith.constant 0 : index
    %swap3A_19 = vector.load %arg6[%swap3A_17, %swap3A_18] : memref<1000x128xf32, #tpu.memory_space<vmem>>, vector<1000x128xf32>
    tpu.vector_store %arg6[%swap3A_17, %swap3A_18], %slice3A_16 {strides = array<i32>} : memref<1000x128xf32, #tpu.memory_space<vmem>>, vector<1000x128xf32>,
    return
  }
  func.func @transform_0(%arg0: i32) -> (i32, i32) {
    %c0_i32 = arith.constant 0 : i32
    %c0_i32_0 = arith.constant 0 : i32
    return %arg0, %c0_i32 : i32, i32
  }
  func.func @transform_1(%arg0: i32) -> (i32, i32) {
    %c0_i32 = arith.constant 0 : i32
    %c0_i32_0 = arith.constant 0 : i32
    %c0_i32_1 = arith.constant 0 : i32
    return %c0_i32, %c0_i32_0 : i32, i32
  }
  func.func @transform_2(%arg0: i32) -> (i32, i32) {
    %c0_i32 = arith.constant 0 : i32
    %c0_i32_0 = arith.constant 0 : i32
    %c0_i32_1 = arith.constant 0 : i32
    return %c0_i32, %c0_i32_0 : i32, i32
  }
  func.func @transform_3(%arg0: i32) -> (i32, i32) {
    %c0_i32 = arith.constant 0 : i32
    %c0_i32_0 = arith.constant 0 : i32
    return %arg0, %c0_i32 : i32, i32
  }
  func.func @transform_4(%arg0: i32) -> (i32, i32) {
    %c0_i32 = arith.constant 0 : i32
    %c0_i32_0 = arith.constant 0 : i32
    return %arg0, %c0_i32 : i32, i32
  }
  func.func @transform_5(%arg0: i32) -> (i32, i32) {
    %c0_i32 = arith.constant 0 : i32
    %c0_i32_0 = arith.constant 0 : i32
    return %arg0, %c0_i32 : i32, i32
  }
}

module attributes {stable_mosaic.version = 14 : i64} {
  func.func @_combine_kernel(%arg0: i32, %arg1: memref<2x1000x128xf32, #tpu.memory_space<vmem>>, %arg2: memref<2x1000x16xf32, #tpu.memory_space<vmem>>, %arg3: memref<1000x128xf32, #tpu.memory_space<vmem>>) attributes {dimension_semantics = [#tpu.dimension_semantics<arbitrary>], iteration_bounds = array<i64: 10>, scalar_prefetch = 0 : i64, scratch_operands = 0 : i64, tpu.core_type = #tpu.core_type<tc>, window_params = [{transform_indices = @transform_0, window_bounds = array<i64: 2, 1000, 128>}, {transform_indices = @transform_1, window_bounds = array<i64: 2, 1000, 16>}, {transform_indices = @transform_2, window_bounds = array<i64: 1000, 128>}]} {
    %get3A = arith.constant 0 : index
    %get3A_0 = arith.constant 0 : index
    %get3A_1 = arith.constant 0 : index
    %get3A_2 = vector.load %arg1[%get3A, %get3A_0, %get3A_1] : memref<2x1000x128xf32, #tpu.memory_space<vmem>>, vector<1x1000x128xf32>
    %get3A_3 = vector.shape_cast %get3A_2 : vector<1x1000x128xf32> to vector<1000x128xf32>
    %get3A_4 = arith.constant 1 : index
    %get3A_5 = arith.constant 0 : index
    %get3A_6 = arith.constant 0 : index
    %get3A_7 = vector.load %arg1[%get3A_4, %get3A_5, %get3A_6] : memref<2x1000x128xf32, #tpu.memory_space<vmem>>, vector<1x1000x128xf32>
    %get3A_8 = vector.shape_cast %get3A_7 : vector<1x1000x128xf32> to vector<1000x128xf32>
    %add3A = arith.addf %get3A_3, %get3A_8 : vector<1000x128xf32>
    %get3A_9 = arith.constant 0 : index
    %get3A_10 = arith.constant 0 : index
    %get3A_11 = arith.constant 0 : index
    %get3A_12 = vector.load %arg2[%get3A_9, %get3A_10, %get3A_11] : memref<2x1000x16xf32, #tpu.memory_space<vmem>>, vector<1x1000x8xf32>
    %get3A_13 = vector.shape_cast %get3A_12 : vector<1x1000x8xf32> to vector<1000x8xf32>
    %get3A_14 = arith.constant 1 : index
    %get3A_15 = arith.constant 0 : index
    %get3A_16 = arith.constant 0 : index
    %get3A_17 = vector.load %arg2[%get3A_14, %get3A_15, %get3A_16] : memref<2x1000x16xf32, #tpu.memory_space<vmem>>, vector<1x1000x8xf32>
    %get3A_18 = vector.shape_cast %get3A_17 : vector<1x1000x8xf32> to vector<1000x8xf32>
    %add3A_19 = arith.addf %get3A_13, %get3A_18 : vector<1000x8xf32>
    %add3A_20 = arith.constant 9.99999997E-7 : f32
    %add3A_21 = vector.broadcast %add3A_20 : f32 to vector<1000x8xf32>
    %add3A_22 = arith.addf %add3A_19, %add3A_21 : vector<1000x8xf32>
    %broadcast_in_dim3A = vector.shape_cast %add3A_22 : vector<1000x8xf32> to vector<1000x8x1xf32>
    %broadcast_in_dim3A_23 = vector.broadcast %broadcast_in_dim3A : vector<1000x8x1xf32> to vector<1000x8x16xf32>
    %reshape3A = vector.shape_cast %broadcast_in_dim3A_23 : vector<1000x8x16xf32> to vector<1000x128xf32>
    %div3A = arith.divf %add3A, %reshape3A : vector<1000x128xf32>
    %swap3A = arith.constant 0 : index
    %swap3A_24 = arith.constant 0 : index
    %swap3A_25 = vector.load %arg3[%swap3A, %swap3A_24] : memref<1000x128xf32, #tpu.memory_space<vmem>>, vector<1000x128xf32>
    tpu.vector_store %arg3[%swap3A, %swap3A_24], %div3A {strides = array<i32>} : memref<1000x128xf32, #tpu.memory_space<vmem>>, vector<1000x128xf32>,
    return
  }
  func.func @transform_0(%arg0: i32) -> (i32, i32, i32) {
    %c0_i32 = arith.constant 0 : i32
    %c0_i32_0 = arith.constant 0 : i32
    %c0_i32_1 = arith.constant 0 : i32
    return %c0_i32, %arg0, %c0_i32_0 : i32, i32, i32
  }
  func.func @transform_1(%arg0: i32) -> (i32, i32, i32) {
    %c0_i32 = arith.constant 0 : i32
    %c0_i32_0 = arith.constant 0 : i32
    %c0_i32_1 = arith.constant 0 : i32
    return %c0_i32, %arg0, %c0_i32_0 : i32, i32, i32
  }
  func.func @transform_2(%arg0: i32) -> (i32, i32) {
    %c0_i32 = arith.constant 0 : i32
    %c0_i32_0 = arith.constant 0 : i32
    return %arg0, %c0_i32 : i32, i32
  }
}

</mosaic_0001>

<sc_bundles>
// kernel: kernel.6.cloned.1.call-start
scs
__scs_entry_jumppad:
0x0: {  	(pc) =	sbr.rel $0x88, $3  }
0x1: {  	(tag) =	ssettag $0x0;
	lr =	simm.s32 $0x1  }
0x2: {  	[smem:$0x3F96] =	sst lr;
	_ =	strace $0xD0000000  }
0x3: {  	_ = 	snop  }
0x4: {  	_ = 	snop  }
0x5: {  	_ = 	snop  }
0x6: {  	_ = 	snop  }
0x7: {  	_ = 	snop  }
__scs_overlays_trampoline_lowered:
0x8: {  	[smem:$0x3FA5] =	sst s0  }
0x9: {  	[smem:$0x3FA6] =	sst s1  }
0xa: {  	[smem:$0x3FA7] =	sst s2  }
0xb: {  	[smem:$0x3FA8] =	sst s3  }
0xc: {  	[smem:$0x3FA9] =	sst s4  }
0xd: {  	[smem:$0x3FAA] =	sst s5  }
0xe: {  	[smem:$0x3FAB] =	sst s6  }
0xf: {  	[smem:$0x3FAC] =	sst s7  }
0x10: {  	[smem:$0x3FAD] =	sst s8  }
0x11: {  	[smem:$0x3FAE] =	sst s9;
	s0 =	simm.s32 @!p0 $0x0  }
0x12: {  	s1 =	sld [smem:$0x3F94];
	s0 =	simm.s32 @p0 $0x1  }
0x13: {  	[smem:$0x3FAF] =	sst s0;
	s0 =	simm.s32 @!p1 $0x0  }
0x14: {  	s2 =	sld [smem:$0x3F93];
	s0 =	simm.s32 @p1 $0x1  }
0x15: {  	[smem:$0x3FB0] =	sst s0;
	s0 =	simm.s32 @!p2 $0x0  }
0x16: {  	s3 =	sld [smem:$0x3FDB];
	s0 =	simm.s32 @p2 $0x1  }
0x17: {  	s4 =	simm.s32 $0x1BF5;
	[smem:$0x3FB2] =	sst s0  }
0x18: {  	s0 =	sld [smem:$0x3F95];
	_ =	swait.ge [sflag:s4], $0x0  }
0x19: {  	s7 =	sld [smem:$0x3F96]  }
0x1a: {  	s8 =	sadd.s32 $0xFFFFE003, lr  }
0x1b: {  	s9 =	sadd.s32 $0xFFFFFEF7, lr;
	s5 =	simm.s32 $0xFFFFFFFF;
	p2 =	slt.u32 s8, $0xFFFFF086  }
0x1c: {  	p1 =	slt.u32 s9, $0xF7A;
	s5 =	simm.s32 @!p2 $0x0  }
0x1d: {  	s5 =	simm.s32 @p1 $0x1;
	p0 =	seq.s32 s7, s2  }
0x1e: {  	s7 =	smul.u32 @!p0 $0xF7A, s2;
	p2 =	seq.s32 @!p0 s5, $0x0  }
0x1f: {  	s9 =	smul.u32 $0xF7A, s1;
	s8 =	simm.s32 @!p0 $0x1BF5;
	p2 =	por !p2, p0  }
0x20: {  	[sflag:s8] =	ssyncset.s32 @!p0 $0xFFFFF086;
	s6 =	sadd.s32 @!p0 s3, s7;
	s7 =	simm.s32 @!p0 $0x108  }
0x21: {  	s3 =	sadd.s32 s3, s9;
	s6 =	sadd.s32 @!p0 $0x88, s6;
	s7 =	simm.s32 @p2 $0x1082  }
0x22: {  	[simem:s7], [sflag:s8] =	dma.local @!p0 [hbm:s6], $0xF7A  }
0x23: {  	s9 =	sor.u32 $0xD0000000, s2;
	s6 =	simm.s32 $0x108;
	_ =	swait.ge @!p0 [sflag:s8], $0x0  }
0x24: {  	s3 =	sadd.s32 $0x88, s3;
	s6 =	simm.s32 @!p1 $0x1082;
	[sflag:s4] =	ssyncset.s32 $0xFFFFF086  }
0x25: {  	[simem:s6], [sflag:s4] =	dma.local [hbm:s3], $0xF7A  }
0x26: {  	[smem:$0x3F96] =	sst s1;
	(tag) =	ssettag s2;
	_ =	strace s9  }
0x27: {  	s1 =	sld [smem:$0x3FA6]  }
0x28: {  	s2 =	sld [smem:$0x3FA7]  }
0x29: {  	s4 =	sld [smem:$0x3FA9]  }
0x2a: {  	p0 =	seq.s32 s5, $0x0;
	s5 =	sld [smem:$0x3FAA]  }
0x2b: {  	s6 =	sld [smem:$0x3FAB]  }
0x2c: {  	s7 =	sld [smem:$0x3FAC]  }
0x2d: {  	s3 =	simm.s32 $0x108;
	s8 =	sld [smem:$0x3FAD]  }
0x2e: {  	s3 =	simm.s32 @!p0 $0x1082;
	s9 =	sld [smem:$0x3FAE]  }
0x2f: {  	lr =	sadd.s32 s0, s3;
	s0 =	sld [smem:$0x3FA5]  }
0x30: {  	s3 =	sld [smem:$0x3FA8]  }
0x31: {  	[smem:$0x3FB1] =	sst s10  }
0x32: {  	s10 =	sld [smem:$0x3FAF];
	_ =	sdelay $0x3  }
0x33: {  	p0 =	seq.s32 s10, $0x1;
	s10 =	sld [smem:$0x3FB1];
	_ =	sdelay $0x3  }
0x34: {  	[smem:$0x3FB1] =	sst s10  }
0x35: {  	s10 =	sld [smem:$0x3FB0];
	_ =	sdelay $0x3  }
0x36: {  	p1 =	seq.s32 s10, $0x1;
	s10 =	sld [smem:$0x3FB1];
	_ =	sdelay $0x3  }
0x37: {  	[smem:$0x3FB1] =	sst s10  }
0x38: {  	s10 =	sld [smem:$0x3FB2]  }
0x39: {  	_ = 	snop;
	(pc) =	sbr.ind lr, $3  }
0x3a: {  	_ = 	snop  }
0x3b: {  	_ = 	snop  }
0x3c: {  	p2 =	seq.s32 s10, $0x1;
	s10 =	sld [smem:$0x3FB1]  }
0x3d: {  	_ =	shalt  }
0x3e: {  	_ =	shalt  }
0x3f: {  	_ =	shalt  }
0x40: {  	_ =	shalt  }
0x41: {  	_ =	shalt  }
0x42: {  	_ =	shalt  }
0x43: {  	_ =	shalt  }
0x44: {  	_ =	shalt  }
0x45: {  	_ =	shalt  }
0x46: {  	_ =	shalt  }
0x47: {  	_ =	shalt  }
0x48: {  	_ =	shalt  }
0x49: {  	_ =	shalt  }
0x4a: {  	_ =	shalt  }
0x4b: {  	_ =	shalt  }
0x4c: {  	_ =	shalt  }
0x4d: {  	_ =	shalt  }
0x4e: {  	_ =	shalt  }
0x4f: {  	_ =	shalt  }
0x50: {  	_ =	shalt  }
0x51: {  	_ =	shalt  }
0x52: {  	_ =	shalt  }
0x53: {  	_ =	shalt  }
0x54: {  	_ =	shalt  }
0x55: {  	_ =	shalt  }
0x56: {  	_ =	shalt  }
0x57: {  	_ =	shalt  }
0x58: {  	_ =	shalt  }
0x59: {  	_ =	shalt  }
0x5a: {  	_ =	shalt  }
0x5b: {  	_ =	shalt  }
0x5c: {  	_ =	shalt  }
0x5d: {  	_ =	shalt  }
0x5e: {  	_ =	shalt  }
0x5f: {  	_ =	shalt  }
0x60: {  	_ =	shalt  }
0x61: {  	_ =	shalt  }
0x62: {  	_ =	shalt  }
0x63: {  	_ =	shalt  }
0x64: {  	_ =	shalt  }
0x65: {  	_ =	shalt  }
0x66: {  	_ =	shalt  }
0x67: {  	_ =	shalt  }
0x68: {  	_ =	shalt  }
0x69: {  	_ =	shalt  }
0x6a: {  	_ =	shalt  }
0x6b: {  	_ =	shalt  }
0x6c: {  	_ =	shalt  }
0x6d: {  	_ =	shalt  }
0x6e: {  	_ =	shalt  }
0x6f: {  	_ =	shalt  }
0x70: {  	_ =	shalt  }
0x71: {  	_ =	shalt  }
0x72: {  	_ =	shalt  }
0x73: {  	_ =	shalt  }
0x74: {  	_ =	shalt  }
0x75: {  	_ =	shalt  }
0x76: {  	_ =	shalt  }
0x77: {  	_ =	shalt  }
0x78: {  	_ =	shalt  }
0x79: {  	_ =	shalt  }
0x7a: {  	_ =	shalt  }
0x7b: {  	_ =	shalt  }
0x7c: {  	_ =	shalt  }
0x7d: {  	_ =	shalt  }
0x7e: {  	_ =	shalt  }
0x7f: {  	_ =	shalt  }
0x80: {  	_ =	shalt  }
0x81: {  	_ =	shalt  }
0x82: {  	_ =	shalt  }
0x83: {  	_ =	shalt  }
0x84: {  	_ =	shalt  }
0x85: {  	_ =	shalt  }
0x86: {  	_ =	shalt  }
0x87: {  	_ =	shalt  }
.Lfunc_end0:
.L_simem_size_0:
called_computation_lowered:
.L_overlay_start_0:
0x88: {  	s2 =	sld [smem:$0x3FD9]  }
0x89: {  	s3 =	sld [smem:$0x3FFE];
	_ =	sdelay $0x1  }
0x8a: {  	s1 =	srdreg.scid  }
0x8b: {  	s0 =	sand.u32 $0x1, s1  }
0x8c: {  	s14 =	sshll.u32 s0, $0xA;
	s2 =	sadd.s32 s3, s2  }
0x8d: {  	s2 =	sadd.s32 s2, s14  }
0x8e: {  	[smem:$0x3FBD] =	sst s2  }
0x8f: {  	_ = 	snop  }
0x90: {  	s2 =	sld [smem:$0x3FD0];
	_ =	sdelay $0x2  }
0x91: {  	s15 =	simm.s32 $0xA;
	s4 =	simm.s32 $0x10  }
0x92: {  	[smem:s4], [sflag:s15] =	dma.local [hbm:s2], $0x1  }
0x93: {  	_ =	swait.eq [sflag:s15], $0x1  }
0x94: {  	[sflag:s15] =	ssyncset.done $0x0  }
0x95: {  	s16 =	sld [smem:$0x10];
	[sflag:s15] =	ssyncadd.s32 $0xFFFFFFFF  }
0x96: {  	s17 =	sld [smem:$0x11];
	(tm) =	ssettm $0x1  }
0x97: {  	s18 =	sld [smem:$0x3FFB];
	_ =	sdelay $0x3  }
0x98: {  	_ =	strace s18  }
0x99: {  	s4 =	sld [smem:$0x3FFC];
	_ =	sdelay $0x3  }
0x9a: {  	_ =	strace s4  }
0x9b: {  	s4 =	sld [smem:$0x3FFD];
	_ =	sdelay $0x3  }
0x9c: {  	_ =	strace s4  }
0x9d: {  	_ =	strace $0x8FFFFFFF  }
0x9e: {  	s19 =	sld [smem:$0x3FDB];
	_ =	sdelay $0x1  }
0x9f: {  	s5 =	simm.s32 $_scs_section_size  }
0xa0: {  	s6 =	simm.s32 $_size__tile_overlayer_lowered;
	s7 =	simm.s32 $_tile_overlayer_lowered  }
0xa1: {  	s22 =	simm.s32 $0x1BFF;
	s21 =	sshll.u32 s7, $0x1;
	s4 =	sadd.s32 s5, s19  }
0xa2: {  	s8 =	simm.s32 $0x0;
	s20 =	sshll.u32 s6, $0x1;
	s6 =	sadd.s32 s21, s4  }
0xa3: {  	[timem:s8], [sflag:s22] =	dma.local [hbm:s6], s20  }
0xa4: {  	_ =	swait.ge [sflag:s22], s20  }
0xa5: {  	s5 =	ssub.s32 $0x0, s20;
	[sflag:s22] =	ssyncset.done $0x0  }
0xa6: {  	[sflag:s22] =	ssyncadd.s32 s5;
	_ =	sdelay $0x1  }
0xa7: {  	s23 =	simm.s32 $0x1B8B  }
0xa8: {  	_ =	swait.ge [sflag:s23], $0x1  }
0xa9: {  	[sflag:s23] =	ssyncset.done $0x0  }
0xaa: {  	s25 =	simm.s32 $0x1B8E;
	s24 =	sld [smem:$0x3FFE];
	[sflag:s23] =	ssyncadd.s32 $0xFFFFFFFF  }
0xab: {  	s26 =	simm.s32 $execute0_lowered;
	[smem:$0x3FD2] =	sst s25  }
0xac: {  	s6 =	sshll.u32 s26, $0x1;
	_ =	strace $0x80000046;
	[dreg:$0x1] =	wrdreg $0xFFFFFFFF  }
0xad: {  	s28 =	simm.s32 $_size_execute0_lowered;
	s4 =	sadd.s32 s4, s6;
	[dreg:$0x0] =	wrdreg $0x0  }
0xae: {  	s6 =	sshll.u32 s28, $0x1;
	[dreg:$0x2] =	wrdreg s4  }
0xaf: {  	[dreg:$0x3] =	wrdreg s6  }
0xb0: {  	[dreg:$0x4] =	wrdreg $0xC0  }
0xb1: {  	_ =	task [dreg:s8], $0x5FFFF  }
0xb2: {  	[dreg:$0x1] =	wrdreg $0xFFFFFFFF  }
0xb3: {  	[dreg:$0x0] =	wrdreg $0x60  }
0xb4: {  	[dreg:$0x2] =	wrdreg s16  }
0xb5: {  	[dreg:$0x3] =	wrdreg s24  }
0xb6: {  	[dreg:$0x4] =	wrdreg s17  }
0xb7: {  	[dreg:$0x5] =	wrdreg $0x95000  }
0xb8: {  	[dreg:$0x6] =	wrdreg $0x1CD800  }
0xb9: {  	[dreg:$0x7] =	wrdreg $0x9  }
0xba: {  	_ =	task.clear_ibuf [dreg:s8], $0x8FFFF;
	_ =	strace $0x90000046  }
0xbb: {  	s29 =	simm.s32 $0x9;
	_ =	strace $0x80000048  }
0xbc: {  	_ =	swait.ge [sflag:s29], $0x1  }
0xbd: {  	[sflag:s29] =	ssyncadd.s32 $0xFFFFFFFF  }
0xbe: {  	_ =	strace $0x90000048  }
0xbf: {  	_ =	sfence  }
0xc0: {  	s30 =	sld [smem:$0x0];
	_ =	sdelay $0x2  }
0xc1: {  	s31 =	sshll.u32 s1, $0xD;
	s1 =	sshrl.u32 s1, $0x2  }
0xc2: {  	s3 =	sand.u32 $0x4000, s31;
	s1 =	sadd.s32 s1, s30  }
0xc3: {  	s0 =	sor.u32 s3, s0;
	s1 =	sshll.u32 s1, $0x11  }
0xc4: {  	s0 =	sor.u32 s1, s0  }
0xc5: {  	s0 =	sadd.s32 $0x8F2B, s0  }
0xc6: {  	[sflag:s0] =	ssyncadd.remote.s32 $0x1  }
0xc7: {  	_ =	sfence.sel $0xFFFF  }
0xc8: {  	[dreg:$0x0] =	wrdreg $0xFFFFFFFF;
	(pc) =	sbr.abs _section_cstart, $3  }
0xc9: {  	[dreg:$0x1] =	wrdreg $0xFFFFFFFF  }
0xca: {  	_ =	task.clear_ibuf [dreg:s8], $0x2FFFF;
	_ =	strace $0x9FFFFFFF  }
0xcb: {  	(tm) =	ssettm $0x7FFFFFFF  }
tec
execute0_lowered:
.L_overlay_start_1:
0x0: {  	(tag) =	ssettag $0x1  }
0x1: {  	s1 =	rddreg [dreg:$0x0]  }
0x2: {  	s0 =	rddreg [dreg:$0x1]  }
0x3: {  	s20 =	rddreg [dreg:$0x2]  }
0x4: {  	s21 =	rddreg [dreg:$0x3]  }
0x5: {  	s22 =	rddreg [dreg:$0x4];
	s5 =	simm.s32 $0x0  }
0x6: {  	s2 =	srdreg.scid;
	s6 =	stileid.u32;
	s28 =	simm.s32 $0x6500  }
0x7: {  	[smem:$0x7FF] =	sst s5;
	s2 =	sand.u32 $0x1, s2;
	s7 =	sadd.s32 $0x15200, s0  }
0x8: {  	s8 =	sadd.s32 $0x3C400, s0;
	s4 =	sshll.u32 s6, $0xB;
	s9 =	sadd.s32 $0xB400, s0  }
0x9: {  	s10 =	sadd.s32 $0x1600, s0;
	s11 =	sadd.s32 $0xBB800, s0;
	s25 =	sshll.u32 s6, $0x1  }
0xa: {  	_ =	strace $0x80000047;
	s3 =	smul.u32 $0x138800, s2;
	s12 =	ssub.s32 $0x2, s2  }
0xb: {  	s14 =	smul.u32 $0x28000, s2;
	s15 =	sor.u32 $0x8000, s4;
	s13 =	sshrl.u32 s12, $0x1  }
0xc: {  	s18 =	sor.u32 $0x20000, s4;
	s3 =	sadd.s32 s4, s3;
	s13 =	ssub.s32 s12, s13  }
0xd: {  	s16 =	sor.u32 s14, s4;
	s17 =	sadd.s32 s14, s15;
	s12 =	sor.u32 s2, s25  }
0xe: {  	s3 =	sshrl.u32 s3, $0x3;
	s26 =	sshrl.u32 s16, $0x3;
	s23 =	sshll.u32 s12, $0x2  }
0xf: {  	s3 =	sadd.s32 s3, s0;
	s0 =	sadd.s32 $0x63600, s0;
	s24 =	sadd.s32 s9, s23  }
0x10: {  	s29 =	sshrl.u32 s17, $0x3;
	s2 =	sadd.s32 s0, s26;
	[dreg:$0xb] =	wrdreg s24  }
0x11: {  	s25 =	sshll.u32 s12, $0x9;
	s30 =	sadd.s32 s0, s29;
	[dreg:$0x6] =	wrdreg s2  }
0x12: {  	s17 =	sor.u32 $0x18000, s4;
	s29 =	sadd.s32 s20, s25;
	[dreg:$0x7] =	wrdreg s30  }
0x13: {  	s19 =	sadd.s32 s14, s17;
	s3 =	sadd.s32 $0x6D600, s3;
	[dreg:$0xd] =	wrdreg s29  }
0x14: {  	s26 =	sor.u32 $0x80, s23;
	s25 =	sadd.s32 $0x8000, s20;
	[dreg:$0x14] =	wrdreg s3  }
0x15: {  	s2 =	sor.u32 $0x10000, s4;
	s30 =	sadd.s32 s9, s26;
	[dreg:$0x19] =	wrdreg s25  }
0x16: {  	s31 =	sadd.s32 s14, s2;
	s14 =	sadd.s32 s14, s18;
	[dreg:$0xe] =	wrdreg s30  }
0x17: {  	s18 =	sadd.s32 s18, s22;
	s16 =	sshrl.u32 s31, $0x3;
	s31 =	sadd.s32 s10, s26  }
0x18: {  	p0 =	slt.u32 s6, $0x8;
	s24 =	sshrl.u32 s18, $0x3;
	[dreg:$0xf] =	wrdreg s31  }
0x19: {  	s19 =	sshrl.u32 s19, $0x3;
	s16 =	sadd.s32 s0, s16;
	[dreg:$0x18] =	wrdreg s24  }
0x1a: {  	s14 =	sshrl.u32 s14, $0x3;
	[dreg:$0x8] =	wrdreg s16;
	s16 =	sadd.s32 s0, s19  }
0x1b: {  	s17 =	sadd.s32 s17, s22;
	s0 =	sadd.s32 s0, s14;
	[dreg:$0x9] =	wrdreg s16  }
0x1c: {  	s20 =	simm.s32 $0x11;
	s14 =	smax.u32 s13, $0x1;
	[dreg:$0xa] =	wrdreg s0  }
0x1d: {  	s25 =	simm.s32 $0x8;
	s19 =	sadd.s32 s4, s22;
	[dreg:$0x10] =	wrdreg s14  }
0x1e: {  	s2 =	sadd.s32 s2, s22;
	s0 =	sadd.s32 s10, s23;
	[dreg:$0x12] =	wrdreg s19  }
0x1f: {  	s23 =	sadd.s32 s4, s21;
	s21 =	sshrl.u32 s2, $0x3;
	[dreg:$0xc] =	wrdreg s0  }
0x20: {  	s16 =	sadd.s32 s15, s22;
	s22 =	sshrl.u32 s17, $0x3;
	[dreg:$0x16] =	wrdreg s21  }
0x21: {  	s3 =	simm.s32 $0x0;
	s26 =	sadd.s32 $0x8000, s19;
	[dreg:$0x17] =	wrdreg s22  }
0x22: {  	s24 =	simm.s32 $0x9;
	s29 =	sadd.s32 $0x10000, s19;
	[dreg:$0x1a] =	wrdreg s26  }
0x23: {  	v0 =	vimm.f32 $0.0e+00;
	v1 =	vimm.s32 $0xF;
	vm0 =	vmmov $0x1;
	s15 =	simm.s32 $0xF;
	s30 =	sadd.s32 $0x18000, s19;
	[dreg:$0x1b] =	wrdreg s29  }
0x24: {  	vm1 =	vcmask $0x320;
	vm2 =	vcmask $0x720;
	vm3 =	vcmask $0xB20;
	s31 =	sadd.s32 $0x20000, s19;
	s14 =	simm.s32 $0x3;
	[dreg:$0x1c] =	wrdreg s30  }
0x25: {  	vm4 =	vcmask $0xF20;
	vm5 =	vcmask $0x1320;
	vm6 =	vcmask $0x1720;
	s17 =	simm.s32 $0x400;
	s15 =	simm.s32 @!p0 $0x10;
	[dreg:$0x1d] =	wrdreg s31  }
0x26: {  	vm7 =	vcmask $0x1B20;
	v2 =	vimm.s32 $0x0;
	v3 =	vimm.s32 $0x1;
	s0 =	sshrl.u32 s16, $0x3;
	s22 =	simm.s32 $0x20;
	[dreg:$0x13] =	wrdreg s23  }
0x27: {  	v4 =	vimm.s32 $0x2;
	v5 =	vimm.s32 $0x3;
	v6 =	vimm.s32 $0x4;
	s16 =	simm.s32 $0x7;
	s21 =	simm.s32 $0x480;
	[dreg:$0x11] =	wrdreg s15  }
0x28: {  	v7 =	vimm.s32 $0x5;
	v8 =	vimm.s32 $0x6;
	v9 =	vimm.s32 $0x7;
	[dreg:$0x15] =	wrdreg s0;
	s0 =	simm.s32 $0x1;
	s15 =	simm.s32 $0x5  }
.LBB2_1:
0x29: {  	[dreg:$0x1e] =	wrdreg s3;
	s2 =	simm.s32 $0x0;
	s3 =	simm.s32 $0x0  }
.LBB2_2:
0x2a: {  	p0 =	seq.s32 s3, $0x3FC0  }
.Ltmp0:
0x2b: {  	_ = 	snop;
	(pc) =	sbr.rel @!p0 .LBB2_2-.Ltmp0, $4  }
0x2c: {  	s4 =	sand.u32 $0x3E00, s3  }
0x2d: {  	s13 =	sand.u32 $0x70, s2;
	s4 =	sshrl.u32 s4, $0x2  }
0x2e: {  	s4 =	sor.u32 s13, s4  }
0x2f: {  	s2 =	sadd.s32 $0x10, s2;
	s3 =	sadd.s32 $0x40, s3;
	[tilespmem:s4+$0x8500] =	vst v0  }
0x30: {  	s2 =	sadd.s32 $0x0, s6  }
0x31: {  	p0 =	sgt.u32 s2, $0x270  }
0x32: {  	s2 =	simm.s32 @!p0 $0x8500;
	s13 =	simm.s32 @!p0 $0x11  }
0x33: {  	[spmem:s23] =	stream.linear.scatter @!p0 [tilespmem:s2], [sflag:$0x11], $0x800, $0x38;
	[tilespmem:$0x1F580] =	vst v63  }
0x34: {  	s26 =	simm.s32 $0x4500;
	s3 =	simm.s32 $0x10;
	_ =	swait.ge @!p0 [sflag:s13], $0x800  }
0x35: {  	s4 =	simm.s32 $0x20;
	s2 =	sadd.s32 $0x8000, s23;
	[sflag:s13] =	ssyncset.done @!p0 $0x0  }
.LBB2_4:
0x36: {  	s18 =	sadd.s32 s3, s6;
	s3 =	smov.u32 s4;
	s4 =	sadd.s32 $0x10, s4  }
0x37: {  	[sflag:s13] =	ssyncadd.s32 @!p0 $0xFFFFF800;
	p1 =	seq.s32 s4, $0x280  }
.Ltmp1:
0x38: {  	p0 =	sgt.u32 s18, $0x270;
	(pc) =	sbr.rel @!p1 .LBB2_4-.Ltmp1, $4  }
0x39: {  	s18 =	simm.s32 @!p0 $0x8500;
	s13 =	simm.s32 @!p0 $0x11  }
0x3a: {  	[spmem:s2] =	stream.linear.scatter @!p0 [tilespmem:s18], [sflag:$0x11], $0x800, $0x38;
	[tilespmem:$0x1F580] =	vst v63  }
0x3b: {  	_ =	swait.ge @!p0 [sflag:s13], $0x800  }
0x3c: {  	s2 =	sadd.s32 $0x8000, s2;
	[sflag:s13] =	ssyncset.done @!p0 $0x0  }
0x3d: {  	s3 =	sadd.s32 s3, s6  }
0x3e: {  	p1 =	sgt.u32 s3, $0x270  }
0x3f: {  	[sflag:s13] =	ssyncadd.s32 @!p0 $0xFFFFF800;
	s3 =	simm.s32 @!p1 $0x8500;
	s4 =	simm.s32 @!p1 $0x11  }
0x40: {  	[spmem:s2] =	stream.linear.scatter @!p1 [tilespmem:s3], [sflag:$0x11], $0x800, $0x38;
	[tilespmem:$0x1F580] =	vst v63  }
0x41: {  	_ =	swait.ge @!p1 [sflag:s4], $0x800  }
0x42: {  	[sflag:s4] =	ssyncset.done @!p1 $0x0  }
0x43: {  	s18 =	simm.s32 $0x8500;
	[sflag:s4] =	ssyncadd.s32 @!p1 $0xFFFFF800  }
0x44: {  	[spmem:s19] =	stream.linear.scatter [tilespmem:s18], [sflag:$0x11], $0x800, $0x38;
	[tilespmem:$0x1F580] =	vst v63  }
0x45: {  	_ =	swait.ge [sflag:s20], $0x800  }
0x46: {  	[sflag:s20] =	ssyncset.done $0x0  }
0x47: {  	s19 =	rddreg [dreg:$0x1a];
	[sflag:s20] =	ssyncadd.s32 $0xFFFFF800  }
0x48: {  	[spmem:s19] =	stream.linear.scatter [tilespmem:s18], [sflag:$0x11], $0x800, $0x38;
	[tilespmem:$0x1F580] =	vst v63  }
0x49: {  	_ =	swait.ge [sflag:s20], $0x800  }
0x4a: {  	[sflag:s20] =	ssyncset.done $0x0  }
0x4b: {  	s23 =	rddreg [dreg:$0x1b];
	[sflag:s20] =	ssyncadd.s32 $0xFFFFF800  }
0x4c: {  	[spmem:s23] =	stream.linear.scatter [tilespmem:s18], [sflag:$0x11], $0x800, $0x38;
	[tilespmem:$0x1F580] =	vst v63  }
0x4d: {  	_ =	swait.ge [sflag:s20], $0x800  }
0x4e: {  	[sflag:s20] =	ssyncset.done $0x0  }
0x4f: {  	s29 =	rddreg [dreg:$0x1c];
	[sflag:s20] =	ssyncadd.s32 $0xFFFFF800  }
0x50: {  	[spmem:s29] =	stream.linear.scatter [tilespmem:s18], [sflag:$0x11], $0x800, $0x38;
	[tilespmem:$0x1F580] =	vst v63  }
0x51: {  	_ =	swait.ge [sflag:s20], $0x800  }
0x52: {  	[sflag:s20] =	ssyncset.done $0x0  }
0x53: {  	s31 =	rddreg [dreg:$0x1d];
	[sflag:s20] =	ssyncadd.s32 $0xFFFFF800  }
0x54: {  	[spmem:s31] =	stream.linear.scatter [tilespmem:s18], [sflag:$0x11], $0x800, $0x38;
	[tilespmem:$0x1F580] =	vst v63  }
0x55: {  	_ =	swait.ge [sflag:s20], $0x800  }
0x56: {  	[sflag:s20] =	ssyncset.done $0x0  }
0x57: {  	[sflag:s20] =	ssyncadd.s32 $0xFFFFF800  }
0x58: {  	[bflag:$0x0] =	sbarrier.arrive $0xFFFF  }
0x59: {  	s30 =	simm.s32 $0x0;
	s4 =	rddreg [dreg:$0xb]  }
0x5a: {  	[tilespmem:s30], [sflag:$0x11] =	stream.linear.gather [hbm4b:s4+s30], $0x20, $0x38;
	[tilespmem:$0x1F580] =	vst v63  }
0x5b: {  	_ =	swait.ge [sflag:s20], $0x20  }
0x5c: {  	[sflag:s20] =	ssyncset.done $0x0  }
0x5d: {  	s18 =	simm.s32 $0x100;
	s13 =	rddreg [dreg:$0xc];
	[sflag:s20] =	ssyncadd.s32 $0xFFFFFFE0  }
0x5e: {  	[tilespmem:s18], [sflag:$0x11] =	stream.linear.gather [hbm4b:s13+s30], $0x20, $0x38;
	[tilespmem:$0x1F580] =	vst v63  }
0x5f: {  	_ =	swait.ge [sflag:s20], $0x20  }
0x60: {  	[sflag:s20] =	ssyncset.done $0x0  }
0x61: {  	[sflag:s20] =	ssyncadd.s32 $0xFFFFFFE0  }
0x62: {  	v10 =	vld [tilespmem:$0x100]  }
0x63: {  	v11 =	vld [tilespmem:$0x110];
	_ =	sdelay $0x3  }
0x64: {  	[tilespmem:$0x200] =	vst v10  }
0x65: {  	v12 =	vshrl.u32 v10, $0x3;
	v10 =	vshll.u32 v10, $0x4;
	[tilespmem:$0x210] =	vst v11  }
0x66: {  	[tilespmem:$0x300] =	vst v12;
	v10 =	vand.u32 $0x70, v10  }
0x67: {  	[tilespmem:$0x400] =	vst v10;
	v10 =	vshrl.u32 v11, $0x3;
	v11 =	vshll.u32 v11, $0x4  }
0x68: {  	[tilespmem:$0x310] =	vst v10;
	v10 =	vand.u32 $0x70, v11  }
0x69: {  	s19 =	simm.s32 $0x500;
	[tilespmem:$0x410] =	vst v10  }
0x6a: {  	[tilespmem:s19], [sflag:$0x1] =	stream.indirect.gather [hbm4b:s1+s22], $0x80, s30, s22, $0xb8;
	[tilespmem:$0x1F580] =	vst v63  }
0x6b: {  	s20 =	simm.s32 $0x2500  }
0x6c: {  	[tilespmem:s20], [sflag:$0x3] =	stream.indirect.gather [hbm4b:s7+s22], $0x80, s18, s22, $0xb8;
	[tilespmem:$0x1F580] =	vst v63  }
0x6d: {  	_ = 	snop  }
0x6e: {  	[tilespmem:s26], [sflag:$0x5] =	stream.indirect.gather [hbm4b:s8+s22], $0x80, s30, s22, $0xb8;
	[tilespmem:$0x1F580] =	vst v63  }
0x6f: {  	s23 =	rddreg [dreg:$0xd]  }
0x70: {  	[tilespmem:s28], [sflag:$0x7] =	stream.linear.gather [hbm4b:s23+s30], $0x1000, $0x38;
	[tilespmem:$0x1F580] =	vst v63  }
.Ltmp2:
0x71: {  	_ = 	snop;
	(pc) =	sbr.rel .LBB2_6-.Ltmp2, $4  }
0x72: {  	s26 =	rddreg [dreg:$0xe];
	s28 =	simm.s32 $0x80  }
0x73: {  	[tilespmem:s28], [sflag:$0xA] =	stream.linear.gather [hbm4b:s26+s30], $0x20, $0x38;
	[tilespmem:$0x1F580] =	vst v63  }
0x74: {  	s31 =	simm.s32 $0x180;
	s29 =	rddreg [dreg:$0xf]  }
0x75: {  	[tilespmem:s31], [sflag:$0xA] =	stream.linear.gather [hbm4b:s29+s30], $0x20, $0x38;
	[tilespmem:$0x1F580] =	vst v63  }
.LBB2_16:
0x76: {  	s30 =	sadd.s32 $0x1, s30  }
0x77: {  	p0 =	sne.s32 s30, $0x9D  }
.Ltmp3:
0x78: {  	_ = 	snop;
	(pc) =	sbr.rel @!p0 .LBB2_17-.Ltmp3, $1  }
0x79: {  	_ =	sdelay $0x3  }
.LBB2_6:
0x7a: {  	s2 =	sshll.u32 s30, $0x6  }
0x7b: {  	s31 =	sor.u32 s12, s2  }
0x7c: {  	s3 =	sor.u32 $0x20, s31  }
0x7d: {  	p0 =	sgt.u32 s3, $0x270F  }
0x7e: {  	s2 =	simm.s32 @!p0 $0xA  }
0x7f: {  	_ =	swait.ge @!p0 [sflag:s2], $0x20  }
0x80: {  	[sflag:s2] =	ssyncset.done @!p0 $0x0  }
0x81: {  	[sflag:s2] =	ssyncadd.s32 @!p0 $0xFFFFFFE0  }
0x82: {  	p1 =	seq.s32 @!p0 s30, $0x0;
	_ =	swait.ge @!p0 [sflag:s2], $0x20  }
0x83: {  	p1 =	por p1, p0;
	[sflag:s2] =	ssyncset.done @!p0 $0x0  }
0x84: {  	[sflag:s2] =	ssyncadd.s32 @!p0 $0xFFFFFFE0;
	s2 =	simm.s32 @!p1 $0xC  }
0x85: {  	_ =	swait.ge @!p1 [sflag:s2], $0x1000  }
0x86: {  	[sflag:s2] =	ssyncset.done @!p1 $0x0  }
0x87: {  	[sflag:s2] =	ssyncadd.s32 @!p1 $0xFFFFF000;
	s2 =	simm.s32 @!p1 $0xE  }
0x88: {  	_ =	swait.ge @!p1 [sflag:s2], $0x1000  }
0x89: {  	[sflag:s2] =	ssyncset.done @!p1 $0x0  }
0x8a: {  	[sflag:s2] =	ssyncadd.s32 @!p1 $0xFFFFF000;
	s2 =	simm.s32 @!p1 $0x10  }
0x8b: {  	_ =	swait.ge @!p1 [sflag:s2], $0x1000  }
0x8c: {  	[sflag:s2] =	ssyncset.done @!p1 $0x0  }
0x8d: {  	[sflag:s2] =	ssyncadd.s32 @!p1 $0xFFFFF000  }
0x8e: {  	v10 =	vld @!p0 [tilespmem:$0x180]  }
0x8f: {  	v11 =	vld @!p0 [tilespmem:$0x190];
	_ =	sdelay $0x3  }
0x90: {  	[tilespmem:$0x280] =	vst @!p0 v10  }
0x91: {  	v12 =	vshrl.u32 @!p0 v10, $0x3;
	v10 =	vshll.u32 @!p0 v10, $0x4;
	[tilespmem:$0x290] =	vst @!p0 v11  }
0x92: {  	[tilespmem:$0x380] =	vst @!p0 v12;
	v10 =	vand.u32 @!p0 $0x70, v10  }
0x93: {  	[tilespmem:$0x480] =	vst @!p0 v10;
	v10 =	vshrl.u32 @!p0 v11, $0x3;
	v11 =	vshll.u32 @!p0 v11, $0x4  }
0x94: {  	[tilespmem:$0x390] =	vst @!p0 v10;
	v10 =	vand.u32 @!p0 $0x70, v11  }
0x95: {  	s4 =	simm.s32 @!p0 $0x80;
	s13 =	simm.s32 @!p0 $0x1500;
	s2 =	simm.s32 @!p0 $0x20;
	[tilespmem:$0x490] =	vst @!p0 v10  }
0x96: {  	[tilespmem:s13], [sflag:$0x2] =	stream.indirect.gather @!p0 [hbm4b:s1+s2], $0x80, s4, s2, $0xb8;
	[tilespmem:$0x1F580] =	vst v63  }
0x97: {  	s18 =	simm.s32 @!p0 $0x3500;
	p1 =	sgt.u32 s31, $0x270F;
	s13 =	simm.s32 @!p0 $0x180  }
0x98: {  	[tilespmem:s18], [sflag:$0x4] =	stream.indirect.gather @!p0 [hbm4b:s7+s2], $0x80, s13, s2, $0xb8;
	[tilespmem:$0x1F580] =	vst v63  }
.Ltmp4:
0x99: {  	s13 =	simm.s32 @!p0 $0x5500;
	(pc) =	sbr.rel @p1 .LBB2_16-.Ltmp4, $4  }
0x9a: {  	[tilespmem:s13], [sflag:$0x6] =	stream.indirect.gather @!p0 [hbm4b:s8+s2], $0x80, s4, s2, $0xb8;
	[tilespmem:$0x1F580] =	vst v63  }
0x9b: {  	s2 =	sshll.u32 @!p0 s3, $0x9;
	s4 =	rddreg [dreg:$0x2]  }
0x9c: {  	s13 =	simm.s32 @!p0 $0x7500;
	s2 =	sadd.s32 @!p0 s4, s2;
	s4 =	simm.s32 @!p0 $0x0  }
0x9d: {  	[tilespmem:s13], [sflag:$0x8] =	stream.linear.gather @!p0 [hbm4b:s2+s4], $0x1000, $0x38;
	[tilespmem:$0x1F580] =	vst v63  }
0x9e: {  	p1 =	seq.s32 s30, $0x0  }
0x9f: {  	p2 =	slt.u32 @!p1 s3, $0x2710  }
0xa0: {  	p1 =	por p2, p1  }
0xa1: {  	s2 =	simm.s32 @!p1 $0x10  }
0xa2: {  	_ =	swait.ge @!p1 [sflag:s2], $0x1000  }
0xa3: {  	[sflag:s2] =	ssyncset.done @!p1 $0x0  }
0xa4: {  	[sflag:s2] =	ssyncadd.s32 @!p1 $0xFFFFF000  }
0xa5: {  	_ =	swait.ge [sflag:s0], $0x1000  }
0xa6: {  	[sflag:s0] =	ssyncset.done $0x0  }
0xa7: {  	[sflag:s0] =	ssyncadd.s32 $0xFFFFF000  }
0xa8: {  	_ =	swait.ge [sflag:s14], $0x1000  }
0xa9: {  	[sflag:s14] =	ssyncset.done $0x0  }
0xaa: {  	[sflag:s14] =	ssyncadd.s32 $0xFFFFF000  }
0xab: {  	_ =	swait.ge [sflag:s15], $0x1000  }
0xac: {  	[sflag:s15] =	ssyncset.done $0x0  }
0xad: {  	[sflag:s15] =	ssyncadd.s32 $0xFFFFF000  }
0xae: {  	_ =	swait.ge [sflag:s16], $0x1000  }
0xaf: {  	[sflag:s16] =	ssyncset.done $0x0  }
0xb0: {  	s4 =	simm.s32 $0x540;
	[sflag:s16] =	ssyncadd.s32 $0xFFFFF000  }
0xb1: {  	s26 =	simm.s32 $0x2540;
	v10 =	vld [tilespmem:s4+$0xFFFFFFC0]  }
0xb2: {  	v11 =	vld [tilespmem:s26+$0xFFFFFFC0];
	_ =	sdelay $0x2  }
0xb3: {  	s23 =	simm.s32 $0x6540  }
0xb4: {  	v12 =	vld [tilespmem:s23+$0xFFFFFFC0]  }
0xb5: {  	v10 =	vmul.f32 v11, v10;
	_ =	sdelay $0x1  }
0xb6: {  	v10 =	vmul.f32 $2.500000000e-01, v10;
	_ =	sdelay $0x1  }
0xb7: {  	v10 =	vmul.f32 v10, v12;
	_ =	sdelay $0x1  }
0xb8: {  	[tilespmem:s23+$0xFFFFFFC0] =	vst v10  }
0xb9: {  	v11 =	vld [tilespmem:s26+$0xFFFFFFD0]  }
0xba: {  	v12 =	vld [tilespmem:s4+$0xFFFFFFD0];
	_ =	sdelay $0x3  }
0xbb: {  	v13 =	vld [tilespmem:s23+$0xFFFFFFD0]  }
0xbc: {  	v11 =	vmul.f32 v11, v12;
	_ =	sdelay $0x1  }
0xbd: {  	v11 =	vmul.f32 $2.500000000e-01, v11;
	_ =	sdelay $0x1  }
0xbe: {  	v11 =	vmul.f32 v11, v13;
	_ =	sdelay $0x1  }
0xbf: {  	[tilespmem:s23+$0xFFFFFFD0] =	vst v11  }
0xc0: {  	v12 =	vld [tilespmem:s4+$0xFFFFFFE0]  }
0xc1: {  	v13 =	vld [tilespmem:s26+$0xFFFFFFE0];
	_ =	sdelay $0x3  }
0xc2: {  	v14 =	vld [tilespmem:s23+$0xFFFFFFE0]  }
0xc3: {  	v12 =	vmul.f32 v13, v12;
	_ =	sdelay $0x1  }
0xc4: {  	v12 =	vmul.f32 $2.500000000e-01, v12;
	_ =	sdelay $0x1  }
0xc5: {  	v12 =	vmul.f32 v12, v14;
	_ =	sdelay $0x1  }
0xc6: {  	[tilespmem:s23+$0xFFFFFFE0] =	vst v12  }
0xc7: {  	v13 =	vld [tilespmem:s4+$0xFFFFFFF0]  }
0xc8: {  	v14 =	vld [tilespmem:s26+$0xFFFFFFF0];
	_ =	sdelay $0x3  }
0xc9: {  	v15 =	vld [tilespmem:s23+$0xFFFFFFF0]  }
0xca: {  	v13 =	vmul.f32 v14, v13;
	_ =	sdelay $0x1  }
0xcb: {  	v13 =	vmul.f32 $2.500000000e-01, v13;
	_ =	sdelay $0x1  }
0xcc: {  	v13 =	vmul.f32 v13, v15;
	_ =	sdelay $0x1  }
0xcd: {  	[tilespmem:s23+$0xFFFFFFF0] =	vst v13  }
0xce: {  	v14 =	vld [tilespmem:s4+$0x0]  }
0xcf: {  	v15 =	vld [tilespmem:s26+$0x0];
	_ =	sdelay $0x3  }
0xd0: {  	v16 =	vld [tilespmem:s23+$0x0]  }
0xd1: {  	v14 =	vmul.f32 v15, v14;
	_ =	sdelay $0x1  }
0xd2: {  	v14 =	vmul.f32 $2.500000000e-01, v14;
	_ =	sdelay $0x1  }
0xd3: {  	v14 =	vmul.f32 v14, v16;
	_ =	sdelay $0x1  }
0xd4: {  	[tilespmem:s23+$0x0] =	vst v14  }
0xd5: {  	v15 =	vld [tilespmem:s4+$0x10]  }
0xd6: {  	v16 =	vld [tilespmem:s26+$0x10];
	_ =	sdelay $0x3  }
0xd7: {  	v17 =	vld [tilespmem:s23+$0x10]  }
0xd8: {  	v15 =	vmul.f32 v16, v15;
	_ =	sdelay $0x1  }
0xd9: {  	v15 =	vmul.f32 $2.500000000e-01, v15;
	_ =	sdelay $0x1  }
0xda: {  	v15 =	vmul.f32 v15, v17;
	_ =	sdelay $0x1  }
0xdb: {  	[tilespmem:s23+$0x10] =	vst v15  }
0xdc: {  	v16 =	vld [tilespmem:s4+$0x20]  }
0xdd: {  	v17 =	vld [tilespmem:s26+$0x20];
	_ =	sdelay $0x3  }
0xde: {  	v18 =	vld [tilespmem:s23+$0x20]  }
0xdf: {  	v16 =	vmul.f32 v17, v16;
	_ =	sdelay $0x1  }
0xe0: {  	v16 =	vmul.f32 $2.500000000e-01, v16;
	_ =	sdelay $0x1  }
0xe1: {  	v16 =	vmul.f32 v16, v18;
	_ =	sdelay $0x1  }
0xe2: {  	[tilespmem:s23+$0x20] =	vst v16  }
0xe3: {  	v17 =	vld [tilespmem:s4+$0x30]  }
0xe4: {  	v18 =	vld [tilespmem:s26+$0x30];
	_ =	sdelay $0x2  }
0xe5: {  	(xrf2) =	vadd.scan.msk.f32 $0xffff, v10  }
0xe6: {  	v10 =	vld [tilespmem:s23+$0x30];
	(xrf2) =	vadd.scan.msk.f32 $0xffff, v11  }
0xe7: {  	(xrf2) =	vadd.scan.msk.f32 $0xffff, v12;
	v11 =	vmul.f32 v18, v17  }
0xe8: {  	(xrf2) =	vadd.scan.msk.f32 $0xffff, v13  }
0xe9: {  	v11 =	vmul.f32 $2.500000000e-01, v11  }
0xea: {  	(xrf2) =	vadd.scan.msk.f32 $0xffff, v14  }
0xeb: {  	(xrf2) =	vadd.scan.msk.f32 $0xffff, v15;
	v10 =	vmul.f32 v11, v10  }
0xec: {  	(xrf2) =	vadd.scan.msk.f32 $0xffff, v16  }
0xed: {  	(xrf2) =	vadd.scan.msk.f32 $0xffff, v10;
	_ =	sdelay $0x1  }
0xee: {  	v11, _, _ =	vpop (xrf2)  }
0xef: {  	v12, _, _ =	vpop (xrf2)  }
0xf0: {  	v11 =	vperm.xlane v11, v1;
	v13, _, _ =	vpop (xrf2);
	v12 =	vperm.xlane v12, v1  }
0xf1: {  	v14, _, _ =	vpop (xrf2);
	v13 =	vperm.xlane v13, v1  }
0xf2: {  	v11 =	vnsel vm0, $0x0, v11;
	v14 =	vperm.xlane v14, v1  }
0xf3: {  	v15, _, _ =	vpop (xrf2);
	v11 =	vsel vm1, v11, v12  }
0xf4: {  	v15 =	vperm.xlane v15, v1;
	v11 =	vsel vm2, v11, v13;
	v12, _, _ =	vpop (xrf2)  }
0xf5: {  	v11 =	vsel vm3, v11, v14;
	v13, _, _ =	vpop (xrf2);
	v12 =	vperm.xlane v12, v1  }
0xf6: {  	v11 =	vsel vm4, v11, v15;
	v13 =	vperm.xlane v13, v1;
	v14, _, _ =	vpop (xrf2)  }
0xf7: {  	v11 =	vsel vm5, v11, v12;
	v12 =	vperm.xlane v14, v1  }
0xf8: {  	v11 =	vsel vm6, v11, v13  }
0xf9: {  	v11 =	vsel vm7, v11, v12  }
0xfa: {  	v11 =	vmax.f32 v11, $-5.000000000e+00  }
0xfb: {  	v11 =	vmin.f32 v11, $5.000000000e+00  }
0xfc: {  	v11 =	vmul.f32 $1.442695020e+00, v11;
	_ =	sdelay $0x1  }
0xfd: {  	(erf) = vpow2.f32 v11;
	_ =	sdelay $0x4  }
0xfe: {  	s19 =	simm.s32 $0x4540;
	[tilespmem:s23+$0x30] =	vst v10  }
0xff: {  	v23 =	vld [tilespmem:s19+$0xFFFFFFF0]  }
0x100: {  	v17 =	vld [tilespmem:s19+$0x20]  }
0x101: {  	v19 =	vld [tilespmem:s19+$0x0]  }
0x102: {  	v16 =	vld [tilespmem:s19+$0xFFFFFFD0];
	v10 =	vpop (erf)  }
0x103: {  	v15 =	vld [tilespmem:s19+$0x10];
	v11 =	vperm.xlane v10, v2;
	v14 =	vperm.xlane v10, v9  }
0x104: {  	v12 =	vld [tilespmem:s19+$0x30];
	v13 =	vperm.xlane v10, v4;
	v22 =	vperm.xlane v10, v8  }
0x105: {  	v18 =	vld [tilespmem:s19+$0xFFFFFFE0];
	v20 =	vperm.xlane v10, v6;
	v25 =	vperm.xlane v10, v5  }
0x106: {  	s18 =	simm.s32 $0x0;
	s20 =	simm.s32 $0x1;
	v21 =	vperm.xlane v10, v7;
	v24 =	vmul.f32 v17, v22;
	v17 =	vld [tilespmem:s19+$0xFFFFFFC0]  }
0x107: {  	s29 =	simm.s32 $0x45C0;
	s13 =	simm.s32 $0x85C0;
	s2 =	simm.s32 $0x8540;
	v22 =	vperm.xlane v10, v3;
	v23 =	vmul.f32 v23, v25  }
.LBB2_8:
0x108: {  	v19 =	vmul.f32 v19, v20;
	v15 =	vmul.f32 v15, v21;
	[tilespmem:s19+$0x20] =	vst v24;
	s4 =	sadd.s32 $0x80, s4;
	s26 =	sadd.s32 $0x80, s26;
	s23 =	sadd.s32 $0x80, s23  }
0x109: {  	p1 =	sne.s32 s20, $0x1F;
	v12 =	vmul.f32 v12, v14;
	s28 =	smov.u32 s20;
	s20 =	sadd.s32 $0x1, s20;
	v16 =	vmul.f32 v16, v22;
	[tilespmem:s19+$0xFFFFFFF0] =	vst v23  }
0x10a: {  	v13 =	vmul.f32 v18, v13;
	[tilespmem:s19+$0x0] =	vst v19  }
0x10b: {  	v11 =	vmul.f32 v17, v11;
	[tilespmem:s19+$0x30] =	vst v12;
	v12 =	vmov s18;
	s18 =	smov.u32 s28  }
0x10c: {  	[tilespmem:s19+$0xFFFFFFE0] =	vst v13  }
0x10d: {  	[tilespmem:s19+$0xFFFFFFD0] =	vst v16  }
0x10e: {  	[tilespmem:s19+$0x10] =	vst v15  }
0x10f: {  	[tilespmem:s19+$0xFFFFFFC0] =	vst v11;
	s19 =	smov.u32 s29  }
0x110: {  	v11 =	vld.idx.msk [tilespmem:v12+s17+$0x0], $0xffff;
	_ =	sdelay $0x5  }
0x111: {  	vm8 =	veq.s32 v11, $0x0;
	vm9 =	veq.s32 v11, $0x10;
	vm10 =	veq.s32 v11, $0x20  }
0x112: {  	vm11 =	veq.s32 v11, $0x30;
	vm12 =	veq.s32 v11, $0x40;
	vm13 =	veq.s32 v11, $0x50  }
0x113: {  	v12 =	vnsel vm11, $0x0, v10;
	v13 =	vnsel vm12, $0x0, v10;
	vm11 =	veq.s32 v11, $0x60  }
0x114: {  	v14 =	vnsel vm11, $0x0, v10;
	vm11 =	veq.s32 v11, $0x70;
	[tilespmem:s2+$0x0] =	vst v13;
	v13 =	vnsel vm13, $0x0, v10  }
0x115: {  	v15 =	vnsel vm9, $0x0, v10;
	v11 =	vnsel vm8, $0x0, v10;
	[tilespmem:s2+$0x10] =	vst v13;
	v13 =	vnsel vm11, $0x0, v10  }
0x116: {  	v10 =	vnsel vm10, $0x0, v10;
	[tilespmem:s2+$0xFFFFFFC0] =	vst v11  }
0x117: {  	[tilespmem:s2+$0x30] =	vst v13  }
0x118: {  	[tilespmem:s2+$0xFFFFFFD0] =	vst v15  }
0x119: {  	[tilespmem:s2+$0xFFFFFFE0] =	vst v10  }
0x11a: {  	[tilespmem:s2+$0xFFFFFFF0] =	vst v12  }
0x11b: {  	[tilespmem:s2+$0x20] =	vst v14;
	s2 =	smov.u32 s13  }
0x11c: {  	v10 =	vld [tilespmem:s4+$0xFFFFFFC0]  }
0x11d: {  	v11 =	vld [tilespmem:s26+$0xFFFFFFC0];
	_ =	sdelay $0x3  }
0x11e: {  	v12 =	vld [tilespmem:s23+$0xFFFFFFC0]  }
0x11f: {  	v10 =	vmul.f32 v11, v10;
	_ =	sdelay $0x1  }
0x120: {  	v10 =	vmul.f32 $2.500000000e-01, v10;
	_ =	sdelay $0x1  }
0x121: {  	v10 =	vmul.f32 v10, v12;
	_ =	sdelay $0x1  }
0x122: {  	[tilespmem:s23+$0xFFFFFFC0] =	vst v10;
	(xrf2) =	vadd.scan.msk.f32 $0xffff, v10  }
0x123: {  	v10 =	vld [tilespmem:s26+$0xFFFFFFD0]  }
0x124: {  	v11 =	vld [tilespmem:s4+$0xFFFFFFD0];
	_ =	sdelay $0x3  }
0x125: {  	v12 =	vld [tilespmem:s23+$0xFFFFFFD0]  }
0x126: {  	v13 =	vmul.f32 v10, v11;
	_ =	sdelay $0x1  }
0x127: {  	v11 =	vmul.f32 $2.500000000e-01, v13  }
0x128: {  	v10, _, _ =	vpop (xrf2)  }
0x129: {  	v10 =	vperm.xlane v10, v1;
	v11 =	vmul.f32 v11, v12;
	_ =	sdelay $0x1  }
0x12a: {  	[tilespmem:s23+$0xFFFFFFD0] =	vst v11;
	(xrf2) =	vadd.scan.msk.f32 $0xffff, v11  }
0x12b: {  	v11 =	vld [tilespmem:s4+$0xFFFFFFE0]  }
0x12c: {  	v12 =	vld [tilespmem:s26+$0xFFFFFFE0];
	_ =	sdelay $0x3  }
0x12d: {  	v13 =	vld [tilespmem:s23+$0xFFFFFFE0]  }
0x12e: {  	v11 =	vmul.f32 v12, v11;
	_ =	sdelay $0x1  }
0x12f: {  	v11 =	vmul.f32 $2.500000000e-01, v11  }
0x130: {  	v12, _, _ =	vpop (xrf2)  }
0x131: {  	v12 =	vperm.xlane v12, v1;
	v11 =	vmul.f32 v11, v13;
	_ =	sdelay $0x1  }
0x132: {  	[tilespmem:s23+$0xFFFFFFE0] =	vst v11;
	(xrf2) =	vadd.scan.msk.f32 $0xffff, v11  }
0x133: {  	v11 =	vld [tilespmem:s4+$0xFFFFFFF0]  }
0x134: {  	v13 =	vld [tilespmem:s26+$0xFFFFFFF0];
	_ =	sdelay $0x3  }
0x135: {  	v14 =	vld [tilespmem:s23+$0xFFFFFFF0]  }
0x136: {  	v11 =	vmul.f32 v13, v11;
	_ =	sdelay $0x1  }
0x137: {  	v11 =	vmul.f32 $2.500000000e-01, v11  }
0x138: {  	v13, _, _ =	vpop (xrf2)  }
0x139: {  	v13 =	vperm.xlane v13, v1;
	v11 =	vmul.f32 v11, v14;
	_ =	sdelay $0x1  }
0x13a: {  	[tilespmem:s23+$0xFFFFFFF0] =	vst v11;
	(xrf2) =	vadd.scan.msk.f32 $0xffff, v11  }
0x13b: {  	v11 =	vld [tilespmem:s4+$0x0]  }
0x13c: {  	v14 =	vld [tilespmem:s26+$0x0];
	_ =	sdelay $0x3  }
0x13d: {  	v15 =	vld [tilespmem:s23+$0x0]  }
0x13e: {  	v11 =	vmul.f32 v14, v11;
	_ =	sdelay $0x1  }
0x13f: {  	v11 =	vmul.f32 $2.500000000e-01, v11  }
0x140: {  	v14, _, _ =	vpop (xrf2)  }
0x141: {  	v14 =	vperm.xlane v14, v1;
	v11 =	vmul.f32 v11, v15;
	_ =	sdelay $0x1  }
0x142: {  	[tilespmem:s23+$0x0] =	vst v11;
	(xrf2) =	vadd.scan.msk.f32 $0xffff, v11  }
0x143: {  	v11 =	vld [tilespmem:s4+$0x10]  }
0x144: {  	v15 =	vld [tilespmem:s26+$0x10];
	_ =	sdelay $0x3  }
0x145: {  	v16 =	vld [tilespmem:s23+$0x10]  }
0x146: {  	v11 =	vmul.f32 v15, v11;
	_ =	sdelay $0x1  }
0x147: {  	v11 =	vmul.f32 $2.500000000e-01, v11  }
0x148: {  	v15, _, _ =	vpop (xrf2)  }
0x149: {  	v15 =	vperm.xlane v15, v1;
	v11 =	vmul.f32 v11, v16;
	_ =	sdelay $0x1  }
0x14a: {  	[tilespmem:s23+$0x10] =	vst v11;
	(xrf2) =	vadd.scan.msk.f32 $0xffff, v11  }
0x14b: {  	v11 =	vld [tilespmem:s4+$0x20]  }
0x14c: {  	v16 =	vld [tilespmem:s26+$0x20];
	_ =	sdelay $0x3  }
0x14d: {  	v17 =	vld [tilespmem:s23+$0x20]  }
0x14e: {  	v11 =	vmul.f32 v16, v11;
	_ =	sdelay $0x1  }
0x14f: {  	v11 =	vmul.f32 $2.500000000e-01, v11  }
0x150: {  	v16, _, _ =	vpop (xrf2)  }
0x151: {  	v16 =	vperm.xlane v16, v1;
	v11 =	vmul.f32 v11, v17;
	_ =	sdelay $0x1  }
0x152: {  	[tilespmem:s23+$0x20] =	vst v11;
	(xrf2) =	vadd.scan.msk.f32 $0xffff, v11  }
0x153: {  	v11 =	vld [tilespmem:s4+$0x30]  }
0x154: {  	v17 =	vld [tilespmem:s26+$0x30];
	_ =	sdelay $0x3  }
0x155: {  	v18 =	vld [tilespmem:s23+$0x30]  }
0x156: {  	v11 =	vmul.f32 v17, v11;
	_ =	sdelay $0x1  }
0x157: {  	v11 =	vmul.f32 $2.500000000e-01, v11  }
0x158: {  	v17, _, _ =	vpop (xrf2)  }
0x159: {  	v17 =	vperm.xlane v17, v1;
	v11 =	vmul.f32 v11, v18  }
0x15a: {  	v10 =	vnsel vm0, $0x0, v10  }
0x15b: {  	v10 =	vsel vm1, v10, v12;
	(xrf2) =	vadd.scan.msk.f32 $0xffff, v11  }
0x15c: {  	v10 =	vsel vm2, v10, v13  }
0x15d: {  	v10 =	vsel vm3, v10, v14  }
0x15e: {  	v10 =	vsel vm4, v10, v15  }
0x15f: {  	v10 =	vsel vm5, v10, v16  }
0x160: {  	v10 =	vsel vm6, v10, v17;
	_ =	sdelay $0x4  }
0x161: {  	v12, _, _ =	vpop (xrf2)  }
0x162: {  	v12 =	vperm.xlane v12, v1;
	_ =	sdelay $0x1  }
0x163: {  	v10 =	vsel vm7, v10, v12  }
0x164: {  	v10 =	vmax.f32 v10, $-5.000000000e+00  }
0x165: {  	v10 =	vmin.f32 v10, $5.000000000e+00  }
0x166: {  	v10 =	vmul.f32 $1.442695020e+00, v10;
	_ =	sdelay $0x1  }
0x167: {  	(erf) = vpow2.f32 v10;
	_ =	sdelay $0x5  }
0x168: {  	[tilespmem:s23+$0x30] =	vst v11  }
0x169: {  	v23 =	vld [tilespmem:s29+$0xFFFFFFF0]  }
0x16a: {  	v12 =	vld [tilespmem:s29+$0x30]  }
0x16b: {  	v22 =	vld [tilespmem:s29+$0x20];
	v10 =	vpop (erf)  }
0x16c: {  	v11 =	vperm.xlane v10, v2;
	v15 =	vld [tilespmem:s29+$0x10];
	v14 =	vperm.xlane v10, v9  }
.Ltmp5:
0x16d: {  	v13 =	vperm.xlane v10, v4;
	v20 =	vperm.xlane v10, v6;
	v19 =	vld [tilespmem:s29+$0x0];
	(pc) =	sbr.rel @p1 .LBB2_8-.Ltmp5, $4  }
0x16e: {  	v24 =	vperm.xlane v10, v8;
	v16 =	vld [tilespmem:s29+$0xFFFFFFD0]  }
0x16f: {  	v25 =	vperm.xlane v10, v5;
	v18 =	vld [tilespmem:s29+$0xFFFFFFE0]  }
0x170: {  	v21 =	vperm.xlane v10, v7;
	v17 =	vld [tilespmem:s29+$0xFFFFFFC0];
	v24 =	vmul.f32 v22, v24  }
0x171: {  	s13 =	sadd.s32 $0x80, s13;
	v23 =	vmul.f32 v23, v25;
	v22 =	vperm.xlane v10, v3;
	s29 =	sadd.s32 $0x80, s29  }
0x172: {  	v19 =	vmul.f32 v19, v20;
	[tilespmem:s19+$0x20] =	vst v24  }
0x173: {  	v12 =	vmul.f32 v12, v14;
	[tilespmem:s19+$0xFFFFFFF0] =	vst v23  }
0x174: {  	v15 =	vmul.f32 v15, v21;
	[tilespmem:s19+$0x0] =	vst v19  }
0x175: {  	v56 =	vmov s18;
	v55 =	vmul.f32 v16, v22;
	[tilespmem:s19+$0x30] =	vst v12  }
0x176: {  	v13 =	vmul.f32 v18, v13;
	[tilespmem:s19+$0x10] =	vst v15  }
0x177: {  	v11 =	vmul.f32 v17, v11;
	[tilespmem:s19+$0xFFFFFFD0] =	vst v55  }
0x178: {  	[tilespmem:s19+$0xFFFFFFE0] =	vst v13  }
0x179: {  	[tilespmem:s19+$0xFFFFFFC0] =	vst v11  }
0x17a: {  	v11 =	vld.idx.msk [tilespmem:v56+s17+$0x0], $0xffff;
	_ =	sdelay $0x4  }
0x17b: {  	vm8 =	veq.s32 v11, $0x40  }
0x17c: {  	vm9 =	veq.s32 v11, $0x50;
	v57 =	vnsel vm8, $0x0, v10  }
0x17d: {  	vm14 =	veq.s32 v11, $0x70;
	v58 =	vnsel vm9, $0x0, v10;
	[tilespmem:s2+$0x0] =	vst v57  }
0x17e: {  	vm15 =	veq.s32 v11, $0x20;
	v60 =	vnsel vm14, $0x0, v10;
	[tilespmem:s2+$0x10] =	vst v58  }
0x17f: {  	vm8 =	veq.s32 v11, $0x0;
	v62 =	vnsel vm15, $0x0, v10;
	[tilespmem:s2+$0x30] =	vst v60  }
0x180: {  	v59 =	vnsel vm8, $0x0, v10;
	vm8 =	veq.s32 v11, $0x10;
	[tilespmem:s2+$0xFFFFFFE0] =	vst v62  }
0x181: {  	[tilespmem:s2+$0xFFFFFFC0] =	vst v59;
	v61 =	vnsel vm8, $0x0, v10;
	vm8 =	veq.s32 v11, $0x30  }
0x182: {  	[tilespmem:s2+$0xFFFFFFD0] =	vst v61;
	v63 =	vnsel vm8, $0x0, v10;
	vm8 =	veq.s32 v11, $0x60  }
0x183: {  	s4 =	sshll.u32 s31, $0x9;
	v10 =	vnsel vm8, $0x0, v10;
	[tilespmem:s2+$0xFFFFFFF0] =	vst v63  }
0x184: {  	p1 =	sgt.u32 s31, $0x26CF;
	s23 =	sadd.s32 s11, s4;
	s19 =	simm.s32 $0x6500;
	[tilespmem:s2+$0x20] =	vst v10  }
0x185: {  	[hbm4b:s23+s5] =	stream.linear.scatter [tilespmem:s19], [sflag:$0xB], $0x1000, $0x38;
	[tilespmem:$0x1F580] =	vst v63  }
.Ltmp6:
0x186: {  	_ = 	snop;
	(pc) =	sbr.rel @p1 .LBB2_11-.Ltmp6, $4  }
0x187: {  	s26 =	rddreg [dreg:$0x3];
	s18 =	simm.s32 $0x4500;
	s13 =	simm.s32 $0x200  }
0x188: {  	[spmem:s26] =	stream.indirect.scatter.add.f32 [tilespmem:s18], [sflag:$0xD], $0x80, s13, s22, $0xb8;
	[tilespmem:$0x1F580] =	vst v63  }
0x189: {  	s28 =	rddreg [dreg:$0x4];
	s29 =	simm.s32 $0x8500;
	s20 =	simm.s32 $0x300  }
0x18a: {  	[spmem:s28] =	stream.indirect.scatter.add.f32 [tilespmem:s29], [sflag:$0xF], $0x80, s20, s22, $0xb8;
	[tilespmem:$0x1F580] =	vst v63  }
0x18b: {  	s2 =	sshll.u32 s31, $0x2  }
0x18c: {  	s2 =	sadd.s32 $0x100, s2  }
0x18d: {  	s13 =	sadd.s32 s9, s2  }
0x18e: {  	[tilespmem:s5], [sflag:$0x9] =	stream.linear.gather [hbm4b:s13+s5], $0x20, $0x38;
	[tilespmem:$0x1F580] =	vst v63  }
0x18f: {  	s2 =	sadd.s32 s10, s2;
	s13 =	simm.s32 $0x100  }
0x190: {  	[tilespmem:s13], [sflag:$0x9] =	stream.linear.gather [hbm4b:s2+s5], $0x20, $0x38;
	[tilespmem:$0x1F580] =	vst v63  }
0x191: {  	_ =	swait.ge [sflag:s24], $0x20  }
0x192: {  	[sflag:s24] =	ssyncset.done $0x0  }
0x193: {  	[sflag:s24] =	ssyncadd.s32 $0xFFFFFFE0  }
0x194: {  	_ =	swait.ge [sflag:s24], $0x20  }
0x195: {  	[sflag:s24] =	ssyncset.done $0x0  }
0x196: {  	s29 =	simm.s32 $0xB;
	[sflag:s24] =	ssyncadd.s32 $0xFFFFFFE0  }
0x197: {  	_ =	swait.ge [sflag:s29], $0x1000  }
0x198: {  	[sflag:s29] =	ssyncset.done $0x0  }
0x199: {  	s20 =	simm.s32 $0xD;
	[sflag:s29] =	ssyncadd.s32 $0xFFFFF000  }
0x19a: {  	_ =	swait.ge [sflag:s20], $0x1000  }
0x19b: {  	[sflag:s20] =	ssyncset.done $0x0  }
0x19c: {  	s23 =	simm.s32 $0xF;
	[sflag:s20] =	ssyncadd.s32 $0xFFFFF000  }
0x19d: {  	_ =	swait.ge [sflag:s23], $0x1000  }
0x19e: {  	[sflag:s23] =	ssyncset.done $0x0  }
0x19f: {  	[sflag:s23] =	ssyncadd.s32 $0xFFFFF000  }
0x1a0: {  	v10 =	vld [tilespmem:$0x100]  }
0x1a1: {  	v11 =	vld [tilespmem:$0x110];
	_ =	sdelay $0x3  }
0x1a2: {  	[tilespmem:$0x200] =	vst v10  }
0x1a3: {  	v12 =	vshrl.u32 v10, $0x3;
	v10 =	vshll.u32 v10, $0x4;
	[tilespmem:$0x210] =	vst v11  }
0x1a4: {  	[tilespmem:$0x300] =	vst v12;
	v10 =	vand.u32 $0x70, v10  }
0x1a5: {  	[tilespmem:$0x400] =	vst v10;
	v10 =	vshrl.u32 v11, $0x3;
	v11 =	vshll.u32 v11, $0x4  }
0x1a6: {  	[tilespmem:$0x310] =	vst v10;
	v10 =	vand.u32 $0x70, v11  }
0x1a7: {  	s26 =	simm.s32 $0x500;
	[tilespmem:$0x410] =	vst v10  }
0x1a8: {  	[tilespmem:s26], [sflag:$0x1] =	stream.indirect.gather [hbm4b:s1+s22], $0x80, s5, s22, $0xb8;
	[tilespmem:$0x1F580] =	vst v63  }
0x1a9: {  	s28 =	simm.s32 $0x2500  }
0x1aa: {  	[tilespmem:s28], [sflag:$0x3] =	stream.indirect.gather [hbm4b:s7+s22], $0x80, s13, s22, $0xb8;
	[tilespmem:$0x1F580] =	vst v63  }
.Ltmp7:
0x1ab: {  	_ = 	snop;
	(pc) =	sbr.rel .LBB2_13-.Ltmp7, $4  }
0x1ac: {  	s29 =	rddreg [dreg:$0x19]  }
0x1ad: {  	[tilespmem:s18], [sflag:$0x5] =	stream.indirect.gather [hbm4b:s8+s22], $0x80, s5, s22, $0xb8;
	[tilespmem:$0x1F580] =	vst v63  }
0x1ae: {  	s2 =	sadd.s32 s4, s29  }
0x1af: {  	[tilespmem:s19], [sflag:$0x7] =	stream.linear.gather [hbm4b:s2+s5], $0x1000, $0x38;
	[tilespmem:$0x1F580] =	vst v63  }
.LBB2_11:
.Ltmp8:
0x1b0: {  	(pc) =	sbr.rel @p0 .LBB2_16-.Ltmp8, $1  }
0x1b1: {  	_ =	sdelay $0x3  }
0x1b2: {  	s2 =	simm.s32 $0xF  }
0x1b3: {  	_ =	swait.ge [sflag:s2], $0x1000  }
0x1b4: {  	[sflag:s2] =	ssyncset.done $0x0  }
0x1b5: {  	[sflag:s2] =	ssyncadd.s32 $0xFFFFF000  }
.LBB2_13:
0x1b6: {  	s2 =	simm.s32 $0x2  }
0x1b7: {  	_ =	swait.ge [sflag:s2], $0x1000  }
0x1b8: {  	[sflag:s2] =	ssyncset.done $0x0  }
0x1b9: {  	s26 =	simm.s32 $0x4;
	[sflag:s2] =	ssyncadd.s32 $0xFFFFF000  }
0x1ba: {  	_ =	swait.ge [sflag:s26], $0x1000  }
0x1bb: {  	[sflag:s26] =	ssyncset.done $0x0  }
0x1bc: {  	s28 =	simm.s32 $0x6;
	[sflag:s26] =	ssyncadd.s32 $0xFFFFF000  }
0x1bd: {  	_ =	swait.ge [sflag:s28], $0x1000  }
0x1be: {  	[sflag:s28] =	ssyncset.done $0x0  }
0x1bf: {  	[sflag:s28] =	ssyncadd.s32 $0xFFFFF000  }
0x1c0: {  	_ =	swait.ge [sflag:s25], $0x1000  }
0x1c1: {  	[sflag:s25] =	ssyncset.done $0x0  }
0x1c2: {  	s4 =	simm.s32 $0x1540;
	[sflag:s25] =	ssyncadd.s32 $0xFFFFF000  }
0x1c3: {  	s26 =	simm.s32 $0x3540;
	v10 =	vld [tilespmem:s4+$0xFFFFFFC0]  }
0x1c4: {  	v11 =	vld [tilespmem:s26+$0xFFFFFFC0];
	_ =	sdelay $0x2  }
0x1c5: {  	s23 =	simm.s32 $0x7540  }
0x1c6: {  	v12 =	vld [tilespmem:s23+$0xFFFFFFC0]  }
0x1c7: {  	v10 =	vmul.f32 v11, v10;
	_ =	sdelay $0x1  }
0x1c8: {  	v10 =	vmul.f32 $2.500000000e-01, v10;
	_ =	sdelay $0x1  }
0x1c9: {  	v10 =	vmul.f32 v10, v12;
	_ =	sdelay $0x1  }
0x1ca: {  	[tilespmem:s23+$0xFFFFFFC0] =	vst v10  }
0x1cb: {  	v11 =	vld [tilespmem:s26+$0xFFFFFFD0]  }
0x1cc: {  	v12 =	vld [tilespmem:s4+$0xFFFFFFD0];
	_ =	sdelay $0x3  }
0x1cd: {  	v13 =	vld [tilespmem:s23+$0xFFFFFFD0]  }
0x1ce: {  	v11 =	vmul.f32 v11, v12;
	_ =	sdelay $0x1  }
0x1cf: {  	v11 =	vmul.f32 $2.500000000e-01, v11;
	_ =	sdelay $0x1  }
0x1d0: {  	v11 =	vmul.f32 v11, v13;
	_ =	sdelay $0x1  }
0x1d1: {  	[tilespmem:s23+$0xFFFFFFD0] =	vst v11  }
0x1d2: {  	v12 =	vld [tilespmem:s4+$0xFFFFFFE0]  }
0x1d3: {  	v13 =	vld [tilespmem:s26+$0xFFFFFFE0];
	_ =	sdelay $0x3  }
0x1d4: {  	v14 =	vld [tilespmem:s23+$0xFFFFFFE0]  }
0x1d5: {  	v12 =	vmul.f32 v13, v12;
	_ =	sdelay $0x1  }
0x1d6: {  	v12 =	vmul.f32 $2.500000000e-01, v12;
	_ =	sdelay $0x1  }
0x1d7: {  	v12 =	vmul.f32 v12, v14;
	_ =	sdelay $0x1  }
0x1d8: {  	[tilespmem:s23+$0xFFFFFFE0] =	vst v12  }
0x1d9: {  	v13 =	vld [tilespmem:s4+$0xFFFFFFF0]  }
0x1da: {  	v14 =	vld [tilespmem:s26+$0xFFFFFFF0];
	_ =	sdelay $0x3  }
0x1db: {  	v15 =	vld [tilespmem:s23+$0xFFFFFFF0]  }
0x1dc: {  	v13 =	vmul.f32 v14, v13;
	_ =	sdelay $0x1  }
0x1dd: {  	v13 =	vmul.f32 $2.500000000e-01, v13;
	_ =	sdelay $0x1  }
0x1de: {  	v13 =	vmul.f32 v13, v15;
	_ =	sdelay $0x1  }
0x1df: {  	[tilespmem:s23+$0xFFFFFFF0] =	vst v13  }
0x1e0: {  	v14 =	vld [tilespmem:s4+$0x0]  }
0x1e1: {  	v15 =	vld [tilespmem:s26+$0x0];
	_ =	sdelay $0x3  }
0x1e2: {  	v16 =	vld [tilespmem:s23+$0x0]  }
0x1e3: {  	v14 =	vmul.f32 v15, v14;
	_ =	sdelay $0x1  }
0x1e4: {  	v14 =	vmul.f32 $2.500000000e-01, v14;
	_ =	sdelay $0x1  }
0x1e5: {  	v14 =	vmul.f32 v14, v16;
	_ =	sdelay $0x1  }
0x1e6: {  	[tilespmem:s23+$0x0] =	vst v14  }
0x1e7: {  	v15 =	vld [tilespmem:s4+$0x10]  }
0x1e8: {  	v16 =	vld [tilespmem:s26+$0x10];
	_ =	sdelay $0x3  }
0x1e9: {  	v17 =	vld [tilespmem:s23+$0x10]  }
0x1ea: {  	v15 =	vmul.f32 v16, v15;
	_ =	sdelay $0x1  }
0x1eb: {  	v15 =	vmul.f32 $2.500000000e-01, v15;
	_ =	sdelay $0x1  }
0x1ec: {  	v15 =	vmul.f32 v15, v17;
	_ =	sdelay $0x1  }
0x1ed: {  	[tilespmem:s23+$0x10] =	vst v15  }
0x1ee: {  	v16 =	vld [tilespmem:s4+$0x20]  }
0x1ef: {  	v17 =	vld [tilespmem:s26+$0x20];
	_ =	sdelay $0x3  }
0x1f0: {  	v18 =	vld [tilespmem:s23+$0x20]  }
0x1f1: {  	v16 =	vmul.f32 v17, v16;
	_ =	sdelay $0x1  }
0x1f2: {  	v16 =	vmul.f32 $2.500000000e-01, v16;
	_ =	sdelay $0x1  }
0x1f3: {  	v16 =	vmul.f32 v16, v18;
	_ =	sdelay $0x1  }
0x1f4: {  	[tilespmem:s23+$0x20] =	vst v16  }
0x1f5: {  	v17 =	vld [tilespmem:s4+$0x30]  }
0x1f6: {  	v18 =	vld [tilespmem:s26+$0x30];
	_ =	sdelay $0x2  }
0x1f7: {  	(xrf2) =	vadd.scan.msk.f32 $0xffff, v10  }
0x1f8: {  	v10 =	vld [tilespmem:s23+$0x30];
	(xrf2) =	vadd.scan.msk.f32 $0xffff, v11  }
0x1f9: {  	(xrf2) =	vadd.scan.msk.f32 $0xffff, v12;
	v11 =	vmul.f32 v18, v17  }
0x1fa: {  	(xrf2) =	vadd.scan.msk.f32 $0xffff, v13  }
0x1fb: {  	v11 =	vmul.f32 $2.500000000e-01, v11  }
0x1fc: {  	(xrf2) =	vadd.scan.msk.f32 $0xffff, v14  }
0x1fd: {  	(xrf2) =	vadd.scan.msk.f32 $0xffff, v15;
	v10 =	vmul.f32 v11, v10  }
0x1fe: {  	(xrf2) =	vadd.scan.msk.f32 $0xffff, v16  }
0x1ff: {  	(xrf2) =	vadd.scan.msk.f32 $0xffff, v10;
	_ =	sdelay $0x1  }
0x200: {  	v11, _, _ =	vpop (xrf2)  }
0x201: {  	v12, _, _ =	vpop (xrf2)  }
0x202: {  	v11 =	vperm.xlane v11, v1;
	v13, _, _ =	vpop (xrf2);
	v12 =	vperm.xlane v12, v1  }
0x203: {  	v14, _, _ =	vpop (xrf2);
	v13 =	vperm.xlane v13, v1  }
0x204: {  	v11 =	vnsel vm0, $0x0, v11;
	v14 =	vperm.xlane v14, v1  }
0x205: {  	v15, _, _ =	vpop (xrf2);
	v11 =	vsel vm1, v11, v12  }
0x206: {  	v15 =	vperm.xlane v15, v1;
	v11 =	vsel vm2, v11, v13;
	v12, _, _ =	vpop (xrf2)  }
0x207: {  	v11 =	vsel vm3, v11, v14;
	v13, _, _ =	vpop (xrf2);
	v12 =	vperm.xlane v12, v1  }
0x208: {  	v11 =	vsel vm4, v11, v15;
	v13 =	vperm.xlane v13, v1;
	v14, _, _ =	vpop (xrf2)  }
0x209: {  	v11 =	vsel vm5, v11, v12;
	v12 =	vperm.xlane v14, v1  }
0x20a: {  	v11 =	vsel vm6, v11, v13  }
0x20b: {  	v11 =	vsel vm7, v11, v12  }
0x20c: {  	v11 =	vmax.f32 v11, $-5.000000000e+00  }
0x20d: {  	v11 =	vmin.f32 v11, $5.000000000e+00  }
0x20e: {  	v11 =	vmul.f32 $1.442695020e+00, v11;
	_ =	sdelay $0x1  }
0x20f: {  	(erf) = vpow2.f32 v11;
	_ =	sdelay $0x4  }
0x210: {  	s19 =	simm.s32 $0x5540;
	[tilespmem:s23+$0x30] =	vst v10  }
0x211: {  	v23 =	vld [tilespmem:s19+$0xFFFFFFF0]  }
0x212: {  	v17 =	vld [tilespmem:s19+$0x20]  }
0x213: {  	v19 =	vld [tilespmem:s19+$0x0]  }
0x214: {  	v16 =	vld [tilespmem:s19+$0xFFFFFFD0];
	v10 =	vpop (erf)  }
0x215: {  	v15 =	vld [tilespmem:s19+$0x10];
	v11 =	vperm.xlane v10, v2;
	v14 =	vperm.xlane v10, v9  }
0x216: {  	v12 =	vld [tilespmem:s19+$0x30];
	v13 =	vperm.xlane v10, v4;
	v22 =	vperm.xlane v10, v8  }
0x217: {  	v18 =	vld [tilespmem:s19+$0xFFFFFFE0];
	v20 =	vperm.xlane v10, v6;
	v25 =	vperm.xlane v10, v5  }
0x218: {  	s18 =	simm.s32 $0x0;
	s20 =	simm.s32 $0x1;
	v21 =	vperm.xlane v10, v7;
	v24 =	vmul.f32 v17, v22;
	v17 =	vld [tilespmem:s19+$0xFFFFFFC0]  }
0x219: {  	s29 =	simm.s32 $0x55C0;
	s13 =	simm.s32 $0x85C0;
	s2 =	simm.s32 $0x8540;
	v22 =	vperm.xlane v10, v3;
	v23 =	vmul.f32 v23, v25  }
.LBB2_14:
0x21a: {  	v19 =	vmul.f32 v19, v20;
	v15 =	vmul.f32 v15, v21;
	[tilespmem:s19+$0x20] =	vst v24;
	s4 =	sadd.s32 $0x80, s4;
	s26 =	sadd.s32 $0x80, s26;
	s23 =	sadd.s32 $0x80, s23  }
0x21b: {  	p0 =	sne.s32 s20, $0x1F;
	v12 =	vmul.f32 v12, v14;
	s28 =	smov.u32 s20;
	s20 =	sadd.s32 $0x1, s20;
	v16 =	vmul.f32 v16, v22;
	[tilespmem:s19+$0xFFFFFFF0] =	vst v23  }
0x21c: {  	v13 =	vmul.f32 v18, v13;
	[tilespmem:s19+$0x0] =	vst v19  }
0x21d: {  	v11 =	vmul.f32 v17, v11;
	[tilespmem:s19+$0x30] =	vst v12;
	v12 =	vmov s18;
	s18 =	smov.u32 s28  }
0x21e: {  	[tilespmem:s19+$0xFFFFFFE0] =	vst v13  }
0x21f: {  	[tilespmem:s19+$0xFFFFFFD0] =	vst v16  }
0x220: {  	[tilespmem:s19+$0x10] =	vst v15  }
0x221: {  	[tilespmem:s19+$0xFFFFFFC0] =	vst v11;
	s19 =	smov.u32 s29  }
0x222: {  	v11 =	vld.idx.msk [tilespmem:v12+s21+$0x0], $0xffff;
	_ =	sdelay $0x5  }
0x223: {  	vm8 =	veq.s32 v11, $0x0;
	vm9 =	veq.s32 v11, $0x10;
	vm10 =	veq.s32 v11, $0x20  }
0x224: {  	vm11 =	veq.s32 v11, $0x30;
	vm12 =	veq.s32 v11, $0x40;
	vm13 =	veq.s32 v11, $0x50  }
0x225: {  	v12 =	vnsel vm11, $0x0, v10;
	v13 =	vnsel vm12, $0x0, v10;
	vm11 =	veq.s32 v11, $0x60  }
0x226: {  	v14 =	vnsel vm11, $0x0, v10;
	vm11 =	veq.s32 v11, $0x70;
	[tilespmem:s2+$0x0] =	vst v13;
	v13 =	vnsel vm13, $0x0, v10  }
0x227: {  	v15 =	vnsel vm9, $0x0, v10;
	v11 =	vnsel vm8, $0x0, v10;
	[tilespmem:s2+$0x10] =	vst v13;
	v13 =	vnsel vm11, $0x0, v10  }
0x228: {  	v10 =	vnsel vm10, $0x0, v10;
	[tilespmem:s2+$0xFFFFFFC0] =	vst v11  }
0x229: {  	[tilespmem:s2+$0x30] =	vst v13  }
0x22a: {  	[tilespmem:s2+$0xFFFFFFD0] =	vst v15  }
0x22b: {  	[tilespmem:s2+$0xFFFFFFE0] =	vst v10  }
0x22c: {  	[tilespmem:s2+$0xFFFFFFF0] =	vst v12  }
0x22d: {  	[tilespmem:s2+$0x20] =	vst v14;
	s2 =	smov.u32 s13  }
0x22e: {  	v10 =	vld [tilespmem:s4+$0xFFFFFFC0]  }
0x22f: {  	v11 =	vld [tilespmem:s26+$0xFFFFFFC0];
	_ =	sdelay $0x3  }
0x230: {  	v12 =	vld [tilespmem:s23+$0xFFFFFFC0]  }
0x231: {  	v10 =	vmul.f32 v11, v10;
	_ =	sdelay $0x1  }
0x232: {  	v10 =	vmul.f32 $2.500000000e-01, v10;
	_ =	sdelay $0x1  }
0x233: {  	v10 =	vmul.f32 v10, v12;
	_ =	sdelay $0x1  }
0x234: {  	[tilespmem:s23+$0xFFFFFFC0] =	vst v10;
	(xrf2) =	vadd.scan.msk.f32 $0xffff, v10  }
0x235: {  	v10 =	vld [tilespmem:s26+$0xFFFFFFD0]  }
0x236: {  	v11 =	vld [tilespmem:s4+$0xFFFFFFD0];
	_ =	sdelay $0x3  }
0x237: {  	v12 =	vld [tilespmem:s23+$0xFFFFFFD0]  }
0x238: {  	v13 =	vmul.f32 v10, v11;
	_ =	sdelay $0x1  }
0x239: {  	v11 =	vmul.f32 $2.500000000e-01, v13  }
0x23a: {  	v10, _, _ =	vpop (xrf2)  }
0x23b: {  	v10 =	vperm.xlane v10, v1;
	v11 =	vmul.f32 v11, v12;
	_ =	sdelay $0x1  }
0x23c: {  	[tilespmem:s23+$0xFFFFFFD0] =	vst v11;
	(xrf2) =	vadd.scan.msk.f32 $0xffff, v11  }
0x23d: {  	v11 =	vld [tilespmem:s4+$0xFFFFFFE0]  }
0x23e: {  	v12 =	vld [tilespmem:s26+$0xFFFFFFE0];
	_ =	sdelay $0x3  }
0x23f: {  	v13 =	vld [tilespmem:s23+$0xFFFFFFE0]  }
0x240: {  	v11 =	vmul.f32 v12, v11;
	_ =	sdelay $0x1  }
0x241: {  	v11 =	vmul.f32 $2.500000000e-01, v11  }
0x242: {  	v12, _, _ =	vpop (xrf2)  }
0x243: {  	v12 =	vperm.xlane v12, v1;
	v11 =	vmul.f32 v11, v13;
	_ =	sdelay $0x1  }
0x244: {  	[tilespmem:s23+$0xFFFFFFE0] =	vst v11;
	(xrf2) =	vadd.scan.msk.f32 $0xffff, v11  }
0x245: {  	v11 =	vld [tilespmem:s4+$0xFFFFFFF0]  }
0x246: {  	v13 =	vld [tilespmem:s26+$0xFFFFFFF0];
	_ =	sdelay $0x3  }
0x247: {  	v14 =	vld [tilespmem:s23+$0xFFFFFFF0]  }
0x248: {  	v11 =	vmul.f32 v13, v11;
	_ =	sdelay $0x1  }
0x249: {  	v11 =	vmul.f32 $2.500000000e-01, v11  }
0x24a: {  	v13, _, _ =	vpop (xrf2)  }
0x24b: {  	v13 =	vperm.xlane v13, v1;
	v11 =	vmul.f32 v11, v14;
	_ =	sdelay $0x1  }
0x24c: {  	[tilespmem:s23+$0xFFFFFFF0] =	vst v11;
	(xrf2) =	vadd.scan.msk.f32 $0xffff, v11  }
0x24d: {  	v11 =	vld [tilespmem:s4+$0x0]  }
0x24e: {  	v14 =	vld [tilespmem:s26+$0x0];
	_ =	sdelay $0x3  }
0x24f: {  	v15 =	vld [tilespmem:s23+$0x0]  }
0x250: {  	v11 =	vmul.f32 v14, v11;
	_ =	sdelay $0x1  }
0x251: {  	v11 =	vmul.f32 $2.500000000e-01, v11  }
0x252: {  	v14, _, _ =	vpop (xrf2)  }
0x253: {  	v14 =	vperm.xlane v14, v1;
	v11 =	vmul.f32 v11, v15;
	_ =	sdelay $0x1  }
0x254: {  	[tilespmem:s23+$0x0] =	vst v11;
	(xrf2) =	vadd.scan.msk.f32 $0xffff, v11  }
0x255: {  	v11 =	vld [tilespmem:s4+$0x10]  }
0x256: {  	v15 =	vld [tilespmem:s26+$0x10];
	_ =	sdelay $0x3  }
0x257: {  	v16 =	vld [tilespmem:s23+$0x10]  }
0x258: {  	v11 =	vmul.f32 v15, v11;
	_ =	sdelay $0x1  }
0x259: {  	v11 =	vmul.f32 $2.500000000e-01, v11  }
0x25a: {  	v15, _, _ =	vpop (xrf2)  }
0x25b: {  	v15 =	vperm.xlane v15, v1;
	v11 =	vmul.f32 v11, v16;
	_ =	sdelay $0x1  }
0x25c: {  	[tilespmem:s23+$0x10] =	vst v11;
	(xrf2) =	vadd.scan.msk.f32 $0xffff, v11  }
0x25d: {  	v11 =	vld [tilespmem:s4+$0x20]  }
0x25e: {  	v16 =	vld [tilespmem:s26+$0x20];
	_ =	sdelay $0x3  }
0x25f: {  	v17 =	vld [tilespmem:s23+$0x20]  }
0x260: {  	v11 =	vmul.f32 v16, v11;
	_ =	sdelay $0x1  }
0x261: {  	v11 =	vmul.f32 $2.500000000e-01, v11  }
0x262: {  	v16, _, _ =	vpop (xrf2)  }
0x263: {  	v16 =	vperm.xlane v16, v1;
	v11 =	vmul.f32 v11, v17;
	_ =	sdelay $0x1  }
0x264: {  	[tilespmem:s23+$0x20] =	vst v11;
	(xrf2) =	vadd.scan.msk.f32 $0xffff, v11  }
0x265: {  	v11 =	vld [tilespmem:s4+$0x30]  }
0x266: {  	v17 =	vld [tilespmem:s26+$0x30];
	_ =	sdelay $0x3  }
0x267: {  	v18 =	vld [tilespmem:s23+$0x30]  }
0x268: {  	v11 =	vmul.f32 v17, v11;
	_ =	sdelay $0x1  }
0x269: {  	v11 =	vmul.f32 $2.500000000e-01, v11  }
0x26a: {  	v17, _, _ =	vpop (xrf2)  }
0x26b: {  	v17 =	vperm.xlane v17, v1;
	v11 =	vmul.f32 v11, v18  }
0x26c: {  	v10 =	vnsel vm0, $0x0, v10  }
0x26d: {  	v10 =	vsel vm1, v10, v12;
	(xrf2) =	vadd.scan.msk.f32 $0xffff, v11  }
0x26e: {  	v10 =	vsel vm2, v10, v13  }
0x26f: {  	v10 =	vsel vm3, v10, v14  }
0x270: {  	v10 =	vsel vm4, v10, v15  }
0x271: {  	v10 =	vsel vm5, v10, v16  }
0x272: {  	v10 =	vsel vm6, v10, v17;
	_ =	sdelay $0x4  }
0x273: {  	v12, _, _ =	vpop (xrf2)  }
0x274: {  	v12 =	vperm.xlane v12, v1;
	_ =	sdelay $0x1  }
0x275: {  	v10 =	vsel vm7, v10, v12  }
0x276: {  	v10 =	vmax.f32 v10, $-5.000000000e+00  }
0x277: {  	v10 =	vmin.f32 v10, $5.000000000e+00  }
0x278: {  	v10 =	vmul.f32 $1.442695020e+00, v10;
	_ =	sdelay $0x1  }
0x279: {  	(erf) = vpow2.f32 v10;
	_ =	sdelay $0x5  }
0x27a: {  	[tilespmem:s23+$0x30] =	vst v11  }
0x27b: {  	v23 =	vld [tilespmem:s29+$0xFFFFFFF0]  }
0x27c: {  	v12 =	vld [tilespmem:s29+$0x30]  }
0x27d: {  	v22 =	vld [tilespmem:s29+$0x20];
	v10 =	vpop (erf)  }
0x27e: {  	v11 =	vperm.xlane v10, v2;
	v15 =	vld [tilespmem:s29+$0x10];
	v14 =	vperm.xlane v10, v9  }
.Ltmp9:
0x27f: {  	v13 =	vperm.xlane v10, v4;
	v20 =	vperm.xlane v10, v6;
	v19 =	vld [tilespmem:s29+$0x0];
	(pc) =	sbr.rel @p0 .LBB2_14-.Ltmp9, $4  }
0x280: {  	v24 =	vperm.xlane v10, v8;
	v16 =	vld [tilespmem:s29+$0xFFFFFFD0]  }
0x281: {  	v25 =	vperm.xlane v10, v5;
	v18 =	vld [tilespmem:s29+$0xFFFFFFE0]  }
0x282: {  	v21 =	vperm.xlane v10, v7;
	v17 =	vld [tilespmem:s29+$0xFFFFFFC0];
	v24 =	vmul.f32 v22, v24  }
0x283: {  	s13 =	sadd.s32 $0x80, s13;
	v23 =	vmul.f32 v23, v25;
	v22 =	vperm.xlane v10, v3;
	s29 =	sadd.s32 $0x80, s29  }
0x284: {  	v19 =	vmul.f32 v19, v20;
	[tilespmem:s19+$0x20] =	vst v24  }
0x285: {  	v12 =	vmul.f32 v12, v14;
	[tilespmem:s19+$0xFFFFFFF0] =	vst v23  }
0x286: {  	v15 =	vmul.f32 v15, v21;
	[tilespmem:s19+$0x0] =	vst v19  }
0x287: {  	v56 =	vmov s18;
	v55 =	vmul.f32 v16, v22;
	[tilespmem:s19+$0x30] =	vst v12  }
0x288: {  	v13 =	vmul.f32 v18, v13;
	[tilespmem:s19+$0x10] =	vst v15  }
0x289: {  	v11 =	vmul.f32 v17, v11;
	[tilespmem:s19+$0xFFFFFFD0] =	vst v55  }
0x28a: {  	[tilespmem:s19+$0xFFFFFFE0] =	vst v13  }
0x28b: {  	[tilespmem:s19+$0xFFFFFFC0] =	vst v11  }
0x28c: {  	v11 =	vld.idx.msk [tilespmem:v56+s21+$0x0], $0xffff;
	_ =	sdelay $0x4  }
0x28d: {  	vm8 =	veq.s32 v11, $0x40  }
0x28e: {  	vm9 =	veq.s32 v11, $0x50;
	v57 =	vnsel vm8, $0x0, v10  }
0x28f: {  	vm14 =	veq.s32 v11, $0x70;
	v58 =	vnsel vm9, $0x0, v10;
	[tilespmem:s2+$0x0] =	vst v57  }
0x290: {  	vm15 =	veq.s32 v11, $0x20;
	v60 =	vnsel vm14, $0x0, v10;
	[tilespmem:s2+$0x10] =	vst v58  }
0x291: {  	vm8 =	veq.s32 v11, $0x0;
	v62 =	vnsel vm15, $0x0, v10;
	[tilespmem:s2+$0x30] =	vst v60  }
0x292: {  	v59 =	vnsel vm8, $0x0, v10;
	vm8 =	veq.s32 v11, $0x10;
	[tilespmem:s2+$0xFFFFFFE0] =	vst v62  }
0x293: {  	[tilespmem:s2+$0xFFFFFFC0] =	vst v59;
	v61 =	vnsel vm8, $0x0, v10;
	vm8 =	veq.s32 v11, $0x30  }
0x294: {  	[tilespmem:s2+$0xFFFFFFD0] =	vst v61;
	v63 =	vnsel vm8, $0x0, v10;
	vm8 =	veq.s32 v11, $0x60  }
0x295: {  	s3 =	sshll.u32 s3, $0x9;
	s20 =	rddreg [dreg:$0x3];
	v10 =	vnsel vm8, $0x0, v10;
	[tilespmem:s2+$0xFFFFFFF0] =	vst v63  }
0x296: {  	s23 =	simm.s32 $0x280;
	s18 =	sadd.s32 s11, s3;
	s19 =	simm.s32 $0x7500;
	[tilespmem:s2+$0x20] =	vst v10  }
0x297: {  	[hbm4b:s18+s5] =	stream.linear.scatter [tilespmem:s19], [sflag:$0xC], $0x1000, $0x38;
	[tilespmem:$0x1F580] =	vst v63  }
0x298: {  	s4 =	simm.s32 $0x5500;
	s26 =	rddreg [dreg:$0x4];
	p0 =	sgt.u32 s31, $0x26AF  }
0x299: {  	[spmem:s20] =	stream.indirect.scatter.add.f32 [tilespmem:s4], [sflag:$0xE], $0x80, s23, s22, $0xb8;
	[tilespmem:$0x1F580] =	vst v63  }
0x29a: {  	s28 =	simm.s32 $0x8500;
	s29 =	simm.s32 $0x380;
	s2 =	sshll.u32 @!p0 s31, $0x2  }
0x29b: {  	[spmem:s26] =	stream.indirect.scatter.add.f32 [tilespmem:s28], [sflag:$0x10], $0x80, s29, s22, $0xb8;
	[tilespmem:$0x1F580] =	vst v63  }
.Ltmp10:
0x29c: {  	s2 =	sadd.s32 @!p0 $0x180, s2;
	(pc) =	sbr.rel .LBB2_16-.Ltmp10, $4  }
0x29d: {  	s13 =	simm.s32 @!p0 $0x80;
	s3 =	sadd.s32 @!p0 s9, s2;
	s4 =	simm.s32 @!p0 $0x0  }
0x29e: {  	[tilespmem:s13], [sflag:$0xA] =	stream.linear.gather @!p0 [hbm4b:s3+s4], $0x20, $0x38;
	[tilespmem:$0x1F580] =	vst v63  }
0x29f: {  	s2 =	sadd.s32 @!p0 s10, s2;
	s3 =	simm.s32 @!p0 $0x180  }
0x2a0: {  	[tilespmem:s3], [sflag:$0xA] =	stream.linear.gather @!p0 [hbm4b:s2+s4], $0x20, $0x38;
	[tilespmem:$0x1F580] =	vst v63  }
.LBB2_17:
0x2a1: {  	s2 =	simm.s32 $0xB  }
0x2a2: {  	_ =	swait.ge [sflag:s2], $0x1000  }
0x2a3: {  	[sflag:s2] =	ssyncset.done $0x0  }
0x2a4: {  	s28 =	simm.s32 $0xD;
	[sflag:s2] =	ssyncadd.s32 $0xFFFFF000  }
0x2a5: {  	_ =	swait.ge [sflag:s28], $0x1000  }
0x2a6: {  	[sflag:s28] =	ssyncset.done $0x0  }
0x2a7: {  	s29 =	simm.s32 $0xC;
	[sflag:s28] =	ssyncadd.s32 $0xFFFFF000  }
0x2a8: {  	_ =	swait.ge [sflag:s29], $0x1000  }
0x2a9: {  	[sflag:s29] =	ssyncset.done $0x0  }
0x2aa: {  	s30 =	simm.s32 $0xE;
	[sflag:s29] =	ssyncadd.s32 $0xFFFFF000  }
0x2ab: {  	_ =	swait.ge [sflag:s30], $0x1000  }
0x2ac: {  	[sflag:s30] =	ssyncset.done $0x0  }
0x2ad: {  	s3 =	rddreg [dreg:$0x11];
	[sflag:s30] =	ssyncadd.s32 $0xFFFFF000  }
0x2ae: {  	_ =	swait.ge [sflag:s3], $0x1000  }
0x2af: {  	[sflag:s3] =	ssyncset.done $0x0  }
0x2b0: {  	s31 =	sadd.s32 $0x0, s6;
	[sflag:s3] =	ssyncadd.s32 $0xFFFFF000  }
0x2b1: {  	p0 =	sgt.u32 s31, $0x270;
	[bflag:$0x0] =	sbarrier.arrive $0xFFFF  }
0x2b2: {  	s13 =	simm.s32 @!p0 $0x11;
	s2 =	sshll.u32 @!p0 s6, $0x6;
	s23 =	rddreg [dreg:$0x13]  }
0x2b3: {  	s2 =	sor.u32 @!p0 $0x1C11, s2;
	s19 =	rddreg [dreg:$0x14];
	s3 =	sshrl.u32 @!p0 s23, $0x3  }
0x2b4: {  	[hbm:s19], [sflag:s2] =	dma.local @!p0 [spmem:s3], $0x100  }
0x2b5: {  	s4 =	simm.s32 $0x20;
	s18 =	sadd.s32 $0x10, s6;
	_ =	swait.ge @!p0 [sflag:s13], $0x100  }
0x2b6: {  	s2 =	sadd.s32 $0x8000, s23;
	s3 =	sadd.s32 $0x1000, s19;
	[sflag:s13] =	ssyncset.done @!p0 $0x0  }
.LBB2_18:
0x2b7: {  	[sflag:s13] =	ssyncadd.s32 @!p0 $0xFFFFFF00  }
0x2b8: {  	p0 =	sgt.u32 s18, $0x270;
	s18 =	smov.u32 s4;
	s4 =	sadd.s32 $0x10, s4  }
0x2b9: {  	p1 =	sne.s32 s4, $0x280  }
.Ltmp11:
0x2ba: {  	s13 =	sshll.u32 @!p0 s6, $0x6;
	s19 =	sshrl.u32 @!p0 s2, $0x3;
	(pc) =	sbr.rel @p1 .LBB2_18-.Ltmp11, $4  }
0x2bb: {  	s20 =	sor.u32 @!p0 $0x1C11, s13;
	s13 =	simm.s32 @!p0 $0x11  }
0x2bc: {  	[hbm:s3], [sflag:s20] =	dma.local @!p0 [spmem:s19], $0x100  }
0x2bd: {  	s2 =	sadd.s32 $0x8000, s2;
	_ =	swait.ge @!p0 [sflag:s13], $0x100  }
0x2be: {  	s18 =	sadd.s32 s18, s6;
	s3 =	sadd.s32 $0x1000, s3;
	[sflag:s13] =	ssyncset.done @!p0 $0x0  }
0x2bf: {  	p1 =	sgt.u32 s18, $0x270  }
0x2c0: {  	[sflag:s13] =	ssyncadd.s32 @!p0 $0xFFFFFF00;
	s4 =	sshll.u32 @!p1 s6, $0x6  }
0x2c1: {  	s2 =	sshrl.u32 @!p1 s2, $0x3;
	s13 =	simm.s32 @!p1 $0x11;
	s4 =	sor.u32 @!p1 $0x1C11, s4  }
0x2c2: {  	[hbm:s3], [sflag:s4] =	dma.local @!p1 [spmem:s2], $0x100  }
0x2c3: {  	s4 =	sshll.u32 s6, $0x6;
	_ =	swait.ge @!p1 [sflag:s13], $0x100  }
0x2c4: {  	s2 =	sor.u32 $0x1C11, s4;
	[sflag:s13] =	ssyncset.done @!p1 $0x0;
	s19 =	rddreg [dreg:$0x12]  }
0x2c5: {  	s20 =	rddreg [dreg:$0x6];
	[sflag:s13] =	ssyncadd.s32 @!p1 $0xFFFFFF00;
	s18 =	sshrl.u32 s19, $0x3  }
0x2c6: {  	[hbm:s20], [sflag:s2] =	dma.local [spmem:s18], $0x100  }
0x2c7: {  	s20 =	simm.s32 $0x11  }
0x2c8: {  	_ =	swait.ge [sflag:s20], $0x100  }
0x2c9: {  	[sflag:s20] =	ssyncset.done $0x0;
	s26 =	rddreg [dreg:$0x7]  }
0x2ca: {  	s29 =	rddreg [dreg:$0x15];
	[sflag:s20] =	ssyncadd.s32 $0xFFFFFF00  }
0x2cb: {  	[hbm:s26], [sflag:s2] =	dma.local [spmem:s29], $0x100  }
0x2cc: {  	_ =	swait.ge [sflag:s20], $0x100  }
0x2cd: {  	[sflag:s20] =	ssyncset.done $0x0;
	s30 =	rddreg [dreg:$0x8]  }
0x2ce: {  	s31 =	rddreg [dreg:$0x16];
	[sflag:s20] =	ssyncadd.s32 $0xFFFFFF00  }
0x2cf: {  	[hbm:s30], [sflag:s2] =	dma.local [spmem:s31], $0x100  }
0x2d0: {  	_ =	swait.ge [sflag:s20], $0x100  }
0x2d1: {  	[sflag:s20] =	ssyncset.done $0x0;
	s13 =	rddreg [dreg:$0x9]  }
0x2d2: {  	s18 =	rddreg [dreg:$0x17];
	[sflag:s20] =	ssyncadd.s32 $0xFFFFFF00  }
0x2d3: {  	[hbm:s13], [sflag:s2] =	dma.local [spmem:s18], $0x100  }
0x2d4: {  	_ =	swait.ge [sflag:s20], $0x100  }
0x2d5: {  	[sflag:s20] =	ssyncset.done $0x0;
	s26 =	rddreg [dreg:$0xa]  }
0x2d6: {  	s29 =	rddreg [dreg:$0x18];
	[sflag:s20] =	ssyncadd.s32 $0xFFFFFF00  }
0x2d7: {  	[hbm:s26], [sflag:s2] =	dma.local [spmem:s29], $0x100  }
0x2d8: {  	_ =	swait.ge [sflag:s20], $0x100  }
0x2d9: {  	s30 =	rddreg [dreg:$0x1e]  }
0x2da: {  	s31 =	rddreg [dreg:$0x10];
	s3 =	sadd.s32 $0x1, s30  }
0x2db: {  	p0 =	sne.s32 s3, s31  }
.Ltmp12:
0x2dc: {  	_ = 	snop;
	(pc) =	sbr.rel @p0 .LBB2_1-.Ltmp12, $3  }
0x2dd: {  	_ =	sdelay $0x1  }
0x2de: {  	[sflag:s20] =	ssyncset.done $0x0  }
0x2df: {  	s28 =	simm.s32 $0x6500;
	[sflag:s20] =	ssyncadd.s32 $0xFFFFFF00  }
0x2e0: {  	_ =	sfence.sel $0x180000  }
0x2e1: {  	[bflag:$0x0] =	sbarrier.arrive $0xFFFF  }
0x2e2: {  	_ =	strace $0x90000047  }
0x2e3: {  	[bflag:$0x2] =	sbarrier.arrive $0xFFFF  }
0x2e4: {  	p0 =	sne.s32 s6, $0x0;
	s0 =	rddreg [dreg:$0x5]  }
0x2e5: {  	s0 =	sadd.s32 @!p0 $0x100000, s0  }
0x2e6: {  	[sflag:s0] =	ssyncadd.tile.s32 @!p0 $0x1;
	_ =	shalt  }
.Lfunc_end2:
_tile_overlayer_lowered:
.L_overlay_start_2:
0x2e7: {  	(tag) =	ssettag $0x2  }
0x2e8: {  	s0 =	rddreg [dreg:$0x0];
	s2 =	stileid.u32  }
0x2e9: {  	s1 =	rddreg [dreg:$0x1];
	p0 =	sne.s32 s2, $0x0  }
0x2ea: {  	s3 =	rddreg [dreg:$0x2];
	[bflag:$0x3] =	sbarrier.arrive $0xFFFF;
	s2 =	simm.s32 @!p0 $0x1C11  }
0x2eb: {  	[timem:s3], [sflag:s2] =	dma.local @!p0 [hbm:s0], s1  }
0x2ec: {  	s0 =	simm.s32 @!p0 $0x11  }
0x2ed: {  	_ =	swait.ge @!p0 [sflag:s0], s1  }
0x2ee: {  	s1 =	ssub.s32 @!p0 $0x0, s1;
	[sflag:s0] =	ssyncset.done @!p0 $0x0  }
0x2ef: {  	[sflag:s0] =	ssyncadd.s32 @!p0 s1  }
0x2f0: {  	[bflag:$0x3] =	sbarrier.arrive $0xFFFF  }
0x2f1: {  	_ =	shalt  }

</sc_bundles>
